<compile_context>
chip_gen: v7x
topology: tpu7x:2x2x1
jax: 0.10.2.dev20260603
libtpu: 0.0.44.dev20260713+nightly
codegen_flags: <defaults>
</compile_context>

<pallas_src>
import functools

import jax
import jax.numpy as jnp
from jax import lax
from jax.experimental import pallas as pl
from jax.experimental.pallas import tpu as pltpu
from jax.experimental.pallas import tpu_sc as plsc

N_DRUGS = 1000
N_LINES = 100000
BATCH = 16384
N_CONC = 20

NC = 2
NS = 16
NW = NC * NS
BPW = BATCH // NW
CHUNK = 128
NCH = BPW // CHUNK
LANES = 16
WIN = CHUNK
LINE_WORDS = BPW * WIN

_mesh = plsc.VectorSubcoreMesh(
    core_axis_name="c", subcore_axis_name="s", num_cores=NC, num_subcores=NS
)

_vec = jax.ShapeDtypeStruct((BATCH,), jnp.float32)


@functools.partial(
    pl.kernel,
    out_type=(_vec, _vec, _vec, _vec),
    mesh=_mesh,
    compiler_params=pltpu.CompilerParams(
        use_tc_tiling_on_sc=True,
        disable_bounds_checks=True,
        disable_semaphore_checks=True,
        skip_device_barrier=True,
    ),
    scratch_types=[
        pltpu.VMEM((BPW,), jnp.int32),
        pltpu.VMEM((BPW,), jnp.int32),
        pltpu.VMEM((NCH, CHUNK), jnp.int32),
        pltpu.VMEM_SHARED((NS * LINE_WORDS,), jnp.float32),
        pltpu.VMEM((BPW,), jnp.float32),
        pltpu.VMEM((BPW,), jnp.float32),
        pltpu.VMEM((BPW,), jnp.float32),
        pltpu.VMEM((BPW,), jnp.float32),
        pltpu.VMEM((BPW,), jnp.float32),
        pltpu.SemaphoreType.DMA,
        pltpu.SemaphoreType.DMA,
    ],
)
def _sc_gather(d_hbm, l_hbm, b1_hbm, b2_hbm, b3_hbm, b4_hbm, b4ld_hbm,
               b1_out, b2_out, b3_out, b4_out,
               lidx, didx, fidx, lines, b1v, b2v, b3v, b4v, b4e, sem, wsem):
    wid = lax.axis_index("s") * NC + lax.axis_index("c")
    base = wid * BPW
    lane_iota = lax.iota(jnp.int32, LANES)
    sid = lax.axis_index("s")
    sbase = sid * LINE_WORDS

    icp1 = pltpu.async_copy(l_hbm.at[pl.ds(base, BPW)], lidx, sem)
    icp2 = pltpu.async_copy(d_hbm.at[pl.ds(base, BPW)], didx, sem)
    icp1.wait()
    icp2.wait()

    def wave(q, carry):
        lvec = lidx[pl.ds(q * LANES, LANES)]
        dvec = didx[pl.ds(q * LANES, LANES)]
        for u in range(LANES):
            i = q * LANES + u
            lt = (lvec[u] // WIN) * WIN
            pltpu.async_copy(
                b4ld_hbm.at[pl.ds(dvec[u], 1), pl.ds(lt, WIN)].at[0],
                lines.at[pl.ds(sbase + i * WIN, WIN)], wsem)
        return carry

    lax.fori_loop(0, BPW // LANES, wave, 0)

    copies = []
    for k in range(NCH):
        isl = pl.ds(k * CHUNK, CHUNK)
        copies.append(pltpu.async_copy(b1_hbm.at[lidx.at[isl]], b1v.at[isl], sem))
        copies.append(pltpu.async_copy(b2_hbm.at[lidx.at[isl]], b2v.at[isl], sem))
        copies.append(pltpu.async_copy(b3_hbm.at[lidx.at[isl]], b3v.at[isl], sem))
        copies.append(pltpu.async_copy(b4_hbm.at[lidx.at[isl]], b4v.at[isl], sem))

    for k in range(NCH):
        for j in range(CHUNK // LANES):
            i0 = k * CHUNK + j * LANES
            sl = pl.ds(i0, LANES)
            lv = lidx[sl]
            fidx[k, pl.ds(j * LANES, LANES)] = (
                sbase + (lane_iota + i0) * WIN + (lv & (WIN - 1)))

    pltpu.make_async_copy(
        b1_hbm.at[pl.ds(0, LINE_WORDS)],
        lines.at[pl.ds(sbase, LINE_WORDS)], wsem).wait()

    ecopies = []
    for k in range(NCH):
        dsl = pl.ds(k * CHUNK, CHUNK)
        ecopies.append(pltpu.async_copy(
            lines.at[fidx.at[k]], b4e.at[dsl], wsem))
    for cp in ecopies:
        cp.wait()
    for cp in copies:
        cp.wait()

    for g in range(BPW // LANES):
        sl = pl.ds(g * LANES, LANES)
        b4v[sl] = b4v[sl] + b4e[sl]

    pltpu.sync_copy(b1v, b1_out.at[pl.ds(base, BPW)])
    pltpu.sync_copy(b2v, b2_out.at[pl.ds(base, BPW)])
    pltpu.sync_copy(b3v, b3_out.at[pl.ds(base, BPW)])
    pltpu.sync_copy(b4v, b4_out.at[pl.ds(base, BPW)])


def _tc_body(ct_ref, b1_ref, b2_ref, b3_ref, b4_ref, o_ref):
    b1 = b1_ref[...][None, :]
    b2 = b2_ref[...][None, :]
    b3 = b3_ref[...][None, :]
    b4 = b4_ref[...][None, :]
    ct = ct_ref[...]
    o_ref[...] = b1 + (b2 - b1) * jax.nn.sigmoid(b4 * (ct - b3))


_tc_sigmoid = pl.pallas_call(
    _tc_body,
    out_shape=jax.ShapeDtypeStruct((N_CONC, BATCH), jnp.float32),
    grid=(4,),
    in_specs=[
        pl.BlockSpec((N_CONC, BATCH // 4), lambda i: (0, i)),
        pl.BlockSpec((BATCH // 4,), lambda i: (i,)),
        pl.BlockSpec((BATCH // 4,), lambda i: (i,)),
        pl.BlockSpec((BATCH // 4,), lambda i: (i,)),
        pl.BlockSpec((BATCH // 4,), lambda i: (i,)),
    ],
    out_specs=pl.BlockSpec((N_CONC, BATCH // 4), lambda i: (0, i)),
)


def kernel(d, l, c, B1l, B2l, B3l, B4l, B4ld):
    b1, b2, b3, b4 = _sc_gather(d, l, B1l, B2l, B3l, B4l, B4ld.T)
    return _tc_sigmoid(c.T, b1, b2, b3, b4).T

# --- scband reference (transcript-rebuilt; emitter-appended) ---
"""Pipeline reference for scband-sigmoid-model-1443109012068 (READ-ONLY COPY).

The authoritative reference and input builder live on the scoring server;
editing this copy changes nothing except your own understanding.
"""

import jax, jax.numpy as jnp
import numpy as np

N_DRUGS = 1000
N_LINES = 100000
BATCH = 16384
N_CONC = 20


def setup_inputs(seed: int = 0) -> dict:
    key = jax.random.key(seed)
    k1, k2, k3, k4, k5, k6, k7, k8 = jax.random.split(key, 8)
    d = jax.random.randint(k1, (BATCH,), 0, N_DRUGS, dtype=jnp.int32)
    l = jax.random.randint(k2, (BATCH,), 0, N_LINES, dtype=jnp.int32)
    c = jax.random.uniform(k3, (BATCH, N_CONC), dtype=jnp.float32)
    B1l = jax.random.normal(k4, (N_LINES,), dtype=jnp.float32)
    B2l = jax.random.normal(k5, (N_LINES,), dtype=jnp.float32)
    B3l = jax.random.normal(k6, (N_LINES,), dtype=jnp.float32)
    B4l = jax.random.normal(k7, (N_LINES,), dtype=jnp.float32)
    B4ld = jax.random.normal(k8, (N_LINES, N_DRUGS), dtype=jnp.float32)
    return {"d": d, "l": l, "c": c, "B1l": B1l, "B2l": B2l, "B3l": B3l, "B4l": B4l, "B4ld": B4ld}


def reference(d, l, c, B1l, B2l, B3l, B4l, B4ld):
    # Faithful translation of SigmoidModel.forward (parameters=4 path)
    B1 = jnp.take(B1l, l, axis=0)[:, None]
    B2 = jnp.take(B2l, l, axis=0)[:, None]
    B3 = jnp.take(B3l, l, axis=0)[:, None]
    B4 = jnp.take(B4l, l, axis=0)[:, None] + B4ld[l, d][:, None]
    return B1 + (B2 - B1) * jax.nn.sigmoid(B4 * (c - B3))

if __name__ == "__main__":
    import jax
    _d = setup_inputs()
    print(jax.jit(kernel)(*tuple(_d.values())))

</pallas_src>

<mosaic_0001>
#map = affine_map<(d0, d1) -> (0)>
#map1 = affine_map<(d0, d1) -> (0, 0)>
module attributes {stable_mosaic.version = 14 : i64} {
  func.func @_sc_gather(%arg0: i32, %arg1: i32, %arg2: memref<16384xi32, #tpu.memory_space<hbm>>, %arg3: memref<16384xi32, #tpu.memory_space<hbm>>, %arg4: memref<100000xf32, #tpu.memory_space<hbm>>, %arg5: memref<100000xf32, #tpu.memory_space<hbm>>, %arg6: memref<100000xf32, #tpu.memory_space<hbm>>, %arg7: memref<100000xf32, #tpu.memory_space<hbm>>, %arg8: memref<1000x100000xf32, #tpu.memory_space<hbm>>, %arg9: memref<16384xf32, #tpu.memory_space<hbm>>, %arg10: memref<16384xf32, #tpu.memory_space<hbm>>, %arg11: memref<16384xf32, #tpu.memory_space<hbm>>, %arg12: memref<16384xf32, #tpu.memory_space<hbm>>, %arg13: memref<512xi32, #tpu.memory_space<vmem>>, %arg14: memref<512xi32, #tpu.memory_space<vmem>>, %arg15: memref<4x128xi32, #tpu.memory_space<vmem>>, %arg16: memref<1048576xf32, #tpu.memory_space<vmem_shared>>, %arg17: memref<512xf32, #tpu.memory_space<vmem>>, %arg18: memref<512xf32, #tpu.memory_space<vmem>>, %arg19: memref<512xf32, #tpu.memory_space<vmem>>, %arg20: memref<512xf32, #tpu.memory_space<vmem>>, %arg21: memref<512xf32, #tpu.memory_space<vmem>>, %arg22: memref<!tpu.dma_semaphore, #tpu.memory_space<semaphore_mem>>, %arg23: memref<!tpu.dma_semaphore, #tpu.memory_space<semaphore_mem>>) attributes {dimension_semantics = [#tpu.dimension_semantics<core_parallel>, #tpu.dimension_semantics<subcore_parallel>], iteration_bounds = array<i64: 2, 16>, scalar_prefetch = 0 : i64, scratch_operands = 11 : i64, tpu.core_type = #tpu.core_type<sc_vector_subcore>, window_params = [{transform_indices = #map}, {transform_indices = #map}, {transform_indices = #map}, {transform_indices = #map}, {transform_indices = #map}, {transform_indices = #map}, {transform_indices = #map1}, {transform_indices = #map}, {transform_indices = #map}, {transform_indices = #map}, {transform_indices = #map}]} {
    %mul3A = arith.constant 2 : i32
    %mul3A_0 = arith.muli %arg1, %mul3A : i32
    %add3A = arith.addi %mul3A_0, %arg0 : i32
    %mul3A_1 = arith.constant 512 : i32
    %mul3A_2 = arith.muli %add3A, %mul3A_1 : i32
    %iota3A = tpu.iota {dimensions = array<i32: 0>} : vector<16xi32>
    %mul3A_3 = arith.constant 65536 : i32
    %mul3A_4 = arith.muli %arg1, %mul3A_3 : i32
    %dma_start3A = tpu.memref_slice %arg3[%mul3A_2] : memref<16384xi32, #tpu.memory_space<hbm>> -> memref<512xi32, #tpu.memory_space<hbm>>
    %dma_start3A_5 = tpu.memref_slice %arg3[%mul3A_2] : memref<16384xi32, #tpu.memory_space<hbm>> -> memref<512xi32, #tpu.memory_space<hbm>>
    tpu.enqueue_dma source(%dma_start3A_5 : memref<512xi32, #tpu.memory_space<hbm>>) target(%arg13 : memref<512xi32, #tpu.memory_space<vmem>>) target_semaphore(%arg22 : memref<!tpu.dma_semaphore, #tpu.memory_space<semaphore_mem>>)
    %dma_start3A_6 = tpu.memref_slice %arg2[%mul3A_2] : memref<16384xi32, #tpu.memory_space<hbm>> -> memref<512xi32, #tpu.memory_space<hbm>>
    %dma_start3A_7 = tpu.memref_slice %arg2[%mul3A_2] : memref<16384xi32, #tpu.memory_space<hbm>> -> memref<512xi32, #tpu.memory_space<hbm>>
    tpu.enqueue_dma source(%dma_start3A_7 : memref<512xi32, #tpu.memory_space<hbm>>) target(%arg14 : memref<512xi32, #tpu.memory_space<vmem>>) target_semaphore(%arg22 : memref<!tpu.dma_semaphore, #tpu.memory_space<semaphore_mem>>)
    %dma_wait3A = tpu.memref_slice %arg3[%mul3A_2] : memref<16384xi32, #tpu.memory_space<hbm>> -> memref<512xi32, #tpu.memory_space<hbm>>
    %dma_wait3A_8 = tpu.memref_slice %arg3[%mul3A_2] : memref<16384xi32, #tpu.memory_space<hbm>> -> memref<512xi32, #tpu.memory_space<hbm>>
    tpu.wait_dma2 semaphore(%arg22 : memref<!tpu.dma_semaphore, #tpu.memory_space<semaphore_mem>>) src(%dma_wait3A_8 : memref<512xi32, #tpu.memory_space<hbm>>) dst(%arg13 : memref<512xi32, #tpu.memory_space<vmem>>)
    %dma_wait3A_9 = tpu.memref_slice %arg2[%mul3A_2] : memref<16384xi32, #tpu.memory_space<hbm>> -> memref<512xi32, #tpu.memory_space<hbm>>
    %dma_wait3A_10 = tpu.memref_slice %arg2[%mul3A_2] : memref<16384xi32, #tpu.memory_space<hbm>> -> memref<512xi32, #tpu.memory_space<hbm>>
    tpu.wait_dma2 semaphore(%arg22 : memref<!tpu.dma_semaphore, #tpu.memory_space<semaphore_mem>>) src(%dma_wait3A_10 : memref<512xi32, #tpu.memory_space<hbm>>) dst(%arg14 : memref<512xi32, #tpu.memory_space<vmem>>)
    %scan3A = arith.constant 0 : i32
    %scan3A_11 = arith.constant 0 : i32
    %scan3A_12 = arith.constant 32 : i32
    %scan3A_13 = arith.addi %scan3A_11, %scan3A_12 : i32
    %scan3A_14 = arith.constant 1 : i32
    scf.for %scan3A_1296 = %scan3A_11 to %scan3A_13 step %scan3A_14  : i32 {
      %mul3A_1297 = arith.constant 16 : i32
      %mul3A_1298 = arith.muli %scan3A_1296, %mul3A_1297 : i32
      %get3A_1299 = arith.index_cast %mul3A_1298 : i32 to index
      %get3A_1300 = tpu.vector_load %arg13[%get3A_1299] {strides = array<i32>} : memref<512xi32, #tpu.memory_space<vmem>>, vector<16xi32>,
      %get3A_1301 = vector.shape_cast %get3A_1300 : vector<16xi32> to vector<16xi32>
      %mul3A_1302 = arith.constant 16 : i32
      %mul3A_1303 = arith.muli %scan3A_1296, %mul3A_1302 : i32
      %get3A_1304 = arith.index_cast %mul3A_1303 : i32 to index
      %get3A_1305 = tpu.vector_load %arg14[%get3A_1304] {strides = array<i32>} : memref<512xi32, #tpu.memory_space<vmem>>, vector<16xi32>,
      %get3A_1306 = vector.shape_cast %get3A_1305 : vector<16xi32> to vector<16xi32>
      %mul3A_1307 = arith.constant 16 : i32
      %mul3A_1308 = arith.muli %scan3A_1296, %mul3A_1307 : i32
      %add3A_1309 = arith.constant 0 : i32
      %add3A_1310 = arith.addi %mul3A_1308, %add3A_1309 : i32
      %slice3A = vector.extract_strided_slice %get3A_1301 {offsets = [0], sizes = [1], strides = [1]} : vector<16xi32> to vector<1xi32>
      %squeeze3A = vector.extract %slice3A[0] : i32 from vector<1xi32>
      %jit3A = arith.constant 128 : i32
      %div3A = arith.divsi %squeeze3A, %jit3A : i32
      %sign3A = arith.constant 0 : i32
      %sign3A_1311 = arith.cmpi sgt, %squeeze3A, %sign3A : i32
      %sign3A_1312 = arith.extui %sign3A_1311 : i1 to i32
      %sign3A_1313 = arith.constant 0 : i32
      %sign3A_1314 = arith.cmpi slt, %squeeze3A, %sign3A_1313 : i32
      %sign3A_1315 = arith.extui %sign3A_1314 : i1 to i32
      %sign3A_1316 = arith.subi %sign3A_1312, %sign3A_1315 : i32
      %sign3A_1317 = arith.constant 0 : i32
      %sign3A_1318 = arith.cmpi sgt, %jit3A, %sign3A_1317 : i32
      %sign3A_1319 = arith.extui %sign3A_1318 : i1 to i32
      %sign3A_1320 = arith.constant 0 : i32
      %sign3A_1321 = arith.cmpi slt, %jit3A, %sign3A_1320 : i32
      %sign3A_1322 = arith.extui %sign3A_1321 : i1 to i32
      %sign3A_1323 = arith.subi %sign3A_1319, %sign3A_1322 : i32
      %ne3A = arith.cmpi ne, %sign3A_1316, %sign3A_1323 : i32
      %rem3A = arith.remsi %squeeze3A, %jit3A : i32
      %ne3A_1324 = arith.constant 0 : i32
      %ne3A_1325 = arith.cmpi ne, %rem3A, %ne3A_1324 : i32
      %and3A_1326 = arith.andi %ne3A, %ne3A_1325 : i1
      %sub3A = arith.constant 1 : i32
      %sub3A_1327 = arith.subi %div3A, %sub3A : i32
      %select_n3A = arith.select %and3A_1326, %sub3A_1327, %div3A : i32
      %mul3A_1328 = arith.constant 128 : i32
      %mul3A_1329 = arith.muli %select_n3A, %mul3A_1328 : i32
      %slice3A_1330 = vector.extract_strided_slice %get3A_1306 {offsets = [0], sizes = [1], strides = [1]} : vector<16xi32> to vector<1xi32>
      %squeeze3A_1331 = vector.extract %slice3A_1330[0] : i32 from vector<1xi32>
      %mul3A_1332 = arith.constant 128 : i32
      %mul3A_1333 = arith.muli %add3A_1310, %mul3A_1332 : i32
      %add3A_1334 = arith.addi %mul3A_4, %mul3A_1333 : i32
      %dma_start3A_1335 = arith.constant 0 : i32
      %dma_start3A_1336 = tpu.memref_slice %arg16[%add3A_1334] : memref<1048576xf32, #tpu.memory_space<vmem_shared>> -> memref<128xf32, #tpu.memory_space<vmem_shared>>
      %dma_start3A_1337 = tpu.memref_slice %arg8[%squeeze3A_1331, %mul3A_1329] : memref<1000x100000xf32, #tpu.memory_space<hbm>> -> memref<1x128xf32, #tpu.memory_space<hbm>>
      %dma_start3A_1338 = arith.constant 0 : i32
      %dma_start3A_1339 = tpu.memref_slice %dma_start3A_1337[%dma_start3A_1335, %dma_start3A_1338] : memref<1x128xf32, #tpu.memory_space<hbm>> -> memref<1x128xf32, #tpu.memory_space<hbm>>
      %dma_start3A_1340 = tpu.memref_squeeze %dma_start3A_1339 : memref<1x128xf32, #tpu.memory_space<hbm>> -> memref<128xf32, #tpu.memory_space<hbm>>
      tpu.enqueue_dma source(%dma_start3A_1340 : memref<128xf32, #tpu.memory_space<hbm>>) target(%dma_start3A_1336 : memref<128xf32, #tpu.memory_space<vmem_shared>>) target_semaphore(%arg23 : memref<!tpu.dma_semaphore, #tpu.memory_space<semaphore_mem>>)
      %mul3A_1341 = arith.constant 16 : i32
      %mul3A_1342 = arith.muli %scan3A_1296, %mul3A_1341 : i32
      %add3A_1343 = arith.constant 1 : i32
      %add3A_1344 = arith.addi %mul3A_1342, %add3A_1343 : i32
      %slice3A_1345 = vector.extract_strided_slice %get3A_1301 {offsets = [1], sizes = [1], strides = [1]} : vector<16xi32> to vector<1xi32>
      %squeeze3A_1346 = vector.extract %slice3A_1345[0] : i32 from vector<1xi32>
      %jit3A_1347 = arith.constant 128 : i32
      %div3A_1348 = arith.divsi %squeeze3A_1346, %jit3A_1347 : i32
      %sign3A_1349 = arith.constant 0 : i32
      %sign3A_1350 = arith.cmpi sgt, %squeeze3A_1346, %sign3A_1349 : i32
      %sign3A_1351 = arith.extui %sign3A_1350 : i1 to i32
      %sign3A_1352 = arith.constant 0 : i32
      %sign3A_1353 = arith.cmpi slt, %squeeze3A_1346, %sign3A_1352 : i32
      %sign3A_1354 = arith.extui %sign3A_1353 : i1 to i32
      %sign3A_1355 = arith.subi %sign3A_1351, %sign3A_1354 : i32
      %sign3A_1356 = arith.constant 0 : i32
      %sign3A_1357 = arith.cmpi sgt, %jit3A_1347, %sign3A_1356 : i32
      %sign3A_1358 = arith.extui %sign3A_1357 : i1 to i32
      %sign3A_1359 = arith.constant 0 : i32
      %sign3A_1360 = arith.cmpi slt, %jit3A_1347, %sign3A_1359 : i32
      %sign3A_1361 = arith.extui %sign3A_1360 : i1 to i32
      %sign3A_1362 = arith.subi %sign3A_1358, %sign3A_1361 : i32
      %ne3A_1363 = arith.cmpi ne, %sign3A_1355, %sign3A_1362 : i32
      %rem3A_1364 = arith.remsi %squeeze3A_1346, %jit3A_1347 : i32
      %ne3A_1365 = arith.constant 0 : i32
      %ne3A_1366 = arith.cmpi ne, %rem3A_1364, %ne3A_1365 : i32
      %and3A_1367 = arith.andi %ne3A_1363, %ne3A_1366 : i1
      %sub3A_1368 = arith.constant 1 : i32
      %sub3A_1369 = arith.subi %div3A_1348, %sub3A_1368 : i32
      %select_n3A_1370 = arith.select %and3A_1367, %sub3A_1369, %div3A_1348 : i32
      %mul3A_1371 = arith.constant 128 : i32
      %mul3A_1372 = arith.muli %select_n3A_1370, %mul3A_1371 : i32
      %slice3A_1373 = vector.extract_strided_slice %get3A_1306 {offsets = [1], sizes = [1], strides = [1]} : vector<16xi32> to vector<1xi32>
      %squeeze3A_1374 = vector.extract %slice3A_1373[0] : i32 from vector<1xi32>
      %mul3A_1375 = arith.constant 128 : i32
      %mul3A_1376 = arith.muli %add3A_1344, %mul3A_1375 : i32
      %add3A_1377 = arith.addi %mul3A_4, %mul3A_1376 : i32
      %dma_start3A_1378 = arith.constant 0 : i32
      %dma_start3A_1379 = tpu.memref_slice %arg16[%add3A_1377] : memref<1048576xf32, #tpu.memory_space<vmem_shared>> -> memref<128xf32, #tpu.memory_space<vmem_shared>>
      %dma_start3A_1380 = tpu.memref_slice %arg8[%squeeze3A_1374, %mul3A_1372] : memref<1000x100000xf32, #tpu.memory_space<hbm>> -> memref<1x128xf32, #tpu.memory_space<hbm>>
      %dma_start3A_1381 = arith.constant 0 : i32
      %dma_start3A_1382 = tpu.memref_slice %dma_start3A_1380[%dma_start3A_1378, %dma_start3A_1381] : memref<1x128xf32, #tpu.memory_space<hbm>> -> memref<1x128xf32, #tpu.memory_space<hbm>>
      %dma_start3A_1383 = tpu.memref_squeeze %dma_start3A_1382 : memref<1x128xf32, #tpu.memory_space<hbm>> -> memref<128xf32, #tpu.memory_space<hbm>>
      tpu.enqueue_dma source(%dma_start3A_1383 : memref<128xf32, #tpu.memory_space<hbm>>) target(%dma_start3A_1379 : memref<128xf32, #tpu.memory_space<vmem_shared>>) target_semaphore(%arg23 : memref<!tpu.dma_semaphore, #tpu.memory_space<semaphore_mem>>)
      %mul3A_1384 = arith.constant 16 : i32
      %mul3A_1385 = arith.muli %scan3A_1296, %mul3A_1384 : i32
      %add3A_1386 = arith.constant 2 : i32
      %add3A_1387 = arith.addi %mul3A_1385, %add3A_1386 : i32
      %slice3A_1388 = vector.extract_strided_slice %get3A_1301 {offsets = [2], sizes = [1], strides = [1]} : vector<16xi32> to vector<1xi32>
      %squeeze3A_1389 = vector.extract %slice3A_1388[0] : i32 from vector<1xi32>
      %jit3A_1390 = arith.constant 128 : i32
      %div3A_1391 = arith.divsi %squeeze3A_1389, %jit3A_1390 : i32
      %sign3A_1392 = arith.constant 0 : i32
      %sign3A_1393 = arith.cmpi sgt, %squeeze3A_1389, %sign3A_1392 : i32
      %sign3A_1394 = arith.extui %sign3A_1393 : i1 to i32
      %sign3A_1395 = arith.constant 0 : i32
      %sign3A_1396 = arith.cmpi slt, %squeeze3A_1389, %sign3A_1395 : i32
      %sign3A_1397 = arith.extui %sign3A_1396 : i1 to i32
      %sign3A_1398 = arith.subi %sign3A_1394, %sign3A_1397 : i32
      %sign3A_1399 = arith.constant 0 : i32
      %sign3A_1400 = arith.cmpi sgt, %jit3A_1390, %sign3A_1399 : i32
      %sign3A_1401 = arith.extui %sign3A_1400 : i1 to i32
      %sign3A_1402 = arith.constant 0 : i32
      %sign3A_1403 = arith.cmpi slt, %jit3A_1390, %sign3A_1402 : i32
      %sign3A_1404 = arith.extui %sign3A_1403 : i1 to i32
      %sign3A_1405 = arith.subi %sign3A_1401, %sign3A_1404 : i32
      %ne3A_1406 = arith.cmpi ne, %sign3A_1398, %sign3A_1405 : i32
      %rem3A_1407 = arith.remsi %squeeze3A_1389, %jit3A_1390 : i32
      %ne3A_1408 = arith.constant 0 : i32
      %ne3A_1409 = arith.cmpi ne, %rem3A_1407, %ne3A_1408 : i32
      %and3A_1410 = arith.andi %ne3A_1406, %ne3A_1409 : i1
      %sub3A_1411 = arith.constant 1 : i32
      %sub3A_1412 = arith.subi %div3A_1391, %sub3A_1411 : i32
      %select_n3A_1413 = arith.select %and3A_1410, %sub3A_1412, %div3A_1391 : i32
      %mul3A_1414 = arith.constant 128 : i32
      %mul3A_1415 = arith.muli %select_n3A_1413, %mul3A_1414 : i32
      %slice3A_1416 = vector.extract_strided_slice %get3A_1306 {offsets = [2], sizes = [1], strides = [1]} : vector<16xi32> to vector<1xi32>
      %squeeze3A_1417 = vector.extract %slice3A_1416[0] : i32 from vector<1xi32>
      %mul3A_1418 = arith.constant 128 : i32
      %mul3A_1419 = arith.muli %add3A_1387, %mul3A_1418 : i32
      %add3A_1420 = arith.addi %mul3A_4, %mul3A_1419 : i32
      %dma_start3A_1421 = arith.constant 0 : i32
      %dma_start3A_1422 = tpu.memref_slice %arg16[%add3A_1420] : memref<1048576xf32, #tpu.memory_space<vmem_shared>> -> memref<128xf32, #tpu.memory_space<vmem_shared>>
      %dma_start3A_1423 = tpu.memref_slice %arg8[%squeeze3A_1417, %mul3A_1415] : memref<1000x100000xf32, #tpu.memory_space<hbm>> -> memref<1x128xf32, #tpu.memory_space<hbm>>
      %dma_start3A_1424 = arith.constant 0 : i32
      %dma_start3A_1425 = tpu.memref_slice %dma_start3A_1423[%dma_start3A_1421, %dma_start3A_1424] : memref<1x128xf32, #tpu.memory_space<hbm>> -> memref<1x128xf32, #tpu.memory_space<hbm>>
      %dma_start3A_1426 = tpu.memref_squeeze %dma_start3A_1425 : memref<1x128xf32, #tpu.memory_space<hbm>> -> memref<128xf32, #tpu.memory_space<hbm>>
      tpu.enqueue_dma source(%dma_start3A_1426 : memref<128xf32, #tpu.memory_space<hbm>>) target(%dma_start3A_1422 : memref<128xf32, #tpu.memory_space<vmem_shared>>) target_semaphore(%arg23 : memref<!tpu.dma_semaphore, #tpu.memory_space<semaphore_mem>>)
      %mul3A_1427 = arith.constant 16 : i32
      %mul3A_1428 = arith.muli %scan3A_1296, %mul3A_1427 : i32
      %add3A_1429 = arith.constant 3 : i32
      %add3A_1430 = arith.addi %mul3A_1428, %add3A_1429 : i32
      %slice3A_1431 = vector.extract_strided_slice %get3A_1301 {offsets = [3], sizes = [1], strides = [1]} : vector<16xi32> to vector<1xi32>
      %squeeze3A_1432 = vector.extract %slice3A_1431[0] : i32 from vector<1xi32>
      %jit3A_1433 = arith.constant 128 : i32
      %div3A_1434 = arith.divsi %squeeze3A_1432, %jit3A_1433 : i32
      %sign3A_1435 = arith.constant 0 : i32
      %sign3A_1436 = arith.cmpi sgt, %squeeze3A_1432, %sign3A_1435 : i32
      %sign3A_1437 = arith.extui %sign3A_1436 : i1 to i32
      %sign3A_1438 = arith.constant 0 : i32
      %sign3A_1439 = arith.cmpi slt, %squeeze3A_1432, %sign3A_1438 : i32
      %sign3A_1440 = arith.extui %sign3A_1439 : i1 to i32
      %sign3A_1441 = arith.subi %sign3A_1437, %sign3A_1440 : i32
      %sign3A_1442 = arith.constant 0 : i32
      %sign3A_1443 = arith.cmpi sgt, %jit3A_1433, %sign3A_1442 : i32
      %sign3A_1444 = arith.extui %sign3A_1443 : i1 to i32
      %sign3A_1445 = arith.constant 0 : i32
      %sign3A_1446 = arith.cmpi slt, %jit3A_1433, %sign3A_1445 : i32
      %sign3A_1447 = arith.extui %sign3A_1446 : i1 to i32
      %sign3A_1448 = arith.subi %sign3A_1444, %sign3A_1447 : i32
      %ne3A_1449 = arith.cmpi ne, %sign3A_1441, %sign3A_1448 : i32
      %rem3A_1450 = arith.remsi %squeeze3A_1432, %jit3A_1433 : i32
      %ne3A_1451 = arith.constant 0 : i32
      %ne3A_1452 = arith.cmpi ne, %rem3A_1450, %ne3A_1451 : i32
      %and3A_1453 = arith.andi %ne3A_1449, %ne3A_1452 : i1
      %sub3A_1454 = arith.constant 1 : i32
      %sub3A_1455 = arith.subi %div3A_1434, %sub3A_1454 : i32
      %select_n3A_1456 = arith.select %and3A_1453, %sub3A_1455, %div3A_1434 : i32
      %mul3A_1457 = arith.constant 128 : i32
      %mul3A_1458 = arith.muli %select_n3A_1456, %mul3A_1457 : i32
      %slice3A_1459 = vector.extract_strided_slice %get3A_1306 {offsets = [3], sizes = [1], strides = [1]} : vector<16xi32> to vector<1xi32>
      %squeeze3A_1460 = vector.extract %slice3A_1459[0] : i32 from vector<1xi32>
      %mul3A_1461 = arith.constant 128 : i32
      %mul3A_1462 = arith.muli %add3A_1430, %mul3A_1461 : i32
      %add3A_1463 = arith.addi %mul3A_4, %mul3A_1462 : i32
      %dma_start3A_1464 = arith.constant 0 : i32
      %dma_start3A_1465 = tpu.memref_slice %arg16[%add3A_1463] : memref<1048576xf32, #tpu.memory_space<vmem_shared>> -> memref<128xf32, #tpu.memory_space<vmem_shared>>
      %dma_start3A_1466 = tpu.memref_slice %arg8[%squeeze3A_1460, %mul3A_1458] : memref<1000x100000xf32, #tpu.memory_space<hbm>> -> memref<1x128xf32, #tpu.memory_space<hbm>>
      %dma_start3A_1467 = arith.constant 0 : i32
      %dma_start3A_1468 = tpu.memref_slice %dma_start3A_1466[%dma_start3A_1464, %dma_start3A_1467] : memref<1x128xf32, #tpu.memory_space<hbm>> -> memref<1x128xf32, #tpu.memory_space<hbm>>
      %dma_start3A_1469 = tpu.memref_squeeze %dma_start3A_1468 : memref<1x128xf32, #tpu.memory_space<hbm>> -> memref<128xf32, #tpu.memory_space<hbm>>
      tpu.enqueue_dma source(%dma_start3A_1469 : memref<128xf32, #tpu.memory_space<hbm>>) target(%dma_start3A_1465 : memref<128xf32, #tpu.memory_space<vmem_shared>>) target_semaphore(%arg23 : memref<!tpu.dma_semaphore, #tpu.memory_space<semaphore_mem>>)
      %mul3A_1470 = arith.constant 16 : i32
      %mul3A_1471 = arith.muli %scan3A_1296, %mul3A_1470 : i32
      %add3A_1472 = arith.constant 4 : i32
      %add3A_1473 = arith.addi %mul3A_1471, %add3A_1472 : i32
      %slice3A_1474 = vector.extract_strided_slice %get3A_1301 {offsets = [4], sizes = [1], strides = [1]} : vector<16xi32> to vector<1xi32>
      %squeeze3A_1475 = vector.extract %slice3A_1474[0] : i32 from vector<1xi32>
      %jit3A_1476 = arith.constant 128 : i32
      %div3A_1477 = arith.divsi %squeeze3A_1475, %jit3A_1476 : i32
      %sign3A_1478 = arith.constant 0 : i32
      %sign3A_1479 = arith.cmpi sgt, %squeeze3A_1475, %sign3A_1478 : i32
      %sign3A_1480 = arith.extui %sign3A_1479 : i1 to i32
      %sign3A_1481 = arith.constant 0 : i32
      %sign3A_1482 = arith.cmpi slt, %squeeze3A_1475, %sign3A_1481 : i32
      %sign3A_1483 = arith.extui %sign3A_1482 : i1 to i32
      %sign3A_1484 = arith.subi %sign3A_1480, %sign3A_1483 : i32
      %sign3A_1485 = arith.constant 0 : i32
      %sign3A_1486 = arith.cmpi sgt, %jit3A_1476, %sign3A_1485 : i32
      %sign3A_1487 = arith.extui %sign3A_1486 : i1 to i32
      %sign3A_1488 = arith.constant 0 : i32
      %sign3A_1489 = arith.cmpi slt, %jit3A_1476, %sign3A_1488 : i32
      %sign3A_1490 = arith.extui %sign3A_1489 : i1 to i32
      %sign3A_1491 = arith.subi %sign3A_1487, %sign3A_1490 : i32
      %ne3A_1492 = arith.cmpi ne, %sign3A_1484, %sign3A_1491 : i32
      %rem3A_1493 = arith.remsi %squeeze3A_1475, %jit3A_1476 : i32
      %ne3A_1494 = arith.constant 0 : i32
      %ne3A_1495 = arith.cmpi ne, %rem3A_1493, %ne3A_1494 : i32
      %and3A_1496 = arith.andi %ne3A_1492, %ne3A_1495 : i1
      %sub3A_1497 = arith.constant 1 : i32
      %sub3A_1498 = arith.subi %div3A_1477, %sub3A_1497 : i32
      %select_n3A_1499 = arith.select %and3A_1496, %sub3A_1498, %div3A_1477 : i32
      %mul3A_1500 = arith.constant 128 : i32
      %mul3A_1501 = arith.muli %select_n3A_1499, %mul3A_1500 : i32
      %slice3A_1502 = vector.extract_strided_slice %get3A_1306 {offsets = [4], sizes = [1], strides = [1]} : vector<16xi32> to vector<1xi32>
      %squeeze3A_1503 = vector.extract %slice3A_1502[0] : i32 from vector<1xi32>
      %mul3A_1504 = arith.constant 128 : i32
      %mul3A_1505 = arith.muli %add3A_1473, %mul3A_1504 : i32
      %add3A_1506 = arith.addi %mul3A_4, %mul3A_1505 : i32
      %dma_start3A_1507 = arith.constant 0 : i32
      %dma_start3A_1508 = tpu.memref_slice %arg16[%add3A_1506] : memref<1048576xf32, #tpu.memory_space<vmem_shared>> -> memref<128xf32, #tpu.memory_space<vmem_shared>>
      %dma_start3A_1509 = tpu.memref_slice %arg8[%squeeze3A_1503, %mul3A_1501] : memref<1000x100000xf32, #tpu.memory_space<hbm>> -> memref<1x128xf32, #tpu.memory_space<hbm>>
      %dma_start3A_1510 = arith.constant 0 : i32
      %dma_start3A_1511 = tpu.memref_slice %dma_start3A_1509[%dma_start3A_1507, %dma_start3A_1510] : memref<1x128xf32, #tpu.memory_space<hbm>> -> memref<1x128xf32, #tpu.memory_space<hbm>>
      %dma_start3A_1512 = tpu.memref_squeeze %dma_start3A_1511 : memref<1x128xf32, #tpu.memory_space<hbm>> -> memref<128xf32, #tpu.memory_space<hbm>>
      tpu.enqueue_dma source(%dma_start3A_1512 : memref<128xf32, #tpu.memory_space<hbm>>) target(%dma_start3A_1508 : memref<128xf32, #tpu.memory_space<vmem_shared>>) target_semaphore(%arg23 : memref<!tpu.dma_semaphore, #tpu.memory_space<semaphore_mem>>)
      %mul3A_1513 = arith.constant 16 : i32
      %mul3A_1514 = arith.muli %scan3A_1296, %mul3A_1513 : i32
      %add3A_1515 = arith.constant 5 : i32
      %add3A_1516 = arith.addi %mul3A_1514, %add3A_1515 : i32
      %slice3A_1517 = vector.extract_strided_slice %get3A_1301 {offsets = [5], sizes = [1], strides = [1]} : vector<16xi32> to vector<1xi32>
      %squeeze3A_1518 = vector.extract %slice3A_1517[0] : i32 from vector<1xi32>
      %jit3A_1519 = arith.constant 128 : i32
      %div3A_1520 = arith.divsi %squeeze3A_1518, %jit3A_1519 : i32
      %sign3A_1521 = arith.constant 0 : i32
      %sign3A_1522 = arith.cmpi sgt, %squeeze3A_1518, %sign3A_1521 : i32
      %sign3A_1523 = arith.extui %sign3A_1522 : i1 to i32
      %sign3A_1524 = arith.constant 0 : i32
      %sign3A_1525 = arith.cmpi slt, %squeeze3A_1518, %sign3A_1524 : i32
      %sign3A_1526 = arith.extui %sign3A_1525 : i1 to i32
      %sign3A_1527 = arith.subi %sign3A_1523, %sign3A_1526 : i32
      %sign3A_1528 = arith.constant 0 : i32
      %sign3A_1529 = arith.cmpi sgt, %jit3A_1519, %sign3A_1528 : i32
      %sign3A_1530 = arith.extui %sign3A_1529 : i1 to i32
      %sign3A_1531 = arith.constant 0 : i32
      %sign3A_1532 = arith.cmpi slt, %jit3A_1519, %sign3A_1531 : i32
      %sign3A_1533 = arith.extui %sign3A_1532 : i1 to i32
      %sign3A_1534 = arith.subi %sign3A_1530, %sign3A_1533 : i32
      %ne3A_1535 = arith.cmpi ne, %sign3A_1527, %sign3A_1534 : i32
      %rem3A_1536 = arith.remsi %squeeze3A_1518, %jit3A_1519 : i32
      %ne3A_1537 = arith.constant 0 : i32
      %ne3A_1538 = arith.cmpi ne, %rem3A_1536, %ne3A_1537 : i32
      %and3A_1539 = arith.andi %ne3A_1535, %ne3A_1538 : i1
      %sub3A_1540 = arith.constant 1 : i32
      %sub3A_1541 = arith.subi %div3A_1520, %sub3A_1540 : i32
      %select_n3A_1542 = arith.select %and3A_1539, %sub3A_1541, %div3A_1520 : i32
      %mul3A_1543 = arith.constant 128 : i32
      %mul3A_1544 = arith.muli %select_n3A_1542, %mul3A_1543 : i32
      %slice3A_1545 = vector.extract_strided_slice %get3A_1306 {offsets = [5], sizes = [1], strides = [1]} : vector<16xi32> to vector<1xi32>
      %squeeze3A_1546 = vector.extract %slice3A_1545[0] : i32 from vector<1xi32>
      %mul3A_1547 = arith.constant 128 : i32
      %mul3A_1548 = arith.muli %add3A_1516, %mul3A_1547 : i32
      %add3A_1549 = arith.addi %mul3A_4, %mul3A_1548 : i32
      %dma_start3A_1550 = arith.constant 0 : i32
      %dma_start3A_1551 = tpu.memref_slice %arg16[%add3A_1549] : memref<1048576xf32, #tpu.memory_space<vmem_shared>> -> memref<128xf32, #tpu.memory_space<vmem_shared>>
      %dma_start3A_1552 = tpu.memref_slice %arg8[%squeeze3A_1546, %mul3A_1544] : memref<1000x100000xf32, #tpu.memory_space<hbm>> -> memref<1x128xf32, #tpu.memory_space<hbm>>
      %dma_start3A_1553 = arith.constant 0 : i32
      %dma_start3A_1554 = tpu.memref_slice %dma_start3A_1552[%dma_start3A_1550, %dma_start3A_1553] : memref<1x128xf32, #tpu.memory_space<hbm>> -> memref<1x128xf32, #tpu.memory_space<hbm>>
      %dma_start3A_1555 = tpu.memref_squeeze %dma_start3A_1554 : memref<1x128xf32, #tpu.memory_space<hbm>> -> memref<128xf32, #tpu.memory_space<hbm>>
      tpu.enqueue_dma source(%dma_start3A_1555 : memref<128xf32, #tpu.memory_space<hbm>>) target(%dma_start3A_1551 : memref<128xf32, #tpu.memory_space<vmem_shared>>) target_semaphore(%arg23 : memref<!tpu.dma_semaphore, #tpu.memory_space<semaphore_mem>>)
      %mul3A_1556 = arith.constant 16 : i32
      %mul3A_1557 = arith.muli %scan3A_1296, %mul3A_1556 : i32
      %add3A_1558 = arith.constant 6 : i32
      %add3A_1559 = arith.addi %mul3A_1557, %add3A_1558 : i32
      %slice3A_1560 = vector.extract_strided_slice %get3A_1301 {offsets = [6], sizes = [1], strides = [1]} : vector<16xi32> to vector<1xi32>
      %squeeze3A_1561 = vector.extract %slice3A_1560[0] : i32 from vector<1xi32>
      %jit3A_1562 = arith.constant 128 : i32
      %div3A_1563 = arith.divsi %squeeze3A_1561, %jit3A_1562 : i32
      %sign3A_1564 = arith.constant 0 : i32
      %sign3A_1565 = arith.cmpi sgt, %squeeze3A_1561, %sign3A_1564 : i32
      %sign3A_1566 = arith.extui %sign3A_1565 : i1 to i32
      %sign3A_1567 = arith.constant 0 : i32
      %sign3A_1568 = arith.cmpi slt, %squeeze3A_1561, %sign3A_1567 : i32
      %sign3A_1569 = arith.extui %sign3A_1568 : i1 to i32
      %sign3A_1570 = arith.subi %sign3A_1566, %sign3A_1569 : i32
      %sign3A_1571 = arith.constant 0 : i32
      %sign3A_1572 = arith.cmpi sgt, %jit3A_1562, %sign3A_1571 : i32
      %sign3A_1573 = arith.extui %sign3A_1572 : i1 to i32
      %sign3A_1574 = arith.constant 0 : i32
      %sign3A_1575 = arith.cmpi slt, %jit3A_1562, %sign3A_1574 : i32
      %sign3A_1576 = arith.extui %sign3A_1575 : i1 to i32
      %sign3A_1577 = arith.subi %sign3A_1573, %sign3A_1576 : i32
      %ne3A_1578 = arith.cmpi ne, %sign3A_1570, %sign3A_1577 : i32
      %rem3A_1579 = arith.remsi %squeeze3A_1561, %jit3A_1562 : i32
      %ne3A_1580 = arith.constant 0 : i32
      %ne3A_1581 = arith.cmpi ne, %rem3A_1579, %ne3A_1580 : i32
      %and3A_1582 = arith.andi %ne3A_1578, %ne3A_1581 : i1
      %sub3A_1583 = arith.constant 1 : i32
      %sub3A_1584 = arith.subi %div3A_1563, %sub3A_1583 : i32
      %select_n3A_1585 = arith.select %and3A_1582, %sub3A_1584, %div3A_1563 : i32
      %mul3A_1586 = arith.constant 128 : i32
      %mul3A_1587 = arith.muli %select_n3A_1585, %mul3A_1586 : i32
      %slice3A_1588 = vector.extract_strided_slice %get3A_1306 {offsets = [6], sizes = [1], strides = [1]} : vector<16xi32> to vector<1xi32>
      %squeeze3A_1589 = vector.extract %slice3A_1588[0] : i32 from vector<1xi32>
      %mul3A_1590 = arith.constant 128 : i32
      %mul3A_1591 = arith.muli %add3A_1559, %mul3A_1590 : i32
      %add3A_1592 = arith.addi %mul3A_4, %mul3A_1591 : i32
      %dma_start3A_1593 = arith.constant 0 : i32
      %dma_start3A_1594 = tpu.memref_slice %arg16[%add3A_1592] : memref<1048576xf32, #tpu.memory_space<vmem_shared>> -> memref<128xf32, #tpu.memory_space<vmem_shared>>
      %dma_start3A_1595 = tpu.memref_slice %arg8[%squeeze3A_1589, %mul3A_1587] : memref<1000x100000xf32, #tpu.memory_space<hbm>> -> memref<1x128xf32, #tpu.memory_space<hbm>>
      %dma_start3A_1596 = arith.constant 0 : i32
      %dma_start3A_1597 = tpu.memref_slice %dma_start3A_1595[%dma_start3A_1593, %dma_start3A_1596] : memref<1x128xf32, #tpu.memory_space<hbm>> -> memref<1x128xf32, #tpu.memory_space<hbm>>
      %dma_start3A_1598 = tpu.memref_squeeze %dma_start3A_1597 : memref<1x128xf32, #tpu.memory_space<hbm>> -> memref<128xf32, #tpu.memory_space<hbm>>
      tpu.enqueue_dma source(%dma_start3A_1598 : memref<128xf32, #tpu.memory_space<hbm>>) target(%dma_start3A_1594 : memref<128xf32, #tpu.memory_space<vmem_shared>>) target_semaphore(%arg23 : memref<!tpu.dma_semaphore, #tpu.memory_space<semaphore_mem>>)
      %mul3A_1599 = arith.constant 16 : i32
      %mul3A_1600 = arith.muli %scan3A_1296, %mul3A_1599 : i32
      %add3A_1601 = arith.constant 7 : i32
      %add3A_1602 = arith.addi %mul3A_1600, %add3A_1601 : i32
      %slice3A_1603 = vector.extract_strided_slice %get3A_1301 {offsets = [7], sizes = [1], strides = [1]} : vector<16xi32> to vector<1xi32>
      %squeeze3A_1604 = vector.extract %slice3A_1603[0] : i32 from vector<1xi32>
      %jit3A_1605 = arith.constant 128 : i32
      %div3A_1606 = arith.divsi %squeeze3A_1604, %jit3A_1605 : i32
      %sign3A_1607 = arith.constant 0 : i32
      %sign3A_1608 = arith.cmpi sgt, %squeeze3A_1604, %sign3A_1607 : i32
      %sign3A_1609 = arith.extui %sign3A_1608 : i1 to i32
      %sign3A_1610 = arith.constant 0 : i32
      %sign3A_1611 = arith.cmpi slt, %squeeze3A_1604, %sign3A_1610 : i32
      %sign3A_1612 = arith.extui %sign3A_1611 : i1 to i32
      %sign3A_1613 = arith.subi %sign3A_1609, %sign3A_1612 : i32
      %sign3A_1614 = arith.constant 0 : i32
      %sign3A_1615 = arith.cmpi sgt, %jit3A_1605, %sign3A_1614 : i32
      %sign3A_1616 = arith.extui %sign3A_1615 : i1 to i32
      %sign3A_1617 = arith.constant 0 : i32
      %sign3A_1618 = arith.cmpi slt, %jit3A_1605, %sign3A_1617 : i32
      %sign3A_1619 = arith.extui %sign3A_1618 : i1 to i32
      %sign3A_1620 = arith.subi %sign3A_1616, %sign3A_1619 : i32
      %ne3A_1621 = arith.cmpi ne, %sign3A_1613, %sign3A_1620 : i32
      %rem3A_1622 = arith.remsi %squeeze3A_1604, %jit3A_1605 : i32
      %ne3A_1623 = arith.constant 0 : i32
      %ne3A_1624 = arith.cmpi ne, %rem3A_1622, %ne3A_1623 : i32
      %and3A_1625 = arith.andi %ne3A_1621, %ne3A_1624 : i1
      %sub3A_1626 = arith.constant 1 : i32
      %sub3A_1627 = arith.subi %div3A_1606, %sub3A_1626 : i32
      %select_n3A_1628 = arith.select %and3A_1625, %sub3A_1627, %div3A_1606 : i32
      %mul3A_1629 = arith.constant 128 : i32
      %mul3A_1630 = arith.muli %select_n3A_1628, %mul3A_1629 : i32
      %slice3A_1631 = vector.extract_strided_slice %get3A_1306 {offsets = [7], sizes = [1], strides = [1]} : vector<16xi32> to vector<1xi32>
      %squeeze3A_1632 = vector.extract %slice3A_1631[0] : i32 from vector<1xi32>
      %mul3A_1633 = arith.constant 128 : i32
      %mul3A_1634 = arith.muli %add3A_1602, %mul3A_1633 : i32
      %add3A_1635 = arith.addi %mul3A_4, %mul3A_1634 : i32
      %dma_start3A_1636 = arith.constant 0 : i32
      %dma_start3A_1637 = tpu.memref_slice %arg16[%add3A_1635] : memref<1048576xf32, #tpu.memory_space<vmem_shared>> -> memref<128xf32, #tpu.memory_space<vmem_shared>>
      %dma_start3A_1638 = tpu.memref_slice %arg8[%squeeze3A_1632, %mul3A_1630] : memref<1000x100000xf32, #tpu.memory_space<hbm>> -> memref<1x128xf32, #tpu.memory_space<hbm>>
      %dma_start3A_1639 = arith.constant 0 : i32
      %dma_start3A_1640 = tpu.memref_slice %dma_start3A_1638[%dma_start3A_1636, %dma_start3A_1639] : memref<1x128xf32, #tpu.memory_space<hbm>> -> memref<1x128xf32, #tpu.memory_space<hbm>>
      %dma_start3A_1641 = tpu.memref_squeeze %dma_start3A_1640 : memref<1x128xf32, #tpu.memory_space<hbm>> -> memref<128xf32, #tpu.memory_space<hbm>>
      tpu.enqueue_dma source(%dma_start3A_1641 : memref<128xf32, #tpu.memory_space<hbm>>) target(%dma_start3A_1637 : memref<128xf32, #tpu.memory_space<vmem_shared>>) target_semaphore(%arg23 : memref<!tpu.dma_semaphore, #tpu.memory_space<semaphore_mem>>)
      %mul3A_1642 = arith.constant 16 : i32
      %mul3A_1643 = arith.muli %scan3A_1296, %mul3A_1642 : i32
      %add3A_1644 = arith.constant 8 : i32
      %add3A_1645 = arith.addi %mul3A_1643, %add3A_1644 : i32
      %slice3A_1646 = vector.extract_strided_slice %get3A_1301 {offsets = [8], sizes = [1], strides = [1]} : vector<16xi32> to vector<1xi32>
      %squeeze3A_1647 = vector.extract %slice3A_1646[0] : i32 from vector<1xi32>
      %jit3A_1648 = arith.constant 128 : i32
      %div3A_1649 = arith.divsi %squeeze3A_1647, %jit3A_1648 : i32
      %sign3A_1650 = arith.constant 0 : i32
      %sign3A_1651 = arith.cmpi sgt, %squeeze3A_1647, %sign3A_1650 : i32
      %sign3A_1652 = arith.extui %sign3A_1651 : i1 to i32
      %sign3A_1653 = arith.constant 0 : i32
      %sign3A_1654 = arith.cmpi slt, %squeeze3A_1647, %sign3A_1653 : i32
      %sign3A_1655 = arith.extui %sign3A_1654 : i1 to i32
      %sign3A_1656 = arith.subi %sign3A_1652, %sign3A_1655 : i32
      %sign3A_1657 = arith.constant 0 : i32
      %sign3A_1658 = arith.cmpi sgt, %jit3A_1648, %sign3A_1657 : i32
      %sign3A_1659 = arith.extui %sign3A_1658 : i1 to i32
      %sign3A_1660 = arith.constant 0 : i32
      %sign3A_1661 = arith.cmpi slt, %jit3A_1648, %sign3A_1660 : i32
      %sign3A_1662 = arith.extui %sign3A_1661 : i1 to i32
      %sign3A_1663 = arith.subi %sign3A_1659, %sign3A_1662 : i32
      %ne3A_1664 = arith.cmpi ne, %sign3A_1656, %sign3A_1663 : i32
      %rem3A_1665 = arith.remsi %squeeze3A_1647, %jit3A_1648 : i32
      %ne3A_1666 = arith.constant 0 : i32
      %ne3A_1667 = arith.cmpi ne, %rem3A_1665, %ne3A_1666 : i32
      %and3A_1668 = arith.andi %ne3A_1664, %ne3A_1667 : i1
      %sub3A_1669 = arith.constant 1 : i32
      %sub3A_1670 = arith.subi %div3A_1649, %sub3A_1669 : i32
      %select_n3A_1671 = arith.select %and3A_1668, %sub3A_1670, %div3A_1649 : i32
      %mul3A_1672 = arith.constant 128 : i32
      %mul3A_1673 = arith.muli %select_n3A_1671, %mul3A_1672 : i32
      %slice3A_1674 = vector.extract_strided_slice %get3A_1306 {offsets = [8], sizes = [1], strides = [1]} : vector<16xi32> to vector<1xi32>
      %squeeze3A_1675 = vector.extract %slice3A_1674[0] : i32 from vector<1xi32>
      %mul3A_1676 = arith.constant 128 : i32
      %mul3A_1677 = arith.muli %add3A_1645, %mul3A_1676 : i32
      %add3A_1678 = arith.addi %mul3A_4, %mul3A_1677 : i32
      %dma_start3A_1679 = arith.constant 0 : i32
      %dma_start3A_1680 = tpu.memref_slice %arg16[%add3A_1678] : memref<1048576xf32, #tpu.memory_space<vmem_shared>> -> memref<128xf32, #tpu.memory_space<vmem_shared>>
      %dma_start3A_1681 = tpu.memref_slice %arg8[%squeeze3A_1675, %mul3A_1673] : memref<1000x100000xf32, #tpu.memory_space<hbm>> -> memref<1x128xf32, #tpu.memory_space<hbm>>
      %dma_start3A_1682 = arith.constant 0 : i32
      %dma_start3A_1683 = tpu.memref_slice %dma_start3A_1681[%dma_start3A_1679, %dma_start3A_1682] : memref<1x128xf32, #tpu.memory_space<hbm>> -> memref<1x128xf32, #tpu.memory_space<hbm>>
      %dma_start3A_1684 = tpu.memref_squeeze %dma_start3A_1683 : memref<1x128xf32, #tpu.memory_space<hbm>> -> memref<128xf32, #tpu.memory_space<hbm>>
      tpu.enqueue_dma source(%dma_start3A_1684 : memref<128xf32, #tpu.memory_space<hbm>>) target(%dma_start3A_1680 : memref<128xf32, #tpu.memory_space<vmem_shared>>) target_semaphore(%arg23 : memref<!tpu.dma_semaphore, #tpu.memory_space<semaphore_mem>>)
      %mul3A_1685 = arith.constant 16 : i32
      %mul3A_1686 = arith.muli %scan3A_1296, %mul3A_1685 : i32
      %add3A_1687 = arith.constant 9 : i32
      %add3A_1688 = arith.addi %mul3A_1686, %add3A_1687 : i32
      %slice3A_1689 = vector.extract_strided_slice %get3A_1301 {offsets = [9], sizes = [1], strides = [1]} : vector<16xi32> to vector<1xi32>
      %squeeze3A_1690 = vector.extract %slice3A_1689[0] : i32 from vector<1xi32>
      %jit3A_1691 = arith.constant 128 : i32
      %div3A_1692 = arith.divsi %squeeze3A_1690, %jit3A_1691 : i32
      %sign3A_1693 = arith.constant 0 : i32
      %sign3A_1694 = arith.cmpi sgt, %squeeze3A_1690, %sign3A_1693 : i32
      %sign3A_1695 = arith.extui %sign3A_1694 : i1 to i32
      %sign3A_1696 = arith.constant 0 : i32
      %sign3A_1697 = arith.cmpi slt, %squeeze3A_1690, %sign3A_1696 : i32
      %sign3A_1698 = arith.extui %sign3A_1697 : i1 to i32
      %sign3A_1699 = arith.subi %sign3A_1695, %sign3A_1698 : i32
      %sign3A_1700 = arith.constant 0 : i32
      %sign3A_1701 = arith.cmpi sgt, %jit3A_1691, %sign3A_1700 : i32
      %sign3A_1702 = arith.extui %sign3A_1701 : i1 to i32
      %sign3A_1703 = arith.constant 0 : i32
      %sign3A_1704 = arith.cmpi slt, %jit3A_1691, %sign3A_1703 : i32
      %sign3A_1705 = arith.extui %sign3A_1704 : i1 to i32
      %sign3A_1706 = arith.subi %sign3A_1702, %sign3A_1705 : i32
      %ne3A_1707 = arith.cmpi ne, %sign3A_1699, %sign3A_1706 : i32
      %rem3A_1708 = arith.remsi %squeeze3A_1690, %jit3A_1691 : i32
      %ne3A_1709 = arith.constant 0 : i32
      %ne3A_1710 = arith.cmpi ne, %rem3A_1708, %ne3A_1709 : i32
      %and3A_1711 = arith.andi %ne3A_1707, %ne3A_1710 : i1
      %sub3A_1712 = arith.constant 1 : i32
      %sub3A_1713 = arith.subi %div3A_1692, %sub3A_1712 : i32
      %select_n3A_1714 = arith.select %and3A_1711, %sub3A_1713, %div3A_1692 : i32
      %mul3A_1715 = arith.constant 128 : i32
      %mul3A_1716 = arith.muli %select_n3A_1714, %mul3A_1715 : i32
      %slice3A_1717 = vector.extract_strided_slice %get3A_1306 {offsets = [9], sizes = [1], strides = [1]} : vector<16xi32> to vector<1xi32>
      %squeeze3A_1718 = vector.extract %slice3A_1717[0] : i32 from vector<1xi32>
      %mul3A_1719 = arith.constant 128 : i32
      %mul3A_1720 = arith.muli %add3A_1688, %mul3A_1719 : i32
      %add3A_1721 = arith.addi %mul3A_4, %mul3A_1720 : i32
      %dma_start3A_1722 = arith.constant 0 : i32
      %dma_start3A_1723 = tpu.memref_slice %arg16[%add3A_1721] : memref<1048576xf32, #tpu.memory_space<vmem_shared>> -> memref<128xf32, #tpu.memory_space<vmem_shared>>
      %dma_start3A_1724 = tpu.memref_slice %arg8[%squeeze3A_1718, %mul3A_1716] : memref<1000x100000xf32, #tpu.memory_space<hbm>> -> memref<1x128xf32, #tpu.memory_space<hbm>>
      %dma_start3A_1725 = arith.constant 0 : i32
      %dma_start3A_1726 = tpu.memref_slice %dma_start3A_1724[%dma_start3A_1722, %dma_start3A_1725] : memref<1x128xf32, #tpu.memory_space<hbm>> -> memref<1x128xf32, #tpu.memory_space<hbm>>
      %dma_start3A_1727 = tpu.memref_squeeze %dma_start3A_1726 : memref<1x128xf32, #tpu.memory_space<hbm>> -> memref<128xf32, #tpu.memory_space<hbm>>
      tpu.enqueue_dma source(%dma_start3A_1727 : memref<128xf32, #tpu.memory_space<hbm>>) target(%dma_start3A_1723 : memref<128xf32, #tpu.memory_space<vmem_shared>>) target_semaphore(%arg23 : memref<!tpu.dma_semaphore, #tpu.memory_space<semaphore_mem>>)
      %mul3A_1728 = arith.constant 16 : i32
      %mul3A_1729 = arith.muli %scan3A_1296, %mul3A_1728 : i32
      %add3A_1730 = arith.constant 10 : i32
      %add3A_1731 = arith.addi %mul3A_1729, %add3A_1730 : i32
      %slice3A_1732 = vector.extract_strided_slice %get3A_1301 {offsets = [10], sizes = [1], strides = [1]} : vector<16xi32> to vector<1xi32>
      %squeeze3A_1733 = vector.extract %slice3A_1732[0] : i32 from vector<1xi32>
      %jit3A_1734 = arith.constant 128 : i32
      %div3A_1735 = arith.divsi %squeeze3A_1733, %jit3A_1734 : i32
      %sign3A_1736 = arith.constant 0 : i32
      %sign3A_1737 = arith.cmpi sgt, %squeeze3A_1733, %sign3A_1736 : i32
      %sign3A_1738 = arith.extui %sign3A_1737 : i1 to i32
      %sign3A_1739 = arith.constant 0 : i32
      %sign3A_1740 = arith.cmpi slt, %squeeze3A_1733, %sign3A_1739 : i32
      %sign3A_1741 = arith.extui %sign3A_1740 : i1 to i32
      %sign3A_1742 = arith.subi %sign3A_1738, %sign3A_1741 : i32
      %sign3A_1743 = arith.constant 0 : i32
      %sign3A_1744 = arith.cmpi sgt, %jit3A_1734, %sign3A_1743 : i32
      %sign3A_1745 = arith.extui %sign3A_1744 : i1 to i32
      %sign3A_1746 = arith.constant 0 : i32
      %sign3A_1747 = arith.cmpi slt, %jit3A_1734, %sign3A_1746 : i32
      %sign3A_1748 = arith.extui %sign3A_1747 : i1 to i32
      %sign3A_1749 = arith.subi %sign3A_1745, %sign3A_1748 : i32
      %ne3A_1750 = arith.cmpi ne, %sign3A_1742, %sign3A_1749 : i32
      %rem3A_1751 = arith.remsi %squeeze3A_1733, %jit3A_1734 : i32
      %ne3A_1752 = arith.constant 0 : i32
      %ne3A_1753 = arith.cmpi ne, %rem3A_1751, %ne3A_1752 : i32
      %and3A_1754 = arith.andi %ne3A_1750, %ne3A_1753 : i1
      %sub3A_1755 = arith.constant 1 : i32
      %sub3A_1756 = arith.subi %div3A_1735, %sub3A_1755 : i32
      %select_n3A_1757 = arith.select %and3A_1754, %sub3A_1756, %div3A_1735 : i32
      %mul3A_1758 = arith.constant 128 : i32
      %mul3A_1759 = arith.muli %select_n3A_1757, %mul3A_1758 : i32
      %slice3A_1760 = vector.extract_strided_slice %get3A_1306 {offsets = [10], sizes = [1], strides = [1]} : vector<16xi32> to vector<1xi32>
      %squeeze3A_1761 = vector.extract %slice3A_1760[0] : i32 from vector<1xi32>
      %mul3A_1762 = arith.constant 128 : i32
      %mul3A_1763 = arith.muli %add3A_1731, %mul3A_1762 : i32
      %add3A_1764 = arith.addi %mul3A_4, %mul3A_1763 : i32
      %dma_start3A_1765 = arith.constant 0 : i32
      %dma_start3A_1766 = tpu.memref_slice %arg16[%add3A_1764] : memref<1048576xf32, #tpu.memory_space<vmem_shared>> -> memref<128xf32, #tpu.memory_space<vmem_shared>>
      %dma_start3A_1767 = tpu.memref_slice %arg8[%squeeze3A_1761, %mul3A_1759] : memref<1000x100000xf32, #tpu.memory_space<hbm>> -> memref<1x128xf32, #tpu.memory_space<hbm>>
      %dma_start3A_1768 = arith.constant 0 : i32
      %dma_start3A_1769 = tpu.memref_slice %dma_start3A_1767[%dma_start3A_1765, %dma_start3A_1768] : memref<1x128xf32, #tpu.memory_space<hbm>> -> memref<1x128xf32, #tpu.memory_space<hbm>>
      %dma_start3A_1770 = tpu.memref_squeeze %dma_start3A_1769 : memref<1x128xf32, #tpu.memory_space<hbm>> -> memref<128xf32, #tpu.memory_space<hbm>>
      tpu.enqueue_dma source(%dma_start3A_1770 : memref<128xf32, #tpu.memory_space<hbm>>) target(%dma_start3A_1766 : memref<128xf32, #tpu.memory_space<vmem_shared>>) target_semaphore(%arg23 : memref<!tpu.dma_semaphore, #tpu.memory_space<semaphore_mem>>)
      %mul3A_1771 = arith.constant 16 : i32
      %mul3A_1772 = arith.muli %scan3A_1296, %mul3A_1771 : i32
      %add3A_1773 = arith.constant 11 : i32
      %add3A_1774 = arith.addi %mul3A_1772, %add3A_1773 : i32
      %slice3A_1775 = vector.extract_strided_slice %get3A_1301 {offsets = [11], sizes = [1], strides = [1]} : vector<16xi32> to vector<1xi32>
      %squeeze3A_1776 = vector.extract %slice3A_1775[0] : i32 from vector<1xi32>
      %jit3A_1777 = arith.constant 128 : i32
      %div3A_1778 = arith.divsi %squeeze3A_1776, %jit3A_1777 : i32
      %sign3A_1779 = arith.constant 0 : i32
      %sign3A_1780 = arith.cmpi sgt, %squeeze3A_1776, %sign3A_1779 : i32
      %sign3A_1781 = arith.extui %sign3A_1780 : i1 to i32
      %sign3A_1782 = arith.constant 0 : i32
      %sign3A_1783 = arith.cmpi slt, %squeeze3A_1776, %sign3A_1782 : i32
      %sign3A_1784 = arith.extui %sign3A_1783 : i1 to i32
      %sign3A_1785 = arith.subi %sign3A_1781, %sign3A_1784 : i32
      %sign3A_1786 = arith.constant 0 : i32
      %sign3A_1787 = arith.cmpi sgt, %jit3A_1777, %sign3A_1786 : i32
      %sign3A_1788 = arith.extui %sign3A_1787 : i1 to i32
      %sign3A_1789 = arith.constant 0 : i32
      %sign3A_1790 = arith.cmpi slt, %jit3A_1777, %sign3A_1789 : i32
      %sign3A_1791 = arith.extui %sign3A_1790 : i1 to i32
      %sign3A_1792 = arith.subi %sign3A_1788, %sign3A_1791 : i32
      %ne3A_1793 = arith.cmpi ne, %sign3A_1785, %sign3A_1792 : i32
      %rem3A_1794 = arith.remsi %squeeze3A_1776, %jit3A_1777 : i32
      %ne3A_1795 = arith.constant 0 : i32
      %ne3A_1796 = arith.cmpi ne, %rem3A_1794, %ne3A_1795 : i32
      %and3A_1797 = arith.andi %ne3A_1793, %ne3A_1796 : i1
      %sub3A_1798 = arith.constant 1 : i32
      %sub3A_1799 = arith.subi %div3A_1778, %sub3A_1798 : i32
      %select_n3A_1800 = arith.select %and3A_1797, %sub3A_1799, %div3A_1778 : i32
      %mul3A_1801 = arith.constant 128 : i32
      %mul3A_1802 = arith.muli %select_n3A_1800, %mul3A_1801 : i32
      %slice3A_1803 = vector.extract_strided_slice %get3A_1306 {offsets = [11], sizes = [1], strides = [1]} : vector<16xi32> to vector<1xi32>
      %squeeze3A_1804 = vector.extract %slice3A_1803[0] : i32 from vector<1xi32>
      %mul3A_1805 = arith.constant 128 : i32
      %mul3A_1806 = arith.muli %add3A_1774, %mul3A_1805 : i32
      %add3A_1807 = arith.addi %mul3A_4, %mul3A_1806 : i32
      %dma_start3A_1808 = arith.constant 0 : i32
      %dma_start3A_1809 = tpu.memref_slice %arg16[%add3A_1807] : memref<1048576xf32, #tpu.memory_space<vmem_shared>> -> memref<128xf32, #tpu.memory_space<vmem_shared>>
      %dma_start3A_1810 = tpu.memref_slice %arg8[%squeeze3A_1804, %mul3A_1802] : memref<1000x100000xf32, #tpu.memory_space<hbm>> -> memref<1x128xf32, #tpu.memory_space<hbm>>
      %dma_start3A_1811 = arith.constant 0 : i32
      %dma_start3A_1812 = tpu.memref_slice %dma_start3A_1810[%dma_start3A_1808, %dma_start3A_1811] : memref<1x128xf32, #tpu.memory_space<hbm>> -> memref<1x128xf32, #tpu.memory_space<hbm>>
      %dma_start3A_1813 = tpu.memref_squeeze %dma_start3A_1812 : memref<1x128xf32, #tpu.memory_space<hbm>> -> memref<128xf32, #tpu.memory_space<hbm>>
      tpu.enqueue_dma source(%dma_start3A_1813 : memref<128xf32, #tpu.memory_space<hbm>>) target(%dma_start3A_1809 : memref<128xf32, #tpu.memory_space<vmem_shared>>) target_semaphore(%arg23 : memref<!tpu.dma_semaphore, #tpu.memory_space<semaphore_mem>>)
      %mul3A_1814 = arith.constant 16 : i32
      %mul3A_1815 = arith.muli %scan3A_1296, %mul3A_1814 : i32
      %add3A_1816 = arith.constant 12 : i32
      %add3A_1817 = arith.addi %mul3A_1815, %add3A_1816 : i32
      %slice3A_1818 = vector.extract_strided_slice %get3A_1301 {offsets = [12], sizes = [1], strides = [1]} : vector<16xi32> to vector<1xi32>
      %squeeze3A_1819 = vector.extract %slice3A_1818[0] : i32 from vector<1xi32>
      %jit3A_1820 = arith.constant 128 : i32
      %div3A_1821 = arith.divsi %squeeze3A_1819, %jit3A_1820 : i32
      %sign3A_1822 = arith.constant 0 : i32
      %sign3A_1823 = arith.cmpi sgt, %squeeze3A_1819, %sign3A_1822 : i32
      %sign3A_1824 = arith.extui %sign3A_1823 : i1 to i32
      %sign3A_1825 = arith.constant 0 : i32
      %sign3A_1826 = arith.cmpi slt, %squeeze3A_1819, %sign3A_1825 : i32
      %sign3A_1827 = arith.extui %sign3A_1826 : i1 to i32
      %sign3A_1828 = arith.subi %sign3A_1824, %sign3A_1827 : i32
      %sign3A_1829 = arith.constant 0 : i32
      %sign3A_1830 = arith.cmpi sgt, %jit3A_1820, %sign3A_1829 : i32
      %sign3A_1831 = arith.extui %sign3A_1830 : i1 to i32
      %sign3A_1832 = arith.constant 0 : i32
      %sign3A_1833 = arith.cmpi slt, %jit3A_1820, %sign3A_1832 : i32
      %sign3A_1834 = arith.extui %sign3A_1833 : i1 to i32
      %sign3A_1835 = arith.subi %sign3A_1831, %sign3A_1834 : i32
      %ne3A_1836 = arith.cmpi ne, %sign3A_1828, %sign3A_1835 : i32
      %rem3A_1837 = arith.remsi %squeeze3A_1819, %jit3A_1820 : i32
      %ne3A_1838 = arith.constant 0 : i32
      %ne3A_1839 = arith.cmpi ne, %rem3A_1837, %ne3A_1838 : i32
      %and3A_1840 = arith.andi %ne3A_1836, %ne3A_1839 : i1
      %sub3A_1841 = arith.constant 1 : i32
      %sub3A_1842 = arith.subi %div3A_1821, %sub3A_1841 : i32
      %select_n3A_1843 = arith.select %and3A_1840, %sub3A_1842, %div3A_1821 : i32
      %mul3A_1844 = arith.constant 128 : i32
      %mul3A_1845 = arith.muli %select_n3A_1843, %mul3A_1844 : i32
      %slice3A_1846 = vector.extract_strided_slice %get3A_1306 {offsets = [12], sizes = [1], strides = [1]} : vector<16xi32> to vector<1xi32>
      %squeeze3A_1847 = vector.extract %slice3A_1846[0] : i32 from vector<1xi32>
      %mul3A_1848 = arith.constant 128 : i32
      %mul3A_1849 = arith.muli %add3A_1817, %mul3A_1848 : i32
      %add3A_1850 = arith.addi %mul3A_4, %mul3A_1849 : i32
      %dma_start3A_1851 = arith.constant 0 : i32
      %dma_start3A_1852 = tpu.memref_slice %arg16[%add3A_1850] : memref<1048576xf32, #tpu.memory_space<vmem_shared>> -> memref<128xf32, #tpu.memory_space<vmem_shared>>
      %dma_start3A_1853 = tpu.memref_slice %arg8[%squeeze3A_1847, %mul3A_1845] : memref<1000x100000xf32, #tpu.memory_space<hbm>> -> memref<1x128xf32, #tpu.memory_space<hbm>>
      %dma_start3A_1854 = arith.constant 0 : i32
      %dma_start3A_1855 = tpu.memref_slice %dma_start3A_1853[%dma_start3A_1851, %dma_start3A_1854] : memref<1x128xf32, #tpu.memory_space<hbm>> -> memref<1x128xf32, #tpu.memory_space<hbm>>
      %dma_start3A_1856 = tpu.memref_squeeze %dma_start3A_1855 : memref<1x128xf32, #tpu.memory_space<hbm>> -> memref<128xf32, #tpu.memory_space<hbm>>
      tpu.enqueue_dma source(%dma_start3A_1856 : memref<128xf32, #tpu.memory_space<hbm>>) target(%dma_start3A_1852 : memref<128xf32, #tpu.memory_space<vmem_shared>>) target_semaphore(%arg23 : memref<!tpu.dma_semaphore, #tpu.memory_space<semaphore_mem>>)
      %mul3A_1857 = arith.constant 16 : i32
      %mul3A_1858 = arith.muli %scan3A_1296, %mul3A_1857 : i32
      %add3A_1859 = arith.constant 13 : i32
      %add3A_1860 = arith.addi %mul3A_1858, %add3A_1859 : i32
      %slice3A_1861 = vector.extract_strided_slice %get3A_1301 {offsets = [13], sizes = [1], strides = [1]} : vector<16xi32> to vector<1xi32>
      %squeeze3A_1862 = vector.extract %slice3A_1861[0] : i32 from vector<1xi32>
      %jit3A_1863 = arith.constant 128 : i32
      %div3A_1864 = arith.divsi %squeeze3A_1862, %jit3A_1863 : i32
      %sign3A_1865 = arith.constant 0 : i32
      %sign3A_1866 = arith.cmpi sgt, %squeeze3A_1862, %sign3A_1865 : i32
      %sign3A_1867 = arith.extui %sign3A_1866 : i1 to i32
      %sign3A_1868 = arith.constant 0 : i32
      %sign3A_1869 = arith.cmpi slt, %squeeze3A_1862, %sign3A_1868 : i32
      %sign3A_1870 = arith.extui %sign3A_1869 : i1 to i32
      %sign3A_1871 = arith.subi %sign3A_1867, %sign3A_1870 : i32
      %sign3A_1872 = arith.constant 0 : i32
      %sign3A_1873 = arith.cmpi sgt, %jit3A_1863, %sign3A_1872 : i32
      %sign3A_1874 = arith.extui %sign3A_1873 : i1 to i32
      %sign3A_1875 = arith.constant 0 : i32
      %sign3A_1876 = arith.cmpi slt, %jit3A_1863, %sign3A_1875 : i32
      %sign3A_1877 = arith.extui %sign3A_1876 : i1 to i32
      %sign3A_1878 = arith.subi %sign3A_1874, %sign3A_1877 : i32
      %ne3A_1879 = arith.cmpi ne, %sign3A_1871, %sign3A_1878 : i32
      %rem3A_1880 = arith.remsi %squeeze3A_1862, %jit3A_1863 : i32
      %ne3A_1881 = arith.constant 0 : i32
      %ne3A_1882 = arith.cmpi ne, %rem3A_1880, %ne3A_1881 : i32
      %and3A_1883 = arith.andi %ne3A_1879, %ne3A_1882 : i1
      %sub3A_1884 = arith.constant 1 : i32
      %sub3A_1885 = arith.subi %div3A_1864, %sub3A_1884 : i32
      %select_n3A_1886 = arith.select %and3A_1883, %sub3A_1885, %div3A_1864 : i32
      %mul3A_1887 = arith.constant 128 : i32
      %mul3A_1888 = arith.muli %select_n3A_1886, %mul3A_1887 : i32
      %slice3A_1889 = vector.extract_strided_slice %get3A_1306 {offsets = [13], sizes = [1], strides = [1]} : vector<16xi32> to vector<1xi32>
      %squeeze3A_1890 = vector.extract %slice3A_1889[0] : i32 from vector<1xi32>
      %mul3A_1891 = arith.constant 128 : i32
      %mul3A_1892 = arith.muli %add3A_1860, %mul3A_1891 : i32
      %add3A_1893 = arith.addi %mul3A_4, %mul3A_1892 : i32
      %dma_start3A_1894 = arith.constant 0 : i32
      %dma_start3A_1895 = tpu.memref_slice %arg16[%add3A_1893] : memref<1048576xf32, #tpu.memory_space<vmem_shared>> -> memref<128xf32, #tpu.memory_space<vmem_shared>>
      %dma_start3A_1896 = tpu.memref_slice %arg8[%squeeze3A_1890, %mul3A_1888] : memref<1000x100000xf32, #tpu.memory_space<hbm>> -> memref<1x128xf32, #tpu.memory_space<hbm>>
      %dma_start3A_1897 = arith.constant 0 : i32
      %dma_start3A_1898 = tpu.memref_slice %dma_start3A_1896[%dma_start3A_1894, %dma_start3A_1897] : memref<1x128xf32, #tpu.memory_space<hbm>> -> memref<1x128xf32, #tpu.memory_space<hbm>>
      %dma_start3A_1899 = tpu.memref_squeeze %dma_start3A_1898 : memref<1x128xf32, #tpu.memory_space<hbm>> -> memref<128xf32, #tpu.memory_space<hbm>>
      tpu.enqueue_dma source(%dma_start3A_1899 : memref<128xf32, #tpu.memory_space<hbm>>) target(%dma_start3A_1895 : memref<128xf32, #tpu.memory_space<vmem_shared>>) target_semaphore(%arg23 : memref<!tpu.dma_semaphore, #tpu.memory_space<semaphore_mem>>)
      %mul3A_1900 = arith.constant 16 : i32
      %mul3A_1901 = arith.muli %scan3A_1296, %mul3A_1900 : i32
      %add3A_1902 = arith.constant 14 : i32
      %add3A_1903 = arith.addi %mul3A_1901, %add3A_1902 : i32
      %slice3A_1904 = vector.extract_strided_slice %get3A_1301 {offsets = [14], sizes = [1], strides = [1]} : vector<16xi32> to vector<1xi32>
      %squeeze3A_1905 = vector.extract %slice3A_1904[0] : i32 from vector<1xi32>
      %jit3A_1906 = arith.constant 128 : i32
      %div3A_1907 = arith.divsi %squeeze3A_1905, %jit3A_1906 : i32
      %sign3A_1908 = arith.constant 0 : i32
      %sign3A_1909 = arith.cmpi sgt, %squeeze3A_1905, %sign3A_1908 : i32
      %sign3A_1910 = arith.extui %sign3A_1909 : i1 to i32
      %sign3A_1911 = arith.constant 0 : i32
      %sign3A_1912 = arith.cmpi slt, %squeeze3A_1905, %sign3A_1911 : i32
      %sign3A_1913 = arith.extui %sign3A_1912 : i1 to i32
      %sign3A_1914 = arith.subi %sign3A_1910, %sign3A_1913 : i32
      %sign3A_1915 = arith.constant 0 : i32
      %sign3A_1916 = arith.cmpi sgt, %jit3A_1906, %sign3A_1915 : i32
      %sign3A_1917 = arith.extui %sign3A_1916 : i1 to i32
      %sign3A_1918 = arith.constant 0 : i32
      %sign3A_1919 = arith.cmpi slt, %jit3A_1906, %sign3A_1918 : i32
      %sign3A_1920 = arith.extui %sign3A_1919 : i1 to i32
      %sign3A_1921 = arith.subi %sign3A_1917, %sign3A_1920 : i32
      %ne3A_1922 = arith.cmpi ne, %sign3A_1914, %sign3A_1921 : i32
      %rem3A_1923 = arith.remsi %squeeze3A_1905, %jit3A_1906 : i32
      %ne3A_1924 = arith.constant 0 : i32
      %ne3A_1925 = arith.cmpi ne, %rem3A_1923, %ne3A_1924 : i32
      %and3A_1926 = arith.andi %ne3A_1922, %ne3A_1925 : i1
      %sub3A_1927 = arith.constant 1 : i32
      %sub3A_1928 = arith.subi %div3A_1907, %sub3A_1927 : i32
      %select_n3A_1929 = arith.select %and3A_1926, %sub3A_1928, %div3A_1907 : i32
      %mul3A_1930 = arith.constant 128 : i32
      %mul3A_1931 = arith.muli %select_n3A_1929, %mul3A_1930 : i32
      %slice3A_1932 = vector.extract_strided_slice %get3A_1306 {offsets = [14], sizes = [1], strides = [1]} : vector<16xi32> to vector<1xi32>
      %squeeze3A_1933 = vector.extract %slice3A_1932[0] : i32 from vector<1xi32>
      %mul3A_1934 = arith.constant 128 : i32
      %mul3A_1935 = arith.muli %add3A_1903, %mul3A_1934 : i32
      %add3A_1936 = arith.addi %mul3A_4, %mul3A_1935 : i32
      %dma_start3A_1937 = arith.constant 0 : i32
      %dma_start3A_1938 = tpu.memref_slice %arg16[%add3A_1936] : memref<1048576xf32, #tpu.memory_space<vmem_shared>> -> memref<128xf32, #tpu.memory_space<vmem_shared>>
      %dma_start3A_1939 = tpu.memref_slice %arg8[%squeeze3A_1933, %mul3A_1931] : memref<1000x100000xf32, #tpu.memory_space<hbm>> -> memref<1x128xf32, #tpu.memory_space<hbm>>
      %dma_start3A_1940 = arith.constant 0 : i32
      %dma_start3A_1941 = tpu.memref_slice %dma_start3A_1939[%dma_start3A_1937, %dma_start3A_1940] : memref<1x128xf32, #tpu.memory_space<hbm>> -> memref<1x128xf32, #tpu.memory_space<hbm>>
      %dma_start3A_1942 = tpu.memref_squeeze %dma_start3A_1941 : memref<1x128xf32, #tpu.memory_space<hbm>> -> memref<128xf32, #tpu.memory_space<hbm>>
      tpu.enqueue_dma source(%dma_start3A_1942 : memref<128xf32, #tpu.memory_space<hbm>>) target(%dma_start3A_1938 : memref<128xf32, #tpu.memory_space<vmem_shared>>) target_semaphore(%arg23 : memref<!tpu.dma_semaphore, #tpu.memory_space<semaphore_mem>>)
      %mul3A_1943 = arith.constant 16 : i32
      %mul3A_1944 = arith.muli %scan3A_1296, %mul3A_1943 : i32
      %add3A_1945 = arith.constant 15 : i32
      %add3A_1946 = arith.addi %mul3A_1944, %add3A_1945 : i32
      %slice3A_1947 = vector.extract_strided_slice %get3A_1301 {offsets = [15], sizes = [1], strides = [1]} : vector<16xi32> to vector<1xi32>
      %squeeze3A_1948 = vector.extract %slice3A_1947[0] : i32 from vector<1xi32>
      %jit3A_1949 = arith.constant 128 : i32
      %div3A_1950 = arith.divsi %squeeze3A_1948, %jit3A_1949 : i32
      %sign3A_1951 = arith.constant 0 : i32
      %sign3A_1952 = arith.cmpi sgt, %squeeze3A_1948, %sign3A_1951 : i32
      %sign3A_1953 = arith.extui %sign3A_1952 : i1 to i32
      %sign3A_1954 = arith.constant 0 : i32
      %sign3A_1955 = arith.cmpi slt, %squeeze3A_1948, %sign3A_1954 : i32
      %sign3A_1956 = arith.extui %sign3A_1955 : i1 to i32
      %sign3A_1957 = arith.subi %sign3A_1953, %sign3A_1956 : i32
      %sign3A_1958 = arith.constant 0 : i32
      %sign3A_1959 = arith.cmpi sgt, %jit3A_1949, %sign3A_1958 : i32
      %sign3A_1960 = arith.extui %sign3A_1959 : i1 to i32
      %sign3A_1961 = arith.constant 0 : i32
      %sign3A_1962 = arith.cmpi slt, %jit3A_1949, %sign3A_1961 : i32
      %sign3A_1963 = arith.extui %sign3A_1962 : i1 to i32
      %sign3A_1964 = arith.subi %sign3A_1960, %sign3A_1963 : i32
      %ne3A_1965 = arith.cmpi ne, %sign3A_1957, %sign3A_1964 : i32
      %rem3A_1966 = arith.remsi %squeeze3A_1948, %jit3A_1949 : i32
      %ne3A_1967 = arith.constant 0 : i32
      %ne3A_1968 = arith.cmpi ne, %rem3A_1966, %ne3A_1967 : i32
      %and3A_1969 = arith.andi %ne3A_1965, %ne3A_1968 : i1
      %sub3A_1970 = arith.constant 1 : i32
      %sub3A_1971 = arith.subi %div3A_1950, %sub3A_1970 : i32
      %select_n3A_1972 = arith.select %and3A_1969, %sub3A_1971, %div3A_1950 : i32
      %mul3A_1973 = arith.constant 128 : i32
      %mul3A_1974 = arith.muli %select_n3A_1972, %mul3A_1973 : i32
      %slice3A_1975 = vector.extract_strided_slice %get3A_1306 {offsets = [15], sizes = [1], strides = [1]} : vector<16xi32> to vector<1xi32>
      %squeeze3A_1976 = vector.extract %slice3A_1975[0] : i32 from vector<1xi32>
      %mul3A_1977 = arith.constant 128 : i32
      %mul3A_1978 = arith.muli %add3A_1946, %mul3A_1977 : i32
      %add3A_1979 = arith.addi %mul3A_4, %mul3A_1978 : i32
      %dma_start3A_1980 = arith.constant 0 : i32
      %dma_start3A_1981 = tpu.memref_slice %arg16[%add3A_1979] : memref<1048576xf32, #tpu.memory_space<vmem_shared>> -> memref<128xf32, #tpu.memory_space<vmem_shared>>
      %dma_start3A_1982 = tpu.memref_slice %arg8[%squeeze3A_1976, %mul3A_1974] : memref<1000x100000xf32, #tpu.memory_space<hbm>> -> memref<1x128xf32, #tpu.memory_space<hbm>>
      %dma_start3A_1983 = arith.constant 0 : i32
      %dma_start3A_1984 = tpu.memref_slice %dma_start3A_1982[%dma_start3A_1980, %dma_start3A_1983] : memref<1x128xf32, #tpu.memory_space<hbm>> -> memref<1x128xf32, #tpu.memory_space<hbm>>
      %dma_start3A_1985 = tpu.memref_squeeze %dma_start3A_1984 : memref<1x128xf32, #tpu.memory_space<hbm>> -> memref<128xf32, #tpu.memory_space<hbm>>
      tpu.enqueue_dma source(%dma_start3A_1985 : memref<128xf32, #tpu.memory_space<hbm>>) target(%dma_start3A_1981 : memref<128xf32, #tpu.memory_space<vmem_shared>>) target_semaphore(%arg23 : memref<!tpu.dma_semaphore, #tpu.memory_space<semaphore_mem>>)
    }
    %scan3A_15 = arith.constant 32 : i32
    %dma_start3A_16 = arith.constant 0 : i32
    %dma_start3A_17 = tpu.memref_slice %arg17[%dma_start3A_16] : memref<512xf32, #tpu.memory_space<vmem>> -> memref<128xf32, #tpu.memory_space<vmem>>
    %dma_start3A_18 = arith.constant 0 : i32
    %dma_start3A_19 = tpu.memref_slice %arg13[%dma_start3A_18] : memref<512xi32, #tpu.memory_space<vmem>> -> memref<128xi32, #tpu.memory_space<vmem>>
    %dma_start3A_20 = arith.constant 0 : i32
    %dma_start3A_21 = tpu.memref_slice %arg4[%dma_start3A_20] : memref<100000xf32, #tpu.memory_space<hbm>> -> memref<100000xf32, #tpu.memory_space<hbm>>
    tpu.enqueue_indirect_dma source(%dma_start3A_21 : memref<100000xf32, #tpu.memory_space<hbm>>) target(%dma_start3A_17 : memref<128xf32, #tpu.memory_space<vmem>>) offsets(%dma_start3A_19 : memref<128xi32, #tpu.memory_space<vmem>>) semaphore(%arg22 : memref<!tpu.dma_semaphore, #tpu.memory_space<semaphore_mem>>)
    %dma_start3A_22 = arith.constant 0 : i32
    %dma_start3A_23 = tpu.memref_slice %arg18[%dma_start3A_22] : memref<512xf32, #tpu.memory_space<vmem>> -> memref<128xf32, #tpu.memory_space<vmem>>
    %dma_start3A_24 = arith.constant 0 : i32
    %dma_start3A_25 = tpu.memref_slice %arg13[%dma_start3A_24] : memref<512xi32, #tpu.memory_space<vmem>> -> memref<128xi32, #tpu.memory_space<vmem>>
    %dma_start3A_26 = arith.constant 0 : i32
    %dma_start3A_27 = tpu.memref_slice %arg5[%dma_start3A_26] : memref<100000xf32, #tpu.memory_space<hbm>> -> memref<100000xf32, #tpu.memory_space<hbm>>
    tpu.enqueue_indirect_dma source(%dma_start3A_27 : memref<100000xf32, #tpu.memory_space<hbm>>) target(%dma_start3A_23 : memref<128xf32, #tpu.memory_space<vmem>>) offsets(%dma_start3A_25 : memref<128xi32, #tpu.memory_space<vmem>>) semaphore(%arg22 : memref<!tpu.dma_semaphore, #tpu.memory_space<semaphore_mem>>)
    %dma_start3A_28 = arith.constant 0 : i32
    %dma_start3A_29 = tpu.memref_slice %arg19[%dma_start3A_28] : memref<512xf32, #tpu.memory_space<vmem>> -> memref<128xf32, #tpu.memory_space<vmem>>
    %dma_start3A_30 = arith.constant 0 : i32
    %dma_start3A_31 = tpu.memref_slice %arg13[%dma_start3A_30] : memref<512xi32, #tpu.memory_space<vmem>> -> memref<128xi32, #tpu.memory_space<vmem>>
    %dma_start3A_32 = arith.constant 0 : i32
    %dma_start3A_33 = tpu.memref_slice %arg6[%dma_start3A_32] : memref<100000xf32, #tpu.memory_space<hbm>> -> memref<100000xf32, #tpu.memory_space<hbm>>
    tpu.enqueue_indirect_dma source(%dma_start3A_33 : memref<100000xf32, #tpu.memory_space<hbm>>) target(%dma_start3A_29 : memref<128xf32, #tpu.memory_space<vmem>>) offsets(%dma_start3A_31 : memref<128xi32, #tpu.memory_space<vmem>>) semaphore(%arg22 : memref<!tpu.dma_semaphore, #tpu.memory_space<semaphore_mem>>)
    %dma_start3A_34 = arith.constant 0 : i32
    %dma_start3A_35 = tpu.memref_slice %arg20[%dma_start3A_34] : memref<512xf32, #tpu.memory_space<vmem>> -> memref<128xf32, #tpu.memory_space<vmem>>
    %dma_start3A_36 = arith.constant 0 : i32
    %dma_start3A_37 = tpu.memref_slice %arg13[%dma_start3A_36] : memref<512xi32, #tpu.memory_space<vmem>> -> memref<128xi32, #tpu.memory_space<vmem>>
    %dma_start3A_38 = arith.constant 0 : i32
    %dma_start3A_39 = tpu.memref_slice %arg7[%dma_start3A_38] : memref<100000xf32, #tpu.memory_space<hbm>> -> memref<100000xf32, #tpu.memory_space<hbm>>
    tpu.enqueue_indirect_dma source(%dma_start3A_39 : memref<100000xf32, #tpu.memory_space<hbm>>) target(%dma_start3A_35 : memref<128xf32, #tpu.memory_space<vmem>>) offsets(%dma_start3A_37 : memref<128xi32, #tpu.memory_space<vmem>>) semaphore(%arg22 : memref<!tpu.dma_semaphore, #tpu.memory_space<semaphore_mem>>)
    %dma_start3A_40 = arith.constant 128 : i32
    %dma_start3A_41 = tpu.memref_slice %arg17[%dma_start3A_40] : memref<512xf32, #tpu.memory_space<vmem>> -> memref<128xf32, #tpu.memory_space<vmem>>
    %dma_start3A_42 = arith.constant 128 : i32
    %dma_start3A_43 = tpu.memref_slice %arg13[%dma_start3A_42] : memref<512xi32, #tpu.memory_space<vmem>> -> memref<128xi32, #tpu.memory_space<vmem>>
    %dma_start3A_44 = arith.constant 0 : i32
    %dma_start3A_45 = tpu.memref_slice %arg4[%dma_start3A_44] : memref<100000xf32, #tpu.memory_space<hbm>> -> memref<100000xf32, #tpu.memory_space<hbm>>
    tpu.enqueue_indirect_dma source(%dma_start3A_45 : memref<100000xf32, #tpu.memory_space<hbm>>) target(%dma_start3A_41 : memref<128xf32, #tpu.memory_space<vmem>>) offsets(%dma_start3A_43 : memref<128xi32, #tpu.memory_space<vmem>>) semaphore(%arg22 : memref<!tpu.dma_semaphore, #tpu.memory_space<semaphore_mem>>)
    %dma_start3A_46 = arith.constant 128 : i32
    %dma_start3A_47 = tpu.memref_slice %arg18[%dma_start3A_46] : memref<512xf32, #tpu.memory_space<vmem>> -> memref<128xf32, #tpu.memory_space<vmem>>
    %dma_start3A_48 = arith.constant 128 : i32
    %dma_start3A_49 = tpu.memref_slice %arg13[%dma_start3A_48] : memref<512xi32, #tpu.memory_space<vmem>> -> memref<128xi32, #tpu.memory_space<vmem>>
    %dma_start3A_50 = arith.constant 0 : i32
    %dma_start3A_51 = tpu.memref_slice %arg5[%dma_start3A_50] : memref<100000xf32, #tpu.memory_space<hbm>> -> memref<100000xf32, #tpu.memory_space<hbm>>
    tpu.enqueue_indirect_dma source(%dma_start3A_51 : memref<100000xf32, #tpu.memory_space<hbm>>) target(%dma_start3A_47 : memref<128xf32, #tpu.memory_space<vmem>>) offsets(%dma_start3A_49 : memref<128xi32, #tpu.memory_space<vmem>>) semaphore(%arg22 : memref<!tpu.dma_semaphore, #tpu.memory_space<semaphore_mem>>)
    %dma_start3A_52 = arith.constant 128 : i32
    %dma_start3A_53 = tpu.memref_slice %arg19[%dma_start3A_52] : memref<512xf32, #tpu.memory_space<vmem>> -> memref<128xf32, #tpu.memory_space<vmem>>
    %dma_start3A_54 = arith.constant 128 : i32
    %dma_start3A_55 = tpu.memref_slice %arg13[%dma_start3A_54] : memref<512xi32, #tpu.memory_space<vmem>> -> memref<128xi32, #tpu.memory_space<vmem>>
    %dma_start3A_56 = arith.constant 0 : i32
    %dma_start3A_57 = tpu.memref_slice %arg6[%dma_start3A_56] : memref<100000xf32, #tpu.memory_space<hbm>> -> memref<100000xf32, #tpu.memory_space<hbm>>
    tpu.enqueue_indirect_dma source(%dma_start3A_57 : memref<100000xf32, #tpu.memory_space<hbm>>) target(%dma_start3A_53 : memref<128xf32, #tpu.memory_space<vmem>>) offsets(%dma_start3A_55 : memref<128xi32, #tpu.memory_space<vmem>>) semaphore(%arg22 : memref<!tpu.dma_semaphore, #tpu.memory_space<semaphore_mem>>)
    %dma_start3A_58 = arith.constant 128 : i32
    %dma_start3A_59 = tpu.memref_slice %arg20[%dma_start3A_58] : memref<512xf32, #tpu.memory_space<vmem>> -> memref<128xf32, #tpu.memory_space<vmem>>
    %dma_start3A_60 = arith.constant 128 : i32
    %dma_start3A_61 = tpu.memref_slice %arg13[%dma_start3A_60] : memref<512xi32, #tpu.memory_space<vmem>> -> memref<128xi32, #tpu.memory_space<vmem>>
    %dma_start3A_62 = arith.constant 0 : i32
    %dma_start3A_63 = tpu.memref_slice %arg7[%dma_start3A_62] : memref<100000xf32, #tpu.memory_space<hbm>> -> memref<100000xf32, #tpu.memory_space<hbm>>
    tpu.enqueue_indirect_dma source(%dma_start3A_63 : memref<100000xf32, #tpu.memory_space<hbm>>) target(%dma_start3A_59 : memref<128xf32, #tpu.memory_space<vmem>>) offsets(%dma_start3A_61 : memref<128xi32, #tpu.memory_space<vmem>>) semaphore(%arg22 : memref<!tpu.dma_semaphore, #tpu.memory_space<semaphore_mem>>)
    %dma_start3A_64 = arith.constant 256 : i32
    %dma_start3A_65 = tpu.memref_slice %arg17[%dma_start3A_64] : memref<512xf32, #tpu.memory_space<vmem>> -> memref<128xf32, #tpu.memory_space<vmem>>
    %dma_start3A_66 = arith.constant 256 : i32
    %dma_start3A_67 = tpu.memref_slice %arg13[%dma_start3A_66] : memref<512xi32, #tpu.memory_space<vmem>> -> memref<128xi32, #tpu.memory_space<vmem>>
    %dma_start3A_68 = arith.constant 0 : i32
    %dma_start3A_69 = tpu.memref_slice %arg4[%dma_start3A_68] : memref<100000xf32, #tpu.memory_space<hbm>> -> memref<100000xf32, #tpu.memory_space<hbm>>
    tpu.enqueue_indirect_dma source(%dma_start3A_69 : memref<100000xf32, #tpu.memory_space<hbm>>) target(%dma_start3A_65 : memref<128xf32, #tpu.memory_space<vmem>>) offsets(%dma_start3A_67 : memref<128xi32, #tpu.memory_space<vmem>>) semaphore(%arg22 : memref<!tpu.dma_semaphore, #tpu.memory_space<semaphore_mem>>)
    %dma_start3A_70 = arith.constant 256 : i32
    %dma_start3A_71 = tpu.memref_slice %arg18[%dma_start3A_70] : memref<512xf32, #tpu.memory_space<vmem>> -> memref<128xf32, #tpu.memory_space<vmem>>
    %dma_start3A_72 = arith.constant 256 : i32
    %dma_start3A_73 = tpu.memref_slice %arg13[%dma_start3A_72] : memref<512xi32, #tpu.memory_space<vmem>> -> memref<128xi32, #tpu.memory_space<vmem>>
    %dma_start3A_74 = arith.constant 0 : i32
    %dma_start3A_75 = tpu.memref_slice %arg5[%dma_start3A_74] : memref<100000xf32, #tpu.memory_space<hbm>> -> memref<100000xf32, #tpu.memory_space<hbm>>
    tpu.enqueue_indirect_dma source(%dma_start3A_75 : memref<100000xf32, #tpu.memory_space<hbm>>) target(%dma_start3A_71 : memref<128xf32, #tpu.memory_space<vmem>>) offsets(%dma_start3A_73 : memref<128xi32, #tpu.memory_space<vmem>>) semaphore(%arg22 : memref<!tpu.dma_semaphore, #tpu.memory_space<semaphore_mem>>)
    %dma_start3A_76 = arith.constant 256 : i32
    %dma_start3A_77 = tpu.memref_slice %arg19[%dma_start3A_76] : memref<512xf32, #tpu.memory_space<vmem>> -> memref<128xf32, #tpu.memory_space<vmem>>
    %dma_start3A_78 = arith.constant 256 : i32
    %dma_start3A_79 = tpu.memref_slice %arg13[%dma_start3A_78] : memref<512xi32, #tpu.memory_space<vmem>> -> memref<128xi32, #tpu.memory_space<vmem>>
    %dma_start3A_80 = arith.constant 0 : i32
    %dma_start3A_81 = tpu.memref_slice %arg6[%dma_start3A_80] : memref<100000xf32, #tpu.memory_space<hbm>> -> memref<100000xf32, #tpu.memory_space<hbm>>
    tpu.enqueue_indirect_dma source(%dma_start3A_81 : memref<100000xf32, #tpu.memory_space<hbm>>) target(%dma_start3A_77 : memref<128xf32, #tpu.memory_space<vmem>>) offsets(%dma_start3A_79 : memref<128xi32, #tpu.memory_space<vmem>>) semaphore(%arg22 : memref<!tpu.dma_semaphore, #tpu.memory_space<semaphore_mem>>)
    %dma_start3A_82 = arith.constant 256 : i32
    %dma_start3A_83 = tpu.memref_slice %arg20[%dma_start3A_82] : memref<512xf32, #tpu.memory_space<vmem>> -> memref<128xf32, #tpu.memory_space<vmem>>
    %dma_start3A_84 = arith.constant 256 : i32
    %dma_start3A_85 = tpu.memref_slice %arg13[%dma_start3A_84] : memref<512xi32, #tpu.memory_space<vmem>> -> memref<128xi32, #tpu.memory_space<vmem>>
    %dma_start3A_86 = arith.constant 0 : i32
    %dma_start3A_87 = tpu.memref_slice %arg7[%dma_start3A_86] : memref<100000xf32, #tpu.memory_space<hbm>> -> memref<100000xf32, #tpu.memory_space<hbm>>
    tpu.enqueue_indirect_dma source(%dma_start3A_87 : memref<100000xf32, #tpu.memory_space<hbm>>) target(%dma_start3A_83 : memref<128xf32, #tpu.memory_space<vmem>>) offsets(%dma_start3A_85 : memref<128xi32, #tpu.memory_space<vmem>>) semaphore(%arg22 : memref<!tpu.dma_semaphore, #tpu.memory_space<semaphore_mem>>)
    %dma_start3A_88 = arith.constant 384 : i32
    %dma_start3A_89 = tpu.memref_slice %arg17[%dma_start3A_88] : memref<512xf32, #tpu.memory_space<vmem>> -> memref<128xf32, #tpu.memory_space<vmem>>
    %dma_start3A_90 = arith.constant 384 : i32
    %dma_start3A_91 = tpu.memref_slice %arg13[%dma_start3A_90] : memref<512xi32, #tpu.memory_space<vmem>> -> memref<128xi32, #tpu.memory_space<vmem>>
    %dma_start3A_92 = arith.constant 0 : i32
    %dma_start3A_93 = tpu.memref_slice %arg4[%dma_start3A_92] : memref<100000xf32, #tpu.memory_space<hbm>> -> memref<100000xf32, #tpu.memory_space<hbm>>
    tpu.enqueue_indirect_dma source(%dma_start3A_93 : memref<100000xf32, #tpu.memory_space<hbm>>) target(%dma_start3A_89 : memref<128xf32, #tpu.memory_space<vmem>>) offsets(%dma_start3A_91 : memref<128xi32, #tpu.memory_space<vmem>>) semaphore(%arg22 : memref<!tpu.dma_semaphore, #tpu.memory_space<semaphore_mem>>)
    %dma_start3A_94 = arith.constant 384 : i32
    %dma_start3A_95 = tpu.memref_slice %arg18[%dma_start3A_94] : memref<512xf32, #tpu.memory_space<vmem>> -> memref<128xf32, #tpu.memory_space<vmem>>
    %dma_start3A_96 = arith.constant 384 : i32
    %dma_start3A_97 = tpu.memref_slice %arg13[%dma_start3A_96] : memref<512xi32, #tpu.memory_space<vmem>> -> memref<128xi32, #tpu.memory_space<vmem>>
    %dma_start3A_98 = arith.constant 0 : i32
    %dma_start3A_99 = tpu.memref_slice %arg5[%dma_start3A_98] : memref<100000xf32, #tpu.memory_space<hbm>> -> memref<100000xf32, #tpu.memory_space<hbm>>
    tpu.enqueue_indirect_dma source(%dma_start3A_99 : memref<100000xf32, #tpu.memory_space<hbm>>) target(%dma_start3A_95 : memref<128xf32, #tpu.memory_space<vmem>>) offsets(%dma_start3A_97 : memref<128xi32, #tpu.memory_space<vmem>>) semaphore(%arg22 : memref<!tpu.dma_semaphore, #tpu.memory_space<semaphore_mem>>)
    %dma_start3A_100 = arith.constant 384 : i32
    %dma_start3A_101 = tpu.memref_slice %arg19[%dma_start3A_100] : memref<512xf32, #tpu.memory_space<vmem>> -> memref<128xf32, #tpu.memory_space<vmem>>
    %dma_start3A_102 = arith.constant 384 : i32
    %dma_start3A_103 = tpu.memref_slice %arg13[%dma_start3A_102] : memref<512xi32, #tpu.memory_space<vmem>> -> memref<128xi32, #tpu.memory_space<vmem>>
    %dma_start3A_104 = arith.constant 0 : i32
    %dma_start3A_105 = tpu.memref_slice %arg6[%dma_start3A_104] : memref<100000xf32, #tpu.memory_space<hbm>> -> memref<100000xf32, #tpu.memory_space<hbm>>
    tpu.enqueue_indirect_dma source(%dma_start3A_105 : memref<100000xf32, #tpu.memory_space<hbm>>) target(%dma_start3A_101 : memref<128xf32, #tpu.memory_space<vmem>>) offsets(%dma_start3A_103 : memref<128xi32, #tpu.memory_space<vmem>>) semaphore(%arg22 : memref<!tpu.dma_semaphore, #tpu.memory_space<semaphore_mem>>)
    %dma_start3A_106 = arith.constant 384 : i32
    %dma_start3A_107 = tpu.memref_slice %arg20[%dma_start3A_106] : memref<512xf32, #tpu.memory_space<vmem>> -> memref<128xf32, #tpu.memory_space<vmem>>
    %dma_start3A_108 = arith.constant 384 : i32
    %dma_start3A_109 = tpu.memref_slice %arg13[%dma_start3A_108] : memref<512xi32, #tpu.memory_space<vmem>> -> memref<128xi32, #tpu.memory_space<vmem>>
    %dma_start3A_110 = arith.constant 0 : i32
    %dma_start3A_111 = tpu.memref_slice %arg7[%dma_start3A_110] : memref<100000xf32, #tpu.memory_space<hbm>> -> memref<100000xf32, #tpu.memory_space<hbm>>
    tpu.enqueue_indirect_dma source(%dma_start3A_111 : memref<100000xf32, #tpu.memory_space<hbm>>) target(%dma_start3A_107 : memref<128xf32, #tpu.memory_space<vmem>>) offsets(%dma_start3A_109 : memref<128xi32, #tpu.memory_space<vmem>>) semaphore(%arg22 : memref<!tpu.dma_semaphore, #tpu.memory_space<semaphore_mem>>)
    %get3A = arith.constant 0 : index
    %get3A_112 = tpu.vector_load %arg13[%get3A] {strides = array<i32>} : memref<512xi32, #tpu.memory_space<vmem>>, vector<16xi32>,
    %get3A_113 = vector.shape_cast %get3A_112 : vector<16xi32> to vector<16xi32>
    %add3A_114 = arith.constant 0 : i32
    %add3A_115 = vector.broadcast %add3A_114 : i32 to vector<16xi32>
    %add3A_116 = arith.addi %iota3A, %add3A_115 : vector<16xi32>
    %mul3A_117 = arith.constant 128 : i32
    %mul3A_118 = vector.broadcast %mul3A_117 : i32 to vector<16xi32>
    %mul3A_119 = arith.muli %add3A_116, %mul3A_118 : vector<16xi32>
    %add3A_120 = vector.broadcast %mul3A_4 : i32 to vector<16xi32>
    %add3A_121 = arith.addi %add3A_120, %mul3A_119 : vector<16xi32>
    %and3A = arith.constant 127 : i32
    %and3A_122 = vector.broadcast %and3A : i32 to vector<16xi32>
    %and3A_123 = arith.andi %get3A_113, %and3A_122 : vector<16xi32>
    %add3A_124 = arith.addi %add3A_121, %and3A_123 : vector<16xi32>
    %swap3A = arith.constant 0 : i32
    %swap3A_125 = arith.index_cast %swap3A : i32 to index
    %swap3A_126 = arith.constant 0 : index
    %swap3A_127 = tpu.vector_load %arg15[%swap3A_125, %swap3A_126] {strides = array<i32>} : memref<4x128xi32, #tpu.memory_space<vmem>>, vector<1x16xi32>,
    %swap3A_128 = vector.shape_cast %swap3A_127 : vector<1x16xi32> to vector<16xi32>
    %swap3A_129 = vector.shape_cast %add3A_124 : vector<16xi32> to vector<1x16xi32>
    tpu.vector_store %arg15[%swap3A_125, %swap3A_126], %swap3A_129 {strides = array<i32>} : memref<4x128xi32, #tpu.memory_space<vmem>>, vector<1x16xi32>,
    %get3A_130 = arith.constant 16 : index
    %get3A_131 = tpu.vector_load %arg13[%get3A_130] {strides = array<i32>} : memref<512xi32, #tpu.memory_space<vmem>>, vector<16xi32>,
    %get3A_132 = vector.shape_cast %get3A_131 : vector<16xi32> to vector<16xi32>
    %add3A_133 = arith.constant 16 : i32
    %add3A_134 = vector.broadcast %add3A_133 : i32 to vector<16xi32>
    %add3A_135 = arith.addi %iota3A, %add3A_134 : vector<16xi32>
    %mul3A_136 = arith.constant 128 : i32
    %mul3A_137 = vector.broadcast %mul3A_136 : i32 to vector<16xi32>
    %mul3A_138 = arith.muli %add3A_135, %mul3A_137 : vector<16xi32>
    %add3A_139 = vector.broadcast %mul3A_4 : i32 to vector<16xi32>
    %add3A_140 = arith.addi %add3A_139, %mul3A_138 : vector<16xi32>
    %and3A_141 = arith.constant 127 : i32
    %and3A_142 = vector.broadcast %and3A_141 : i32 to vector<16xi32>
    %and3A_143 = arith.andi %get3A_132, %and3A_142 : vector<16xi32>
    %add3A_144 = arith.addi %add3A_140, %and3A_143 : vector<16xi32>
    %swap3A_145 = arith.constant 0 : i32
    %swap3A_146 = arith.index_cast %swap3A_145 : i32 to index
    %swap3A_147 = arith.constant 16 : index
    %swap3A_148 = tpu.vector_load %arg15[%swap3A_146, %swap3A_147] {strides = array<i32>} : memref<4x128xi32, #tpu.memory_space<vmem>>, vector<1x16xi32>,
    %swap3A_149 = vector.shape_cast %swap3A_148 : vector<1x16xi32> to vector<16xi32>
    %swap3A_150 = vector.shape_cast %add3A_144 : vector<16xi32> to vector<1x16xi32>
    tpu.vector_store %arg15[%swap3A_146, %swap3A_147], %swap3A_150 {strides = array<i32>} : memref<4x128xi32, #tpu.memory_space<vmem>>, vector<1x16xi32>,
    %get3A_151 = arith.constant 32 : index
    %get3A_152 = tpu.vector_load %arg13[%get3A_151] {strides = array<i32>} : memref<512xi32, #tpu.memory_space<vmem>>, vector<16xi32>,
    %get3A_153 = vector.shape_cast %get3A_152 : vector<16xi32> to vector<16xi32>
    %add3A_154 = arith.constant 32 : i32
    %add3A_155 = vector.broadcast %add3A_154 : i32 to vector<16xi32>
    %add3A_156 = arith.addi %iota3A, %add3A_155 : vector<16xi32>
    %mul3A_157 = arith.constant 128 : i32
    %mul3A_158 = vector.broadcast %mul3A_157 : i32 to vector<16xi32>
    %mul3A_159 = arith.muli %add3A_156, %mul3A_158 : vector<16xi32>
    %add3A_160 = vector.broadcast %mul3A_4 : i32 to vector<16xi32>
    %add3A_161 = arith.addi %add3A_160, %mul3A_159 : vector<16xi32>
    %and3A_162 = arith.constant 127 : i32
    %and3A_163 = vector.broadcast %and3A_162 : i32 to vector<16xi32>
    %and3A_164 = arith.andi %get3A_153, %and3A_163 : vector<16xi32>
    %add3A_165 = arith.addi %add3A_161, %and3A_164 : vector<16xi32>
    %swap3A_166 = arith.constant 0 : i32
    %swap3A_167 = arith.index_cast %swap3A_166 : i32 to index
    %swap3A_168 = arith.constant 32 : index
    %swap3A_169 = tpu.vector_load %arg15[%swap3A_167, %swap3A_168] {strides = array<i32>} : memref<4x128xi32, #tpu.memory_space<vmem>>, vector<1x16xi32>,
    %swap3A_170 = vector.shape_cast %swap3A_169 : vector<1x16xi32> to vector<16xi32>
    %swap3A_171 = vector.shape_cast %add3A_165 : vector<16xi32> to vector<1x16xi32>
    tpu.vector_store %arg15[%swap3A_167, %swap3A_168], %swap3A_171 {strides = array<i32>} : memref<4x128xi32, #tpu.memory_space<vmem>>, vector<1x16xi32>,
    %get3A_172 = arith.constant 48 : index
    %get3A_173 = tpu.vector_load %arg13[%get3A_172] {strides = array<i32>} : memref<512xi32, #tpu.memory_space<vmem>>, vector<16xi32>,
    %get3A_174 = vector.shape_cast %get3A_173 : vector<16xi32> to vector<16xi32>
    %add3A_175 = arith.constant 48 : i32
    %add3A_176 = vector.broadcast %add3A_175 : i32 to vector<16xi32>
    %add3A_177 = arith.addi %iota3A, %add3A_176 : vector<16xi32>
    %mul3A_178 = arith.constant 128 : i32
    %mul3A_179 = vector.broadcast %mul3A_178 : i32 to vector<16xi32>
    %mul3A_180 = arith.muli %add3A_177, %mul3A_179 : vector<16xi32>
    %add3A_181 = vector.broadcast %mul3A_4 : i32 to vector<16xi32>
    %add3A_182 = arith.addi %add3A_181, %mul3A_180 : vector<16xi32>
    %and3A_183 = arith.constant 127 : i32
    %and3A_184 = vector.broadcast %and3A_183 : i32 to vector<16xi32>
    %and3A_185 = arith.andi %get3A_174, %and3A_184 : vector<16xi32>
    %add3A_186 = arith.addi %add3A_182, %and3A_185 : vector<16xi32>
    %swap3A_187 = arith.constant 0 : i32
    %swap3A_188 = arith.index_cast %swap3A_187 : i32 to index
    %swap3A_189 = arith.constant 48 : index
    %swap3A_190 = tpu.vector_load %arg15[%swap3A_188, %swap3A_189] {strides = array<i32>} : memref<4x128xi32, #tpu.memory_space<vmem>>, vector<1x16xi32>,
    %swap3A_191 = vector.shape_cast %swap3A_190 : vector<1x16xi32> to vector<16xi32>
    %swap3A_192 = vector.shape_cast %add3A_186 : vector<16xi32> to vector<1x16xi32>
    tpu.vector_store %arg15[%swap3A_188, %swap3A_189], %swap3A_192 {strides = array<i32>} : memref<4x128xi32, #tpu.memory_space<vmem>>, vector<1x16xi32>,
    %get3A_193 = arith.constant 64 : index
    %get3A_194 = tpu.vector_load %arg13[%get3A_193] {strides = array<i32>} : memref<512xi32, #tpu.memory_space<vmem>>, vector<16xi32>,
    %get3A_195 = vector.shape_cast %get3A_194 : vector<16xi32> to vector<16xi32>
    %add3A_196 = arith.constant 64 : i32
    %add3A_197 = vector.broadcast %add3A_196 : i32 to vector<16xi32>
    %add3A_198 = arith.addi %iota3A, %add3A_197 : vector<16xi32>
    %mul3A_199 = arith.constant 128 : i32
    %mul3A_200 = vector.broadcast %mul3A_199 : i32 to vector<16xi32>
    %mul3A_201 = arith.muli %add3A_198, %mul3A_200 : vector<16xi32>
    %add3A_202 = vector.broadcast %mul3A_4 : i32 to vector<16xi32>
    %add3A_203 = arith.addi %add3A_202, %mul3A_201 : vector<16xi32>
    %and3A_204 = arith.constant 127 : i32
    %and3A_205 = vector.broadcast %and3A_204 : i32 to vector<16xi32>
    %and3A_206 = arith.andi %get3A_195, %and3A_205 : vector<16xi32>
    %add3A_207 = arith.addi %add3A_203, %and3A_206 : vector<16xi32>
    %swap3A_208 = arith.constant 0 : i32
    %swap3A_209 = arith.index_cast %swap3A_208 : i32 to index
    %swap3A_210 = arith.constant 64 : index
    %swap3A_211 = tpu.vector_load %arg15[%swap3A_209, %swap3A_210] {strides = array<i32>} : memref<4x128xi32, #tpu.memory_space<vmem>>, vector<1x16xi32>,
    %swap3A_212 = vector.shape_cast %swap3A_211 : vector<1x16xi32> to vector<16xi32>
    %swap3A_213 = vector.shape_cast %add3A_207 : vector<16xi32> to vector<1x16xi32>
    tpu.vector_store %arg15[%swap3A_209, %swap3A_210], %swap3A_213 {strides = array<i32>} : memref<4x128xi32, #tpu.memory_space<vmem>>, vector<1x16xi32>,
    %get3A_214 = arith.constant 80 : index
    %get3A_215 = tpu.vector_load %arg13[%get3A_214] {strides = array<i32>} : memref<512xi32, #tpu.memory_space<vmem>>, vector<16xi32>,
    %get3A_216 = vector.shape_cast %get3A_215 : vector<16xi32> to vector<16xi32>
    %add3A_217 = arith.constant 80 : i32
    %add3A_218 = vector.broadcast %add3A_217 : i32 to vector<16xi32>
    %add3A_219 = arith.addi %iota3A, %add3A_218 : vector<16xi32>
    %mul3A_220 = arith.constant 128 : i32
    %mul3A_221 = vector.broadcast %mul3A_220 : i32 to vector<16xi32>
    %mul3A_222 = arith.muli %add3A_219, %mul3A_221 : vector<16xi32>
    %add3A_223 = vector.broadcast %mul3A_4 : i32 to vector<16xi32>
    %add3A_224 = arith.addi %add3A_223, %mul3A_222 : vector<16xi32>
    %and3A_225 = arith.constant 127 : i32
    %and3A_226 = vector.broadcast %and3A_225 : i32 to vector<16xi32>
    %and3A_227 = arith.andi %get3A_216, %and3A_226 : vector<16xi32>
    %add3A_228 = arith.addi %add3A_224, %and3A_227 : vector<16xi32>
    %swap3A_229 = arith.constant 0 : i32
    %swap3A_230 = arith.index_cast %swap3A_229 : i32 to index
    %swap3A_231 = arith.constant 80 : index
    %swap3A_232 = tpu.vector_load %arg15[%swap3A_230, %swap3A_231] {strides = array<i32>} : memref<4x128xi32, #tpu.memory_space<vmem>>, vector<1x16xi32>,
    %swap3A_233 = vector.shape_cast %swap3A_232 : vector<1x16xi32> to vector<16xi32>
    %swap3A_234 = vector.shape_cast %add3A_228 : vector<16xi32> to vector<1x16xi32>
    tpu.vector_store %arg15[%swap3A_230, %swap3A_231], %swap3A_234 {strides = array<i32>} : memref<4x128xi32, #tpu.memory_space<vmem>>, vector<1x16xi32>,
    %get3A_235 = arith.constant 96 : index
    %get3A_236 = tpu.vector_load %arg13[%get3A_235] {strides = array<i32>} : memref<512xi32, #tpu.memory_space<vmem>>, vector<16xi32>,
    %get3A_237 = vector.shape_cast %get3A_236 : vector<16xi32> to vector<16xi32>
    %add3A_238 = arith.constant 96 : i32
    %add3A_239 = vector.broadcast %add3A_238 : i32 to vector<16xi32>
    %add3A_240 = arith.addi %iota3A, %add3A_239 : vector<16xi32>
    %mul3A_241 = arith.constant 128 : i32
    %mul3A_242 = vector.broadcast %mul3A_241 : i32 to vector<16xi32>
    %mul3A_243 = arith.muli %add3A_240, %mul3A_242 : vector<16xi32>
    %add3A_244 = vector.broadcast %mul3A_4 : i32 to vector<16xi32>
    %add3A_245 = arith.addi %add3A_244, %mul3A_243 : vector<16xi32>
    %and3A_246 = arith.constant 127 : i32
    %and3A_247 = vector.broadcast %and3A_246 : i32 to vector<16xi32>
    %and3A_248 = arith.andi %get3A_237, %and3A_247 : vector<16xi32>
    %add3A_249 = arith.addi %add3A_245, %and3A_248 : vector<16xi32>
    %swap3A_250 = arith.constant 0 : i32
    %swap3A_251 = arith.index_cast %swap3A_250 : i32 to index
    %swap3A_252 = arith.constant 96 : index
    %swap3A_253 = tpu.vector_load %arg15[%swap3A_251, %swap3A_252] {strides = array<i32>} : memref<4x128xi32, #tpu.memory_space<vmem>>, vector<1x16xi32>,
    %swap3A_254 = vector.shape_cast %swap3A_253 : vector<1x16xi32> to vector<16xi32>
    %swap3A_255 = vector.shape_cast %add3A_249 : vector<16xi32> to vector<1x16xi32>
    tpu.vector_store %arg15[%swap3A_251, %swap3A_252], %swap3A_255 {strides = array<i32>} : memref<4x128xi32, #tpu.memory_space<vmem>>, vector<1x16xi32>,
    %get3A_256 = arith.constant 112 : index
    %get3A_257 = tpu.vector_load %arg13[%get3A_256] {strides = array<i32>} : memref<512xi32, #tpu.memory_space<vmem>>, vector<16xi32>,
    %get3A_258 = vector.shape_cast %get3A_257 : vector<16xi32> to vector<16xi32>
    %add3A_259 = arith.constant 112 : i32
    %add3A_260 = vector.broadcast %add3A_259 : i32 to vector<16xi32>
    %add3A_261 = arith.addi %iota3A, %add3A_260 : vector<16xi32>
    %mul3A_262 = arith.constant 128 : i32
    %mul3A_263 = vector.broadcast %mul3A_262 : i32 to vector<16xi32>
    %mul3A_264 = arith.muli %add3A_261, %mul3A_263 : vector<16xi32>
    %add3A_265 = vector.broadcast %mul3A_4 : i32 to vector<16xi32>
    %add3A_266 = arith.addi %add3A_265, %mul3A_264 : vector<16xi32>
    %and3A_267 = arith.constant 127 : i32
    %and3A_268 = vector.broadcast %and3A_267 : i32 to vector<16xi32>
    %and3A_269 = arith.andi %get3A_258, %and3A_268 : vector<16xi32>
    %add3A_270 = arith.addi %add3A_266, %and3A_269 : vector<16xi32>
    %swap3A_271 = arith.constant 0 : i32
    %swap3A_272 = arith.index_cast %swap3A_271 : i32 to index
    %swap3A_273 = arith.constant 112 : index
    %swap3A_274 = tpu.vector_load %arg15[%swap3A_272, %swap3A_273] {strides = array<i32>} : memref<4x128xi32, #tpu.memory_space<vmem>>, vector<1x16xi32>,
    %swap3A_275 = vector.shape_cast %swap3A_274 : vector<1x16xi32> to vector<16xi32>
    %swap3A_276 = vector.shape_cast %add3A_270 : vector<16xi32> to vector<1x16xi32>
    tpu.vector_store %arg15[%swap3A_272, %swap3A_273], %swap3A_276 {strides = array<i32>} : memref<4x128xi32, #tpu.memory_space<vmem>>, vector<1x16xi32>,
    %get3A_277 = arith.constant 128 : index
    %get3A_278 = tpu.vector_load %arg13[%get3A_277] {strides = array<i32>} : memref<512xi32, #tpu.memory_space<vmem>>, vector<16xi32>,
    %get3A_279 = vector.shape_cast %get3A_278 : vector<16xi32> to vector<16xi32>
    %add3A_280 = arith.constant 128 : i32
    %add3A_281 = vector.broadcast %add3A_280 : i32 to vector<16xi32>
    %add3A_282 = arith.addi %iota3A, %add3A_281 : vector<16xi32>
    %mul3A_283 = arith.constant 128 : i32
    %mul3A_284 = vector.broadcast %mul3A_283 : i32 to vector<16xi32>
    %mul3A_285 = arith.muli %add3A_282, %mul3A_284 : vector<16xi32>
    %add3A_286 = vector.broadcast %mul3A_4 : i32 to vector<16xi32>
    %add3A_287 = arith.addi %add3A_286, %mul3A_285 : vector<16xi32>
    %and3A_288 = arith.constant 127 : i32
    %and3A_289 = vector.broadcast %and3A_288 : i32 to vector<16xi32>
    %and3A_290 = arith.andi %get3A_279, %and3A_289 : vector<16xi32>
    %add3A_291 = arith.addi %add3A_287, %and3A_290 : vector<16xi32>
    %swap3A_292 = arith.constant 1 : i32
    %swap3A_293 = arith.index_cast %swap3A_292 : i32 to index
    %swap3A_294 = arith.constant 0 : index
    %swap3A_295 = tpu.vector_load %arg15[%swap3A_293, %swap3A_294] {strides = array<i32>} : memref<4x128xi32, #tpu.memory_space<vmem>>, vector<1x16xi32>,
    %swap3A_296 = vector.shape_cast %swap3A_295 : vector<1x16xi32> to vector<16xi32>
    %swap3A_297 = vector.shape_cast %add3A_291 : vector<16xi32> to vector<1x16xi32>
    tpu.vector_store %arg15[%swap3A_293, %swap3A_294], %swap3A_297 {strides = array<i32>} : memref<4x128xi32, #tpu.memory_space<vmem>>, vector<1x16xi32>,
    %get3A_298 = arith.constant 144 : index
    %get3A_299 = tpu.vector_load %arg13[%get3A_298] {strides = array<i32>} : memref<512xi32, #tpu.memory_space<vmem>>, vector<16xi32>,
    %get3A_300 = vector.shape_cast %get3A_299 : vector<16xi32> to vector<16xi32>
    %add3A_301 = arith.constant 144 : i32
    %add3A_302 = vector.broadcast %add3A_301 : i32 to vector<16xi32>
    %add3A_303 = arith.addi %iota3A, %add3A_302 : vector<16xi32>
    %mul3A_304 = arith.constant 128 : i32
    %mul3A_305 = vector.broadcast %mul3A_304 : i32 to vector<16xi32>
    %mul3A_306 = arith.muli %add3A_303, %mul3A_305 : vector<16xi32>
    %add3A_307 = vector.broadcast %mul3A_4 : i32 to vector<16xi32>
    %add3A_308 = arith.addi %add3A_307, %mul3A_306 : vector<16xi32>
    %and3A_309 = arith.constant 127 : i32
    %and3A_310 = vector.broadcast %and3A_309 : i32 to vector<16xi32>
    %and3A_311 = arith.andi %get3A_300, %and3A_310 : vector<16xi32>
    %add3A_312 = arith.addi %add3A_308, %and3A_311 : vector<16xi32>
    %swap3A_313 = arith.constant 1 : i32
    %swap3A_314 = arith.index_cast %swap3A_313 : i32 to index
    %swap3A_315 = arith.constant 16 : index
    %swap3A_316 = tpu.vector_load %arg15[%swap3A_314, %swap3A_315] {strides = array<i32>} : memref<4x128xi32, #tpu.memory_space<vmem>>, vector<1x16xi32>,
    %swap3A_317 = vector.shape_cast %swap3A_316 : vector<1x16xi32> to vector<16xi32>
    %swap3A_318 = vector.shape_cast %add3A_312 : vector<16xi32> to vector<1x16xi32>
    tpu.vector_store %arg15[%swap3A_314, %swap3A_315], %swap3A_318 {strides = array<i32>} : memref<4x128xi32, #tpu.memory_space<vmem>>, vector<1x16xi32>,
    %get3A_319 = arith.constant 160 : index
    %get3A_320 = tpu.vector_load %arg13[%get3A_319] {strides = array<i32>} : memref<512xi32, #tpu.memory_space<vmem>>, vector<16xi32>,
    %get3A_321 = vector.shape_cast %get3A_320 : vector<16xi32> to vector<16xi32>
    %add3A_322 = arith.constant 160 : i32
    %add3A_323 = vector.broadcast %add3A_322 : i32 to vector<16xi32>
    %add3A_324 = arith.addi %iota3A, %add3A_323 : vector<16xi32>
    %mul3A_325 = arith.constant 128 : i32
    %mul3A_326 = vector.broadcast %mul3A_325 : i32 to vector<16xi32>
    %mul3A_327 = arith.muli %add3A_324, %mul3A_326 : vector<16xi32>
    %add3A_328 = vector.broadcast %mul3A_4 : i32 to vector<16xi32>
    %add3A_329 = arith.addi %add3A_328, %mul3A_327 : vector<16xi32>
    %and3A_330 = arith.constant 127 : i32
    %and3A_331 = vector.broadcast %and3A_330 : i32 to vector<16xi32>
    %and3A_332 = arith.andi %get3A_321, %and3A_331 : vector<16xi32>
    %add3A_333 = arith.addi %add3A_329, %and3A_332 : vector<16xi32>
    %swap3A_334 = arith.constant 1 : i32
    %swap3A_335 = arith.index_cast %swap3A_334 : i32 to index
    %swap3A_336 = arith.constant 32 : index
    %swap3A_337 = tpu.vector_load %arg15[%swap3A_335, %swap3A_336] {strides = array<i32>} : memref<4x128xi32, #tpu.memory_space<vmem>>, vector<1x16xi32>,
    %swap3A_338 = vector.shape_cast %swap3A_337 : vector<1x16xi32> to vector<16xi32>
    %swap3A_339 = vector.shape_cast %add3A_333 : vector<16xi32> to vector<1x16xi32>
    tpu.vector_store %arg15[%swap3A_335, %swap3A_336], %swap3A_339 {strides = array<i32>} : memref<4x128xi32, #tpu.memory_space<vmem>>, vector<1x16xi32>,
    %get3A_340 = arith.constant 176 : index
    %get3A_341 = tpu.vector_load %arg13[%get3A_340] {strides = array<i32>} : memref<512xi32, #tpu.memory_space<vmem>>, vector<16xi32>,
    %get3A_342 = vector.shape_cast %get3A_341 : vector<16xi32> to vector<16xi32>
    %add3A_343 = arith.constant 176 : i32
    %add3A_344 = vector.broadcast %add3A_343 : i32 to vector<16xi32>
    %add3A_345 = arith.addi %iota3A, %add3A_344 : vector<16xi32>
    %mul3A_346 = arith.constant 128 : i32
    %mul3A_347 = vector.broadcast %mul3A_346 : i32 to vector<16xi32>
    %mul3A_348 = arith.muli %add3A_345, %mul3A_347 : vector<16xi32>
    %add3A_349 = vector.broadcast %mul3A_4 : i32 to vector<16xi32>
    %add3A_350 = arith.addi %add3A_349, %mul3A_348 : vector<16xi32>
    %and3A_351 = arith.constant 127 : i32
    %and3A_352 = vector.broadcast %and3A_351 : i32 to vector<16xi32>
    %and3A_353 = arith.andi %get3A_342, %and3A_352 : vector<16xi32>
    %add3A_354 = arith.addi %add3A_350, %and3A_353 : vector<16xi32>
    %swap3A_355 = arith.constant 1 : i32
    %swap3A_356 = arith.index_cast %swap3A_355 : i32 to index
    %swap3A_357 = arith.constant 48 : index
    %swap3A_358 = tpu.vector_load %arg15[%swap3A_356, %swap3A_357] {strides = array<i32>} : memref<4x128xi32, #tpu.memory_space<vmem>>, vector<1x16xi32>,
    %swap3A_359 = vector.shape_cast %swap3A_358 : vector<1x16xi32> to vector<16xi32>
    %swap3A_360 = vector.shape_cast %add3A_354 : vector<16xi32> to vector<1x16xi32>
    tpu.vector_store %arg15[%swap3A_356, %swap3A_357], %swap3A_360 {strides = array<i32>} : memref<4x128xi32, #tpu.memory_space<vmem>>, vector<1x16xi32>,
    %get3A_361 = arith.constant 192 : index
    %get3A_362 = tpu.vector_load %arg13[%get3A_361] {strides = array<i32>} : memref<512xi32, #tpu.memory_space<vmem>>, vector<16xi32>,
    %get3A_363 = vector.shape_cast %get3A_362 : vector<16xi32> to vector<16xi32>
    %add3A_364 = arith.constant 192 : i32
    %add3A_365 = vector.broadcast %add3A_364 : i32 to vector<16xi32>
    %add3A_366 = arith.addi %iota3A, %add3A_365 : vector<16xi32>
    %mul3A_367 = arith.constant 128 : i32
    %mul3A_368 = vector.broadcast %mul3A_367 : i32 to vector<16xi32>
    %mul3A_369 = arith.muli %add3A_366, %mul3A_368 : vector<16xi32>
    %add3A_370 = vector.broadcast %mul3A_4 : i32 to vector<16xi32>
    %add3A_371 = arith.addi %add3A_370, %mul3A_369 : vector<16xi32>
    %and3A_372 = arith.constant 127 : i32
    %and3A_373 = vector.broadcast %and3A_372 : i32 to vector<16xi32>
    %and3A_374 = arith.andi %get3A_363, %and3A_373 : vector<16xi32>
    %add3A_375 = arith.addi %add3A_371, %and3A_374 : vector<16xi32>
    %swap3A_376 = arith.constant 1 : i32
    %swap3A_377 = arith.index_cast %swap3A_376 : i32 to index
    %swap3A_378 = arith.constant 64 : index
    %swap3A_379 = tpu.vector_load %arg15[%swap3A_377, %swap3A_378] {strides = array<i32>} : memref<4x128xi32, #tpu.memory_space<vmem>>, vector<1x16xi32>,
    %swap3A_380 = vector.shape_cast %swap3A_379 : vector<1x16xi32> to vector<16xi32>
    %swap3A_381 = vector.shape_cast %add3A_375 : vector<16xi32> to vector<1x16xi32>
    tpu.vector_store %arg15[%swap3A_377, %swap3A_378], %swap3A_381 {strides = array<i32>} : memref<4x128xi32, #tpu.memory_space<vmem>>, vector<1x16xi32>,
    %get3A_382 = arith.constant 208 : index
    %get3A_383 = tpu.vector_load %arg13[%get3A_382] {strides = array<i32>} : memref<512xi32, #tpu.memory_space<vmem>>, vector<16xi32>,
    %get3A_384 = vector.shape_cast %get3A_383 : vector<16xi32> to vector<16xi32>
    %add3A_385 = arith.constant 208 : i32
    %add3A_386 = vector.broadcast %add3A_385 : i32 to vector<16xi32>
    %add3A_387 = arith.addi %iota3A, %add3A_386 : vector<16xi32>
    %mul3A_388 = arith.constant 128 : i32
    %mul3A_389 = vector.broadcast %mul3A_388 : i32 to vector<16xi32>
    %mul3A_390 = arith.muli %add3A_387, %mul3A_389 : vector<16xi32>
    %add3A_391 = vector.broadcast %mul3A_4 : i32 to vector<16xi32>
    %add3A_392 = arith.addi %add3A_391, %mul3A_390 : vector<16xi32>
    %and3A_393 = arith.constant 127 : i32
    %and3A_394 = vector.broadcast %and3A_393 : i32 to vector<16xi32>
    %and3A_395 = arith.andi %get3A_384, %and3A_394 : vector<16xi32>
    %add3A_396 = arith.addi %add3A_392, %and3A_395 : vector<16xi32>
    %swap3A_397 = arith.constant 1 : i32
    %swap3A_398 = arith.index_cast %swap3A_397 : i32 to index
    %swap3A_399 = arith.constant 80 : index
    %swap3A_400 = tpu.vector_load %arg15[%swap3A_398, %swap3A_399] {strides = array<i32>} : memref<4x128xi32, #tpu.memory_space<vmem>>, vector<1x16xi32>,
    %swap3A_401 = vector.shape_cast %swap3A_400 : vector<1x16xi32> to vector<16xi32>
    %swap3A_402 = vector.shape_cast %add3A_396 : vector<16xi32> to vector<1x16xi32>
    tpu.vector_store %arg15[%swap3A_398, %swap3A_399], %swap3A_402 {strides = array<i32>} : memref<4x128xi32, #tpu.memory_space<vmem>>, vector<1x16xi32>,
    %get3A_403 = arith.constant 224 : index
    %get3A_404 = tpu.vector_load %arg13[%get3A_403] {strides = array<i32>} : memref<512xi32, #tpu.memory_space<vmem>>, vector<16xi32>,
    %get3A_405 = vector.shape_cast %get3A_404 : vector<16xi32> to vector<16xi32>
    %add3A_406 = arith.constant 224 : i32
    %add3A_407 = vector.broadcast %add3A_406 : i32 to vector<16xi32>
    %add3A_408 = arith.addi %iota3A, %add3A_407 : vector<16xi32>
    %mul3A_409 = arith.constant 128 : i32
    %mul3A_410 = vector.broadcast %mul3A_409 : i32 to vector<16xi32>
    %mul3A_411 = arith.muli %add3A_408, %mul3A_410 : vector<16xi32>
    %add3A_412 = vector.broadcast %mul3A_4 : i32 to vector<16xi32>
    %add3A_413 = arith.addi %add3A_412, %mul3A_411 : vector<16xi32>
    %and3A_414 = arith.constant 127 : i32
    %and3A_415 = vector.broadcast %and3A_414 : i32 to vector<16xi32>
    %and3A_416 = arith.andi %get3A_405, %and3A_415 : vector<16xi32>
    %add3A_417 = arith.addi %add3A_413, %and3A_416 : vector<16xi32>
    %swap3A_418 = arith.constant 1 : i32
    %swap3A_419 = arith.index_cast %swap3A_418 : i32 to index
    %swap3A_420 = arith.constant 96 : index
    %swap3A_421 = tpu.vector_load %arg15[%swap3A_419, %swap3A_420] {strides = array<i32>} : memref<4x128xi32, #tpu.memory_space<vmem>>, vector<1x16xi32>,
    %swap3A_422 = vector.shape_cast %swap3A_421 : vector<1x16xi32> to vector<16xi32>
    %swap3A_423 = vector.shape_cast %add3A_417 : vector<16xi32> to vector<1x16xi32>
    tpu.vector_store %arg15[%swap3A_419, %swap3A_420], %swap3A_423 {strides = array<i32>} : memref<4x128xi32, #tpu.memory_space<vmem>>, vector<1x16xi32>,
    %get3A_424 = arith.constant 240 : index
    %get3A_425 = tpu.vector_load %arg13[%get3A_424] {strides = array<i32>} : memref<512xi32, #tpu.memory_space<vmem>>, vector<16xi32>,
    %get3A_426 = vector.shape_cast %get3A_425 : vector<16xi32> to vector<16xi32>
    %add3A_427 = arith.constant 240 : i32
    %add3A_428 = vector.broadcast %add3A_427 : i32 to vector<16xi32>
    %add3A_429 = arith.addi %iota3A, %add3A_428 : vector<16xi32>
    %mul3A_430 = arith.constant 128 : i32
    %mul3A_431 = vector.broadcast %mul3A_430 : i32 to vector<16xi32>
    %mul3A_432 = arith.muli %add3A_429, %mul3A_431 : vector<16xi32>
    %add3A_433 = vector.broadcast %mul3A_4 : i32 to vector<16xi32>
    %add3A_434 = arith.addi %add3A_433, %mul3A_432 : vector<16xi32>
    %and3A_435 = arith.constant 127 : i32
    %and3A_436 = vector.broadcast %and3A_435 : i32 to vector<16xi32>
    %and3A_437 = arith.andi %get3A_426, %and3A_436 : vector<16xi32>
    %add3A_438 = arith.addi %add3A_434, %and3A_437 : vector<16xi32>
    %swap3A_439 = arith.constant 1 : i32
    %swap3A_440 = arith.index_cast %swap3A_439 : i32 to index
    %swap3A_441 = arith.constant 112 : index
    %swap3A_442 = tpu.vector_load %arg15[%swap3A_440, %swap3A_441] {strides = array<i32>} : memref<4x128xi32, #tpu.memory_space<vmem>>, vector<1x16xi32>,
    %swap3A_443 = vector.shape_cast %swap3A_442 : vector<1x16xi32> to vector<16xi32>
    %swap3A_444 = vector.shape_cast %add3A_438 : vector<16xi32> to vector<1x16xi32>
    tpu.vector_store %arg15[%swap3A_440, %swap3A_441], %swap3A_444 {strides = array<i32>} : memref<4x128xi32, #tpu.memory_space<vmem>>, vector<1x16xi32>,
    %get3A_445 = arith.constant 256 : index
    %get3A_446 = tpu.vector_load %arg13[%get3A_445] {strides = array<i32>} : memref<512xi32, #tpu.memory_space<vmem>>, vector<16xi32>,
    %get3A_447 = vector.shape_cast %get3A_446 : vector<16xi32> to vector<16xi32>
    %add3A_448 = arith.constant 256 : i32
    %add3A_449 = vector.broadcast %add3A_448 : i32 to vector<16xi32>
    %add3A_450 = arith.addi %iota3A, %add3A_449 : vector<16xi32>
    %mul3A_451 = arith.constant 128 : i32
    %mul3A_452 = vector.broadcast %mul3A_451 : i32 to vector<16xi32>
    %mul3A_453 = arith.muli %add3A_450, %mul3A_452 : vector<16xi32>
    %add3A_454 = vector.broadcast %mul3A_4 : i32 to vector<16xi32>
    %add3A_455 = arith.addi %add3A_454, %mul3A_453 : vector<16xi32>
    %and3A_456 = arith.constant 127 : i32
    %and3A_457 = vector.broadcast %and3A_456 : i32 to vector<16xi32>
    %and3A_458 = arith.andi %get3A_447, %and3A_457 : vector<16xi32>
    %add3A_459 = arith.addi %add3A_455, %and3A_458 : vector<16xi32>
    %swap3A_460 = arith.constant 2 : i32
    %swap3A_461 = arith.index_cast %swap3A_460 : i32 to index
    %swap3A_462 = arith.constant 0 : index
    %swap3A_463 = tpu.vector_load %arg15[%swap3A_461, %swap3A_462] {strides = array<i32>} : memref<4x128xi32, #tpu.memory_space<vmem>>, vector<1x16xi32>,
    %swap3A_464 = vector.shape_cast %swap3A_463 : vector<1x16xi32> to vector<16xi32>
    %swap3A_465 = vector.shape_cast %add3A_459 : vector<16xi32> to vector<1x16xi32>
    tpu.vector_store %arg15[%swap3A_461, %swap3A_462], %swap3A_465 {strides = array<i32>} : memref<4x128xi32, #tpu.memory_space<vmem>>, vector<1x16xi32>,
    %get3A_466 = arith.constant 272 : index
    %get3A_467 = tpu.vector_load %arg13[%get3A_466] {strides = array<i32>} : memref<512xi32, #tpu.memory_space<vmem>>, vector<16xi32>,
    %get3A_468 = vector.shape_cast %get3A_467 : vector<16xi32> to vector<16xi32>
    %add3A_469 = arith.constant 272 : i32
    %add3A_470 = vector.broadcast %add3A_469 : i32 to vector<16xi32>
    %add3A_471 = arith.addi %iota3A, %add3A_470 : vector<16xi32>
    %mul3A_472 = arith.constant 128 : i32
    %mul3A_473 = vector.broadcast %mul3A_472 : i32 to vector<16xi32>
    %mul3A_474 = arith.muli %add3A_471, %mul3A_473 : vector<16xi32>
    %add3A_475 = vector.broadcast %mul3A_4 : i32 to vector<16xi32>
    %add3A_476 = arith.addi %add3A_475, %mul3A_474 : vector<16xi32>
    %and3A_477 = arith.constant 127 : i32
    %and3A_478 = vector.broadcast %and3A_477 : i32 to vector<16xi32>
    %and3A_479 = arith.andi %get3A_468, %and3A_478 : vector<16xi32>
    %add3A_480 = arith.addi %add3A_476, %and3A_479 : vector<16xi32>
    %swap3A_481 = arith.constant 2 : i32
    %swap3A_482 = arith.index_cast %swap3A_481 : i32 to index
    %swap3A_483 = arith.constant 16 : index
    %swap3A_484 = tpu.vector_load %arg15[%swap3A_482, %swap3A_483] {strides = array<i32>} : memref<4x128xi32, #tpu.memory_space<vmem>>, vector<1x16xi32>,
    %swap3A_485 = vector.shape_cast %swap3A_484 : vector<1x16xi32> to vector<16xi32>
    %swap3A_486 = vector.shape_cast %add3A_480 : vector<16xi32> to vector<1x16xi32>
    tpu.vector_store %arg15[%swap3A_482, %swap3A_483], %swap3A_486 {strides = array<i32>} : memref<4x128xi32, #tpu.memory_space<vmem>>, vector<1x16xi32>,
    %get3A_487 = arith.constant 288 : index
    %get3A_488 = tpu.vector_load %arg13[%get3A_487] {strides = array<i32>} : memref<512xi32, #tpu.memory_space<vmem>>, vector<16xi32>,
    %get3A_489 = vector.shape_cast %get3A_488 : vector<16xi32> to vector<16xi32>
    %add3A_490 = arith.constant 288 : i32
    %add3A_491 = vector.broadcast %add3A_490 : i32 to vector<16xi32>
    %add3A_492 = arith.addi %iota3A, %add3A_491 : vector<16xi32>
    %mul3A_493 = arith.constant 128 : i32
    %mul3A_494 = vector.broadcast %mul3A_493 : i32 to vector<16xi32>
    %mul3A_495 = arith.muli %add3A_492, %mul3A_494 : vector<16xi32>
    %add3A_496 = vector.broadcast %mul3A_4 : i32 to vector<16xi32>
    %add3A_497 = arith.addi %add3A_496, %mul3A_495 : vector<16xi32>
    %and3A_498 = arith.constant 127 : i32
    %and3A_499 = vector.broadcast %and3A_498 : i32 to vector<16xi32>
    %and3A_500 = arith.andi %get3A_489, %and3A_499 : vector<16xi32>
    %add3A_501 = arith.addi %add3A_497, %and3A_500 : vector<16xi32>
    %swap3A_502 = arith.constant 2 : i32
    %swap3A_503 = arith.index_cast %swap3A_502 : i32 to index
    %swap3A_504 = arith.constant 32 : index
    %swap3A_505 = tpu.vector_load %arg15[%swap3A_503, %swap3A_504] {strides = array<i32>} : memref<4x128xi32, #tpu.memory_space<vmem>>, vector<1x16xi32>,
    %swap3A_506 = vector.shape_cast %swap3A_505 : vector<1x16xi32> to vector<16xi32>
    %swap3A_507 = vector.shape_cast %add3A_501 : vector<16xi32> to vector<1x16xi32>
    tpu.vector_store %arg15[%swap3A_503, %swap3A_504], %swap3A_507 {strides = array<i32>} : memref<4x128xi32, #tpu.memory_space<vmem>>, vector<1x16xi32>,
    %get3A_508 = arith.constant 304 : index
    %get3A_509 = tpu.vector_load %arg13[%get3A_508] {strides = array<i32>} : memref<512xi32, #tpu.memory_space<vmem>>, vector<16xi32>,
    %get3A_510 = vector.shape_cast %get3A_509 : vector<16xi32> to vector<16xi32>
    %add3A_511 = arith.constant 304 : i32
    %add3A_512 = vector.broadcast %add3A_511 : i32 to vector<16xi32>
    %add3A_513 = arith.addi %iota3A, %add3A_512 : vector<16xi32>
    %mul3A_514 = arith.constant 128 : i32
    %mul3A_515 = vector.broadcast %mul3A_514 : i32 to vector<16xi32>
    %mul3A_516 = arith.muli %add3A_513, %mul3A_515 : vector<16xi32>
    %add3A_517 = vector.broadcast %mul3A_4 : i32 to vector<16xi32>
    %add3A_518 = arith.addi %add3A_517, %mul3A_516 : vector<16xi32>
    %and3A_519 = arith.constant 127 : i32
    %and3A_520 = vector.broadcast %and3A_519 : i32 to vector<16xi32>
    %and3A_521 = arith.andi %get3A_510, %and3A_520 : vector<16xi32>
    %add3A_522 = arith.addi %add3A_518, %and3A_521 : vector<16xi32>
    %swap3A_523 = arith.constant 2 : i32
    %swap3A_524 = arith.index_cast %swap3A_523 : i32 to index
    %swap3A_525 = arith.constant 48 : index
    %swap3A_526 = tpu.vector_load %arg15[%swap3A_524, %swap3A_525] {strides = array<i32>} : memref<4x128xi32, #tpu.memory_space<vmem>>, vector<1x16xi32>,
    %swap3A_527 = vector.shape_cast %swap3A_526 : vector<1x16xi32> to vector<16xi32>
    %swap3A_528 = vector.shape_cast %add3A_522 : vector<16xi32> to vector<1x16xi32>
    tpu.vector_store %arg15[%swap3A_524, %swap3A_525], %swap3A_528 {strides = array<i32>} : memref<4x128xi32, #tpu.memory_space<vmem>>, vector<1x16xi32>,
    %get3A_529 = arith.constant 320 : index
    %get3A_530 = tpu.vector_load %arg13[%get3A_529] {strides = array<i32>} : memref<512xi32, #tpu.memory_space<vmem>>, vector<16xi32>,
    %get3A_531 = vector.shape_cast %get3A_530 : vector<16xi32> to vector<16xi32>
    %add3A_532 = arith.constant 320 : i32
    %add3A_533 = vector.broadcast %add3A_532 : i32 to vector<16xi32>
    %add3A_534 = arith.addi %iota3A, %add3A_533 : vector<16xi32>
    %mul3A_535 = arith.constant 128 : i32
    %mul3A_536 = vector.broadcast %mul3A_535 : i32 to vector<16xi32>
    %mul3A_537 = arith.muli %add3A_534, %mul3A_536 : vector<16xi32>
    %add3A_538 = vector.broadcast %mul3A_4 : i32 to vector<16xi32>
    %add3A_539 = arith.addi %add3A_538, %mul3A_537 : vector<16xi32>
    %and3A_540 = arith.constant 127 : i32
    %and3A_541 = vector.broadcast %and3A_540 : i32 to vector<16xi32>
    %and3A_542 = arith.andi %get3A_531, %and3A_541 : vector<16xi32>
    %add3A_543 = arith.addi %add3A_539, %and3A_542 : vector<16xi32>
    %swap3A_544 = arith.constant 2 : i32
    %swap3A_545 = arith.index_cast %swap3A_544 : i32 to index
    %swap3A_546 = arith.constant 64 : index
    %swap3A_547 = tpu.vector_load %arg15[%swap3A_545, %swap3A_546] {strides = array<i32>} : memref<4x128xi32, #tpu.memory_space<vmem>>, vector<1x16xi32>,
    %swap3A_548 = vector.shape_cast %swap3A_547 : vector<1x16xi32> to vector<16xi32>
    %swap3A_549 = vector.shape_cast %add3A_543 : vector<16xi32> to vector<1x16xi32>
    tpu.vector_store %arg15[%swap3A_545, %swap3A_546], %swap3A_549 {strides = array<i32>} : memref<4x128xi32, #tpu.memory_space<vmem>>, vector<1x16xi32>,
    %get3A_550 = arith.constant 336 : index
    %get3A_551 = tpu.vector_load %arg13[%get3A_550] {strides = array<i32>} : memref<512xi32, #tpu.memory_space<vmem>>, vector<16xi32>,
    %get3A_552 = vector.shape_cast %get3A_551 : vector<16xi32> to vector<16xi32>
    %add3A_553 = arith.constant 336 : i32
    %add3A_554 = vector.broadcast %add3A_553 : i32 to vector<16xi32>
    %add3A_555 = arith.addi %iota3A, %add3A_554 : vector<16xi32>
    %mul3A_556 = arith.constant 128 : i32
    %mul3A_557 = vector.broadcast %mul3A_556 : i32 to vector<16xi32>
    %mul3A_558 = arith.muli %add3A_555, %mul3A_557 : vector<16xi32>
    %add3A_559 = vector.broadcast %mul3A_4 : i32 to vector<16xi32>
    %add3A_560 = arith.addi %add3A_559, %mul3A_558 : vector<16xi32>
    %and3A_561 = arith.constant 127 : i32
    %and3A_562 = vector.broadcast %and3A_561 : i32 to vector<16xi32>
    %and3A_563 = arith.andi %get3A_552, %and3A_562 : vector<16xi32>
    %add3A_564 = arith.addi %add3A_560, %and3A_563 : vector<16xi32>
    %swap3A_565 = arith.constant 2 : i32
    %swap3A_566 = arith.index_cast %swap3A_565 : i32 to index
    %swap3A_567 = arith.constant 80 : index
    %swap3A_568 = tpu.vector_load %arg15[%swap3A_566, %swap3A_567] {strides = array<i32>} : memref<4x128xi32, #tpu.memory_space<vmem>>, vector<1x16xi32>,
    %swap3A_569 = vector.shape_cast %swap3A_568 : vector<1x16xi32> to vector<16xi32>
    %swap3A_570 = vector.shape_cast %add3A_564 : vector<16xi32> to vector<1x16xi32>
    tpu.vector_store %arg15[%swap3A_566, %swap3A_567], %swap3A_570 {strides = array<i32>} : memref<4x128xi32, #tpu.memory_space<vmem>>, vector<1x16xi32>,
    %get3A_571 = arith.constant 352 : index
    %get3A_572 = tpu.vector_load %arg13[%get3A_571] {strides = array<i32>} : memref<512xi32, #tpu.memory_space<vmem>>, vector<16xi32>,
    %get3A_573 = vector.shape_cast %get3A_572 : vector<16xi32> to vector<16xi32>
    %add3A_574 = arith.constant 352 : i32
    %add3A_575 = vector.broadcast %add3A_574 : i32 to vector<16xi32>
    %add3A_576 = arith.addi %iota3A, %add3A_575 : vector<16xi32>
    %mul3A_577 = arith.constant 128 : i32
    %mul3A_578 = vector.broadcast %mul3A_577 : i32 to vector<16xi32>
    %mul3A_579 = arith.muli %add3A_576, %mul3A_578 : vector<16xi32>
    %add3A_580 = vector.broadcast %mul3A_4 : i32 to vector<16xi32>
    %add3A_581 = arith.addi %add3A_580, %mul3A_579 : vector<16xi32>
    %and3A_582 = arith.constant 127 : i32
    %and3A_583 = vector.broadcast %and3A_582 : i32 to vector<16xi32>
    %and3A_584 = arith.andi %get3A_573, %and3A_583 : vector<16xi32>
    %add3A_585 = arith.addi %add3A_581, %and3A_584 : vector<16xi32>
    %swap3A_586 = arith.constant 2 : i32
    %swap3A_587 = arith.index_cast %swap3A_586 : i32 to index
    %swap3A_588 = arith.constant 96 : index
    %swap3A_589 = tpu.vector_load %arg15[%swap3A_587, %swap3A_588] {strides = array<i32>} : memref<4x128xi32, #tpu.memory_space<vmem>>, vector<1x16xi32>,
    %swap3A_590 = vector.shape_cast %swap3A_589 : vector<1x16xi32> to vector<16xi32>
    %swap3A_591 = vector.shape_cast %add3A_585 : vector<16xi32> to vector<1x16xi32>
    tpu.vector_store %arg15[%swap3A_587, %swap3A_588], %swap3A_591 {strides = array<i32>} : memref<4x128xi32, #tpu.memory_space<vmem>>, vector<1x16xi32>,
    %get3A_592 = arith.constant 368 : index
    %get3A_593 = tpu.vector_load %arg13[%get3A_592] {strides = array<i32>} : memref<512xi32, #tpu.memory_space<vmem>>, vector<16xi32>,
    %get3A_594 = vector.shape_cast %get3A_593 : vector<16xi32> to vector<16xi32>
    %add3A_595 = arith.constant 368 : i32
    %add3A_596 = vector.broadcast %add3A_595 : i32 to vector<16xi32>
    %add3A_597 = arith.addi %iota3A, %add3A_596 : vector<16xi32>
    %mul3A_598 = arith.constant 128 : i32
    %mul3A_599 = vector.broadcast %mul3A_598 : i32 to vector<16xi32>
    %mul3A_600 = arith.muli %add3A_597, %mul3A_599 : vector<16xi32>
    %add3A_601 = vector.broadcast %mul3A_4 : i32 to vector<16xi32>
    %add3A_602 = arith.addi %add3A_601, %mul3A_600 : vector<16xi32>
    %and3A_603 = arith.constant 127 : i32
    %and3A_604 = vector.broadcast %and3A_603 : i32 to vector<16xi32>
    %and3A_605 = arith.andi %get3A_594, %and3A_604 : vector<16xi32>
    %add3A_606 = arith.addi %add3A_602, %and3A_605 : vector<16xi32>
    %swap3A_607 = arith.constant 2 : i32
    %swap3A_608 = arith.index_cast %swap3A_607 : i32 to index
    %swap3A_609 = arith.constant 112 : index
    %swap3A_610 = tpu.vector_load %arg15[%swap3A_608, %swap3A_609] {strides = array<i32>} : memref<4x128xi32, #tpu.memory_space<vmem>>, vector<1x16xi32>,
    %swap3A_611 = vector.shape_cast %swap3A_610 : vector<1x16xi32> to vector<16xi32>
    %swap3A_612 = vector.shape_cast %add3A_606 : vector<16xi32> to vector<1x16xi32>
    tpu.vector_store %arg15[%swap3A_608, %swap3A_609], %swap3A_612 {strides = array<i32>} : memref<4x128xi32, #tpu.memory_space<vmem>>, vector<1x16xi32>,
    %get3A_613 = arith.constant 384 : index
    %get3A_614 = tpu.vector_load %arg13[%get3A_613] {strides = array<i32>} : memref<512xi32, #tpu.memory_space<vmem>>, vector<16xi32>,
    %get3A_615 = vector.shape_cast %get3A_614 : vector<16xi32> to vector<16xi32>
    %add3A_616 = arith.constant 384 : i32
    %add3A_617 = vector.broadcast %add3A_616 : i32 to vector<16xi32>
    %add3A_618 = arith.addi %iota3A, %add3A_617 : vector<16xi32>
    %mul3A_619 = arith.constant 128 : i32
    %mul3A_620 = vector.broadcast %mul3A_619 : i32 to vector<16xi32>
    %mul3A_621 = arith.muli %add3A_618, %mul3A_620 : vector<16xi32>
    %add3A_622 = vector.broadcast %mul3A_4 : i32 to vector<16xi32>
    %add3A_623 = arith.addi %add3A_622, %mul3A_621 : vector<16xi32>
    %and3A_624 = arith.constant 127 : i32
    %and3A_625 = vector.broadcast %and3A_624 : i32 to vector<16xi32>
    %and3A_626 = arith.andi %get3A_615, %and3A_625 : vector<16xi32>
    %add3A_627 = arith.addi %add3A_623, %and3A_626 : vector<16xi32>
    %swap3A_628 = arith.constant 3 : i32
    %swap3A_629 = arith.index_cast %swap3A_628 : i32 to index
    %swap3A_630 = arith.constant 0 : index
    %swap3A_631 = tpu.vector_load %arg15[%swap3A_629, %swap3A_630] {strides = array<i32>} : memref<4x128xi32, #tpu.memory_space<vmem>>, vector<1x16xi32>,
    %swap3A_632 = vector.shape_cast %swap3A_631 : vector<1x16xi32> to vector<16xi32>
    %swap3A_633 = vector.shape_cast %add3A_627 : vector<16xi32> to vector<1x16xi32>
    tpu.vector_store %arg15[%swap3A_629, %swap3A_630], %swap3A_633 {strides = array<i32>} : memref<4x128xi32, #tpu.memory_space<vmem>>, vector<1x16xi32>,
    %get3A_634 = arith.constant 400 : index
    %get3A_635 = tpu.vector_load %arg13[%get3A_634] {strides = array<i32>} : memref<512xi32, #tpu.memory_space<vmem>>, vector<16xi32>,
    %get3A_636 = vector.shape_cast %get3A_635 : vector<16xi32> to vector<16xi32>
    %add3A_637 = arith.constant 400 : i32
    %add3A_638 = vector.broadcast %add3A_637 : i32 to vector<16xi32>
    %add3A_639 = arith.addi %iota3A, %add3A_638 : vector<16xi32>
    %mul3A_640 = arith.constant 128 : i32
    %mul3A_641 = vector.broadcast %mul3A_640 : i32 to vector<16xi32>
    %mul3A_642 = arith.muli %add3A_639, %mul3A_641 : vector<16xi32>
    %add3A_643 = vector.broadcast %mul3A_4 : i32 to vector<16xi32>
    %add3A_644 = arith.addi %add3A_643, %mul3A_642 : vector<16xi32>
    %and3A_645 = arith.constant 127 : i32
    %and3A_646 = vector.broadcast %and3A_645 : i32 to vector<16xi32>
    %and3A_647 = arith.andi %get3A_636, %and3A_646 : vector<16xi32>
    %add3A_648 = arith.addi %add3A_644, %and3A_647 : vector<16xi32>
    %swap3A_649 = arith.constant 3 : i32
    %swap3A_650 = arith.index_cast %swap3A_649 : i32 to index
    %swap3A_651 = arith.constant 16 : index
    %swap3A_652 = tpu.vector_load %arg15[%swap3A_650, %swap3A_651] {strides = array<i32>} : memref<4x128xi32, #tpu.memory_space<vmem>>, vector<1x16xi32>,
    %swap3A_653 = vector.shape_cast %swap3A_652 : vector<1x16xi32> to vector<16xi32>
    %swap3A_654 = vector.shape_cast %add3A_648 : vector<16xi32> to vector<1x16xi32>
    tpu.vector_store %arg15[%swap3A_650, %swap3A_651], %swap3A_654 {strides = array<i32>} : memref<4x128xi32, #tpu.memory_space<vmem>>, vector<1x16xi32>,
    %get3A_655 = arith.constant 416 : index
    %get3A_656 = tpu.vector_load %arg13[%get3A_655] {strides = array<i32>} : memref<512xi32, #tpu.memory_space<vmem>>, vector<16xi32>,
    %get3A_657 = vector.shape_cast %get3A_656 : vector<16xi32> to vector<16xi32>
    %add3A_658 = arith.constant 416 : i32
    %add3A_659 = vector.broadcast %add3A_658 : i32 to vector<16xi32>
    %add3A_660 = arith.addi %iota3A, %add3A_659 : vector<16xi32>
    %mul3A_661 = arith.constant 128 : i32
    %mul3A_662 = vector.broadcast %mul3A_661 : i32 to vector<16xi32>
    %mul3A_663 = arith.muli %add3A_660, %mul3A_662 : vector<16xi32>
    %add3A_664 = vector.broadcast %mul3A_4 : i32 to vector<16xi32>
    %add3A_665 = arith.addi %add3A_664, %mul3A_663 : vector<16xi32>
    %and3A_666 = arith.constant 127 : i32
    %and3A_667 = vector.broadcast %and3A_666 : i32 to vector<16xi32>
    %and3A_668 = arith.andi %get3A_657, %and3A_667 : vector<16xi32>
    %add3A_669 = arith.addi %add3A_665, %and3A_668 : vector<16xi32>
    %swap3A_670 = arith.constant 3 : i32
    %swap3A_671 = arith.index_cast %swap3A_670 : i32 to index
    %swap3A_672 = arith.constant 32 : index
    %swap3A_673 = tpu.vector_load %arg15[%swap3A_671, %swap3A_672] {strides = array<i32>} : memref<4x128xi32, #tpu.memory_space<vmem>>, vector<1x16xi32>,
    %swap3A_674 = vector.shape_cast %swap3A_673 : vector<1x16xi32> to vector<16xi32>
    %swap3A_675 = vector.shape_cast %add3A_669 : vector<16xi32> to vector<1x16xi32>
    tpu.vector_store %arg15[%swap3A_671, %swap3A_672], %swap3A_675 {strides = array<i32>} : memref<4x128xi32, #tpu.memory_space<vmem>>, vector<1x16xi32>,
    %get3A_676 = arith.constant 432 : index
    %get3A_677 = tpu.vector_load %arg13[%get3A_676] {strides = array<i32>} : memref<512xi32, #tpu.memory_space<vmem>>, vector<16xi32>,
    %get3A_678 = vector.shape_cast %get3A_677 : vector<16xi32> to vector<16xi32>
    %add3A_679 = arith.constant 432 : i32
    %add3A_680 = vector.broadcast %add3A_679 : i32 to vector<16xi32>
    %add3A_681 = arith.addi %iota3A, %add3A_680 : vector<16xi32>
    %mul3A_682 = arith.constant 128 : i32
    %mul3A_683 = vector.broadcast %mul3A_682 : i32 to vector<16xi32>
    %mul3A_684 = arith.muli %add3A_681, %mul3A_683 : vector<16xi32>
    %add3A_685 = vector.broadcast %mul3A_4 : i32 to vector<16xi32>
    %add3A_686 = arith.addi %add3A_685, %mul3A_684 : vector<16xi32>
    %and3A_687 = arith.constant 127 : i32
    %and3A_688 = vector.broadcast %and3A_687 : i32 to vector<16xi32>
    %and3A_689 = arith.andi %get3A_678, %and3A_688 : vector<16xi32>
    %add3A_690 = arith.addi %add3A_686, %and3A_689 : vector<16xi32>
    %swap3A_691 = arith.constant 3 : i32
    %swap3A_692 = arith.index_cast %swap3A_691 : i32 to index
    %swap3A_693 = arith.constant 48 : index
    %swap3A_694 = tpu.vector_load %arg15[%swap3A_692, %swap3A_693] {strides = array<i32>} : memref<4x128xi32, #tpu.memory_space<vmem>>, vector<1x16xi32>,
    %swap3A_695 = vector.shape_cast %swap3A_694 : vector<1x16xi32> to vector<16xi32>
    %swap3A_696 = vector.shape_cast %add3A_690 : vector<16xi32> to vector<1x16xi32>
    tpu.vector_store %arg15[%swap3A_692, %swap3A_693], %swap3A_696 {strides = array<i32>} : memref<4x128xi32, #tpu.memory_space<vmem>>, vector<1x16xi32>,
    %get3A_697 = arith.constant 448 : index
    %get3A_698 = tpu.vector_load %arg13[%get3A_697] {strides = array<i32>} : memref<512xi32, #tpu.memory_space<vmem>>, vector<16xi32>,
    %get3A_699 = vector.shape_cast %get3A_698 : vector<16xi32> to vector<16xi32>
    %add3A_700 = arith.constant 448 : i32
    %add3A_701 = vector.broadcast %add3A_700 : i32 to vector<16xi32>
    %add3A_702 = arith.addi %iota3A, %add3A_701 : vector<16xi32>
    %mul3A_703 = arith.constant 128 : i32
    %mul3A_704 = vector.broadcast %mul3A_703 : i32 to vector<16xi32>
    %mul3A_705 = arith.muli %add3A_702, %mul3A_704 : vector<16xi32>
    %add3A_706 = vector.broadcast %mul3A_4 : i32 to vector<16xi32>
    %add3A_707 = arith.addi %add3A_706, %mul3A_705 : vector<16xi32>
    %and3A_708 = arith.constant 127 : i32
    %and3A_709 = vector.broadcast %and3A_708 : i32 to vector<16xi32>
    %and3A_710 = arith.andi %get3A_699, %and3A_709 : vector<16xi32>
    %add3A_711 = arith.addi %add3A_707, %and3A_710 : vector<16xi32>
    %swap3A_712 = arith.constant 3 : i32
    %swap3A_713 = arith.index_cast %swap3A_712 : i32 to index
    %swap3A_714 = arith.constant 64 : index
    %swap3A_715 = tpu.vector_load %arg15[%swap3A_713, %swap3A_714] {strides = array<i32>} : memref<4x128xi32, #tpu.memory_space<vmem>>, vector<1x16xi32>,
    %swap3A_716 = vector.shape_cast %swap3A_715 : vector<1x16xi32> to vector<16xi32>
    %swap3A_717 = vector.shape_cast %add3A_711 : vector<16xi32> to vector<1x16xi32>
    tpu.vector_store %arg15[%swap3A_713, %swap3A_714], %swap3A_717 {strides = array<i32>} : memref<4x128xi32, #tpu.memory_space<vmem>>, vector<1x16xi32>,
    %get3A_718 = arith.constant 464 : index
    %get3A_719 = tpu.vector_load %arg13[%get3A_718] {strides = array<i32>} : memref<512xi32, #tpu.memory_space<vmem>>, vector<16xi32>,
    %get3A_720 = vector.shape_cast %get3A_719 : vector<16xi32> to vector<16xi32>
    %add3A_721 = arith.constant 464 : i32
    %add3A_722 = vector.broadcast %add3A_721 : i32 to vector<16xi32>
    %add3A_723 = arith.addi %iota3A, %add3A_722 : vector<16xi32>
    %mul3A_724 = arith.constant 128 : i32
    %mul3A_725 = vector.broadcast %mul3A_724 : i32 to vector<16xi32>
    %mul3A_726 = arith.muli %add3A_723, %mul3A_725 : vector<16xi32>
    %add3A_727 = vector.broadcast %mul3A_4 : i32 to vector<16xi32>
    %add3A_728 = arith.addi %add3A_727, %mul3A_726 : vector<16xi32>
    %and3A_729 = arith.constant 127 : i32
    %and3A_730 = vector.broadcast %and3A_729 : i32 to vector<16xi32>
    %and3A_731 = arith.andi %get3A_720, %and3A_730 : vector<16xi32>
    %add3A_732 = arith.addi %add3A_728, %and3A_731 : vector<16xi32>
    %swap3A_733 = arith.constant 3 : i32
    %swap3A_734 = arith.index_cast %swap3A_733 : i32 to index
    %swap3A_735 = arith.constant 80 : index
    %swap3A_736 = tpu.vector_load %arg15[%swap3A_734, %swap3A_735] {strides = array<i32>} : memref<4x128xi32, #tpu.memory_space<vmem>>, vector<1x16xi32>,
    %swap3A_737 = vector.shape_cast %swap3A_736 : vector<1x16xi32> to vector<16xi32>
    %swap3A_738 = vector.shape_cast %add3A_732 : vector<16xi32> to vector<1x16xi32>
    tpu.vector_store %arg15[%swap3A_734, %swap3A_735], %swap3A_738 {strides = array<i32>} : memref<4x128xi32, #tpu.memory_space<vmem>>, vector<1x16xi32>,
    %get3A_739 = arith.constant 480 : index
    %get3A_740 = tpu.vector_load %arg13[%get3A_739] {strides = array<i32>} : memref<512xi32, #tpu.memory_space<vmem>>, vector<16xi32>,
    %get3A_741 = vector.shape_cast %get3A_740 : vector<16xi32> to vector<16xi32>
    %add3A_742 = arith.constant 480 : i32
    %add3A_743 = vector.broadcast %add3A_742 : i32 to vector<16xi32>
    %add3A_744 = arith.addi %iota3A, %add3A_743 : vector<16xi32>
    %mul3A_745 = arith.constant 128 : i32
    %mul3A_746 = vector.broadcast %mul3A_745 : i32 to vector<16xi32>
    %mul3A_747 = arith.muli %add3A_744, %mul3A_746 : vector<16xi32>
    %add3A_748 = vector.broadcast %mul3A_4 : i32 to vector<16xi32>
    %add3A_749 = arith.addi %add3A_748, %mul3A_747 : vector<16xi32>
    %and3A_750 = arith.constant 127 : i32
    %and3A_751 = vector.broadcast %and3A_750 : i32 to vector<16xi32>
    %and3A_752 = arith.andi %get3A_741, %and3A_751 : vector<16xi32>
    %add3A_753 = arith.addi %add3A_749, %and3A_752 : vector<16xi32>
    %swap3A_754 = arith.constant 3 : i32
    %swap3A_755 = arith.index_cast %swap3A_754 : i32 to index
    %swap3A_756 = arith.constant 96 : index
    %swap3A_757 = tpu.vector_load %arg15[%swap3A_755, %swap3A_756] {strides = array<i32>} : memref<4x128xi32, #tpu.memory_space<vmem>>, vector<1x16xi32>,
    %swap3A_758 = vector.shape_cast %swap3A_757 : vector<1x16xi32> to vector<16xi32>
    %swap3A_759 = vector.shape_cast %add3A_753 : vector<16xi32> to vector<1x16xi32>
    tpu.vector_store %arg15[%swap3A_755, %swap3A_756], %swap3A_759 {strides = array<i32>} : memref<4x128xi32, #tpu.memory_space<vmem>>, vector<1x16xi32>,
    %get3A_760 = arith.constant 496 : index
    %get3A_761 = tpu.vector_load %arg13[%get3A_760] {strides = array<i32>} : memref<512xi32, #tpu.memory_space<vmem>>, vector<16xi32>,
    %get3A_762 = vector.shape_cast %get3A_761 : vector<16xi32> to vector<16xi32>
    %add3A_763 = arith.constant 496 : i32
    %add3A_764 = vector.broadcast %add3A_763 : i32 to vector<16xi32>
    %add3A_765 = arith.addi %iota3A, %add3A_764 : vector<16xi32>
    %mul3A_766 = arith.constant 128 : i32
    %mul3A_767 = vector.broadcast %mul3A_766 : i32 to vector<16xi32>
    %mul3A_768 = arith.muli %add3A_765, %mul3A_767 : vector<16xi32>
    %add3A_769 = vector.broadcast %mul3A_4 : i32 to vector<16xi32>
    %add3A_770 = arith.addi %add3A_769, %mul3A_768 : vector<16xi32>
    %and3A_771 = arith.constant 127 : i32
    %and3A_772 = vector.broadcast %and3A_771 : i32 to vector<16xi32>
    %and3A_773 = arith.andi %get3A_762, %and3A_772 : vector<16xi32>
    %add3A_774 = arith.addi %add3A_770, %and3A_773 : vector<16xi32>
    %swap3A_775 = arith.constant 3 : i32
    %swap3A_776 = arith.index_cast %swap3A_775 : i32 to index
    %swap3A_777 = arith.constant 112 : index
    %swap3A_778 = tpu.vector_load %arg15[%swap3A_776, %swap3A_777] {strides = array<i32>} : memref<4x128xi32, #tpu.memory_space<vmem>>, vector<1x16xi32>,
    %swap3A_779 = vector.shape_cast %swap3A_778 : vector<1x16xi32> to vector<16xi32>
    %swap3A_780 = vector.shape_cast %add3A_774 : vector<16xi32> to vector<1x16xi32>
    tpu.vector_store %arg15[%swap3A_776, %swap3A_777], %swap3A_780 {strides = array<i32>} : memref<4x128xi32, #tpu.memory_space<vmem>>, vector<1x16xi32>,
    %dma_wait3A_781 = tpu.memref_slice %arg16[%mul3A_4] : memref<1048576xf32, #tpu.memory_space<vmem_shared>> -> memref<65536xf32, #tpu.memory_space<vmem_shared>>
    %dma_wait3A_782 = arith.constant 0 : i32
    %dma_wait3A_783 = tpu.memref_slice %arg4[%dma_wait3A_782] : memref<100000xf32, #tpu.memory_space<hbm>> -> memref<65536xf32, #tpu.memory_space<hbm>>
    tpu.wait_dma2 semaphore(%arg23 : memref<!tpu.dma_semaphore, #tpu.memory_space<semaphore_mem>>) src(%dma_wait3A_783 : memref<65536xf32, #tpu.memory_space<hbm>>) dst(%dma_wait3A_781 : memref<65536xf32, #tpu.memory_space<vmem_shared>>)
    %dma_start3A_784 = arith.constant 0 : i32
    %dma_start3A_785 = arith.constant 0 : i32
    %dma_start3A_786 = tpu.memref_slice %arg21[%dma_start3A_785] : memref<512xf32, #tpu.memory_space<vmem>> -> memref<128xf32, #tpu.memory_space<vmem>>
    %dma_start3A_787 = arith.constant 0 : i32
    %dma_start3A_788 = tpu.memref_slice %arg15[%dma_start3A_784, %dma_start3A_787] : memref<4x128xi32, #tpu.memory_space<vmem>> -> memref<1x128xi32, #tpu.memory_space<vmem>>
    %dma_start3A_789 = tpu.memref_squeeze %dma_start3A_788 : memref<1x128xi32, #tpu.memory_space<vmem>> -> memref<128xi32, #tpu.memory_space<vmem>>
    %dma_start3A_790 = arith.constant 0 : i32
    %dma_start3A_791 = tpu.memref_slice %arg16[%dma_start3A_790] : memref<1048576xf32, #tpu.memory_space<vmem_shared>> -> memref<1048576xf32, #tpu.memory_space<vmem_shared>>
    tpu.enqueue_indirect_dma source(%dma_start3A_791 : memref<1048576xf32, #tpu.memory_space<vmem_shared>>) target(%dma_start3A_786 : memref<128xf32, #tpu.memory_space<vmem>>) offsets(%dma_start3A_789 : memref<128xi32, #tpu.memory_space<vmem>>) semaphore(%arg23 : memref<!tpu.dma_semaphore, #tpu.memory_space<semaphore_mem>>)
    %dma_start3A_792 = arith.constant 1 : i32
    %dma_start3A_793 = arith.constant 128 : i32
    %dma_start3A_794 = tpu.memref_slice %arg21[%dma_start3A_793] : memref<512xf32, #tpu.memory_space<vmem>> -> memref<128xf32, #tpu.memory_space<vmem>>
    %dma_start3A_795 = arith.constant 0 : i32
    %dma_start3A_796 = tpu.memref_slice %arg15[%dma_start3A_792, %dma_start3A_795] : memref<4x128xi32, #tpu.memory_space<vmem>> -> memref<1x128xi32, #tpu.memory_space<vmem>>
    %dma_start3A_797 = tpu.memref_squeeze %dma_start3A_796 : memref<1x128xi32, #tpu.memory_space<vmem>> -> memref<128xi32, #tpu.memory_space<vmem>>
    %dma_start3A_798 = arith.constant 0 : i32
    %dma_start3A_799 = tpu.memref_slice %arg16[%dma_start3A_798] : memref<1048576xf32, #tpu.memory_space<vmem_shared>> -> memref<1048576xf32, #tpu.memory_space<vmem_shared>>
    tpu.enqueue_indirect_dma source(%dma_start3A_799 : memref<1048576xf32, #tpu.memory_space<vmem_shared>>) target(%dma_start3A_794 : memref<128xf32, #tpu.memory_space<vmem>>) offsets(%dma_start3A_797 : memref<128xi32, #tpu.memory_space<vmem>>) semaphore(%arg23 : memref<!tpu.dma_semaphore, #tpu.memory_space<semaphore_mem>>)
    %dma_start3A_800 = arith.constant 2 : i32
    %dma_start3A_801 = arith.constant 256 : i32
    %dma_start3A_802 = tpu.memref_slice %arg21[%dma_start3A_801] : memref<512xf32, #tpu.memory_space<vmem>> -> memref<128xf32, #tpu.memory_space<vmem>>
    %dma_start3A_803 = arith.constant 0 : i32
    %dma_start3A_804 = tpu.memref_slice %arg15[%dma_start3A_800, %dma_start3A_803] : memref<4x128xi32, #tpu.memory_space<vmem>> -> memref<1x128xi32, #tpu.memory_space<vmem>>
    %dma_start3A_805 = tpu.memref_squeeze %dma_start3A_804 : memref<1x128xi32, #tpu.memory_space<vmem>> -> memref<128xi32, #tpu.memory_space<vmem>>
    %dma_start3A_806 = arith.constant 0 : i32
    %dma_start3A_807 = tpu.memref_slice %arg16[%dma_start3A_806] : memref<1048576xf32, #tpu.memory_space<vmem_shared>> -> memref<1048576xf32, #tpu.memory_space<vmem_shared>>
    tpu.enqueue_indirect_dma source(%dma_start3A_807 : memref<1048576xf32, #tpu.memory_space<vmem_shared>>) target(%dma_start3A_802 : memref<128xf32, #tpu.memory_space<vmem>>) offsets(%dma_start3A_805 : memref<128xi32, #tpu.memory_space<vmem>>) semaphore(%arg23 : memref<!tpu.dma_semaphore, #tpu.memory_space<semaphore_mem>>)
    %dma_start3A_808 = arith.constant 3 : i32
    %dma_start3A_809 = arith.constant 384 : i32
    %dma_start3A_810 = tpu.memref_slice %arg21[%dma_start3A_809] : memref<512xf32, #tpu.memory_space<vmem>> -> memref<128xf32, #tpu.memory_space<vmem>>
    %dma_start3A_811 = arith.constant 0 : i32
    %dma_start3A_812 = tpu.memref_slice %arg15[%dma_start3A_808, %dma_start3A_811] : memref<4x128xi32, #tpu.memory_space<vmem>> -> memref<1x128xi32, #tpu.memory_space<vmem>>
    %dma_start3A_813 = tpu.memref_squeeze %dma_start3A_812 : memref<1x128xi32, #tpu.memory_space<vmem>> -> memref<128xi32, #tpu.memory_space<vmem>>
    %dma_start3A_814 = arith.constant 0 : i32
    %dma_start3A_815 = tpu.memref_slice %arg16[%dma_start3A_814] : memref<1048576xf32, #tpu.memory_space<vmem_shared>> -> memref<1048576xf32, #tpu.memory_space<vmem_shared>>
    tpu.enqueue_indirect_dma source(%dma_start3A_815 : memref<1048576xf32, #tpu.memory_space<vmem_shared>>) target(%dma_start3A_810 : memref<128xf32, #tpu.memory_space<vmem>>) offsets(%dma_start3A_813 : memref<128xi32, #tpu.memory_space<vmem>>) semaphore(%arg23 : memref<!tpu.dma_semaphore, #tpu.memory_space<semaphore_mem>>)
    %dma_wait3A_816 = arith.constant 0 : i32
    %dma_wait3A_817 = arith.constant 0 : i32
    %dma_wait3A_818 = tpu.memref_slice %arg21[%dma_wait3A_817] : memref<512xf32, #tpu.memory_space<vmem>> -> memref<128xf32, #tpu.memory_space<vmem>>
    %dma_wait3A_819 = arith.constant 0 : i32
    %dma_wait3A_820 = tpu.memref_slice %arg15[%dma_wait3A_816, %dma_wait3A_819] : memref<4x128xi32, #tpu.memory_space<vmem>> -> memref<1x128xi32, #tpu.memory_space<vmem>>
    %dma_wait3A_821 = tpu.memref_squeeze %dma_wait3A_820 : memref<1x128xi32, #tpu.memory_space<vmem>> -> memref<128xi32, #tpu.memory_space<vmem>>
    %dma_wait3A_822 = arith.constant 0 : i32
    %dma_wait3A_823 = tpu.memref_slice %arg16[%dma_wait3A_822] : memref<1048576xf32, #tpu.memory_space<vmem_shared>> -> memref<1048576xf32, #tpu.memory_space<vmem_shared>>
    tpu.wait_indirect_dma semaphore(%arg23 : memref<!tpu.dma_semaphore, #tpu.memory_space<semaphore_mem>>) src(%dma_wait3A_823 : memref<1048576xf32, #tpu.memory_space<vmem_shared>>) dst(%dma_wait3A_818 : memref<128xf32, #tpu.memory_space<vmem>>)
    %dma_wait3A_824 = arith.constant 1 : i32
    %dma_wait3A_825 = arith.constant 128 : i32
    %dma_wait3A_826 = tpu.memref_slice %arg21[%dma_wait3A_825] : memref<512xf32, #tpu.memory_space<vmem>> -> memref<128xf32, #tpu.memory_space<vmem>>
    %dma_wait3A_827 = arith.constant 0 : i32
    %dma_wait3A_828 = tpu.memref_slice %arg15[%dma_wait3A_824, %dma_wait3A_827] : memref<4x128xi32, #tpu.memory_space<vmem>> -> memref<1x128xi32, #tpu.memory_space<vmem>>
    %dma_wait3A_829 = tpu.memref_squeeze %dma_wait3A_828 : memref<1x128xi32, #tpu.memory_space<vmem>> -> memref<128xi32, #tpu.memory_space<vmem>>
    %dma_wait3A_830 = arith.constant 0 : i32
    %dma_wait3A_831 = tpu.memref_slice %arg16[%dma_wait3A_830] : memref<1048576xf32, #tpu.memory_space<vmem_shared>> -> memref<1048576xf32, #tpu.memory_space<vmem_shared>>
    tpu.wait_indirect_dma semaphore(%arg23 : memref<!tpu.dma_semaphore, #tpu.memory_space<semaphore_mem>>) src(%dma_wait3A_831 : memref<1048576xf32, #tpu.memory_space<vmem_shared>>) dst(%dma_wait3A_826 : memref<128xf32, #tpu.memory_space<vmem>>)
    %dma_wait3A_832 = arith.constant 2 : i32
    %dma_wait3A_833 = arith.constant 256 : i32
    %dma_wait3A_834 = tpu.memref_slice %arg21[%dma_wait3A_833] : memref<512xf32, #tpu.memory_space<vmem>> -> memref<128xf32, #tpu.memory_space<vmem>>
    %dma_wait3A_835 = arith.constant 0 : i32
    %dma_wait3A_836 = tpu.memref_slice %arg15[%dma_wait3A_832, %dma_wait3A_835] : memref<4x128xi32, #tpu.memory_space<vmem>> -> memref<1x128xi32, #tpu.memory_space<vmem>>
    %dma_wait3A_837 = tpu.memref_squeeze %dma_wait3A_836 : memref<1x128xi32, #tpu.memory_space<vmem>> -> memref<128xi32, #tpu.memory_space<vmem>>
    %dma_wait3A_838 = arith.constant 0 : i32
    %dma_wait3A_839 = tpu.memref_slice %arg16[%dma_wait3A_838] : memref<1048576xf32, #tpu.memory_space<vmem_shared>> -> memref<1048576xf32, #tpu.memory_space<vmem_shared>>
    tpu.wait_indirect_dma semaphore(%arg23 : memref<!tpu.dma_semaphore, #tpu.memory_space<semaphore_mem>>) src(%dma_wait3A_839 : memref<1048576xf32, #tpu.memory_space<vmem_shared>>) dst(%dma_wait3A_834 : memref<128xf32, #tpu.memory_space<vmem>>)
    %dma_wait3A_840 = arith.constant 3 : i32
    %dma_wait3A_841 = arith.constant 384 : i32
    %dma_wait3A_842 = tpu.memref_slice %arg21[%dma_wait3A_841] : memref<512xf32, #tpu.memory_space<vmem>> -> memref<128xf32, #tpu.memory_space<vmem>>
    %dma_wait3A_843 = arith.constant 0 : i32
    %dma_wait3A_844 = tpu.memref_slice %arg15[%dma_wait3A_840, %dma_wait3A_843] : memref<4x128xi32, #tpu.memory_space<vmem>> -> memref<1x128xi32, #tpu.memory_space<vmem>>
    %dma_wait3A_845 = tpu.memref_squeeze %dma_wait3A_844 : memref<1x128xi32, #tpu.memory_space<vmem>> -> memref<128xi32, #tpu.memory_space<vmem>>
    %dma_wait3A_846 = arith.constant 0 : i32
    %dma_wait3A_847 = tpu.memref_slice %arg16[%dma_wait3A_846] : memref<1048576xf32, #tpu.memory_space<vmem_shared>> -> memref<1048576xf32, #tpu.memory_space<vmem_shared>>
    tpu.wait_indirect_dma semaphore(%arg23 : memref<!tpu.dma_semaphore, #tpu.memory_space<semaphore_mem>>) src(%dma_wait3A_847 : memref<1048576xf32, #tpu.memory_space<vmem_shared>>) dst(%dma_wait3A_842 : memref<128xf32, #tpu.memory_space<vmem>>)
    %dma_wait3A_848 = arith.constant 0 : i32
    %dma_wait3A_849 = tpu.memref_slice %arg17[%dma_wait3A_848] : memref<512xf32, #tpu.memory_space<vmem>> -> memref<128xf32, #tpu.memory_space<vmem>>
    %dma_wait3A_850 = arith.constant 0 : i32
    %dma_wait3A_851 = tpu.memref_slice %arg13[%dma_wait3A_850] : memref<512xi32, #tpu.memory_space<vmem>> -> memref<128xi32, #tpu.memory_space<vmem>>
    %dma_wait3A_852 = arith.constant 0 : i32
    %dma_wait3A_853 = tpu.memref_slice %arg4[%dma_wait3A_852] : memref<100000xf32, #tpu.memory_space<hbm>> -> memref<100000xf32, #tpu.memory_space<hbm>>
    tpu.wait_indirect_dma semaphore(%arg22 : memref<!tpu.dma_semaphore, #tpu.memory_space<semaphore_mem>>) src(%dma_wait3A_853 : memref<100000xf32, #tpu.memory_space<hbm>>) dst(%dma_wait3A_849 : memref<128xf32, #tpu.memory_space<vmem>>)
    %dma_wait3A_854 = arith.constant 0 : i32
    %dma_wait3A_855 = tpu.memref_slice %arg18[%dma_wait3A_854] : memref<512xf32, #tpu.memory_space<vmem>> -> memref<128xf32, #tpu.memory_space<vmem>>
    %dma_wait3A_856 = arith.constant 0 : i32
    %dma_wait3A_857 = tpu.memref_slice %arg13[%dma_wait3A_856] : memref<512xi32, #tpu.memory_space<vmem>> -> memref<128xi32, #tpu.memory_space<vmem>>
    %dma_wait3A_858 = arith.constant 0 : i32
    %dma_wait3A_859 = tpu.memref_slice %arg5[%dma_wait3A_858] : memref<100000xf32, #tpu.memory_space<hbm>> -> memref<100000xf32, #tpu.memory_space<hbm>>
    tpu.wait_indirect_dma semaphore(%arg22 : memref<!tpu.dma_semaphore, #tpu.memory_space<semaphore_mem>>) src(%dma_wait3A_859 : memref<100000xf32, #tpu.memory_space<hbm>>) dst(%dma_wait3A_855 : memref<128xf32, #tpu.memory_space<vmem>>)
    %dma_wait3A_860 = arith.constant 0 : i32
    %dma_wait3A_861 = tpu.memref_slice %arg19[%dma_wait3A_860] : memref<512xf32, #tpu.memory_space<vmem>> -> memref<128xf32, #tpu.memory_space<vmem>>
    %dma_wait3A_862 = arith.constant 0 : i32
    %dma_wait3A_863 = tpu.memref_slice %arg13[%dma_wait3A_862] : memref<512xi32, #tpu.memory_space<vmem>> -> memref<128xi32, #tpu.memory_space<vmem>>
    %dma_wait3A_864 = arith.constant 0 : i32
    %dma_wait3A_865 = tpu.memref_slice %arg6[%dma_wait3A_864] : memref<100000xf32, #tpu.memory_space<hbm>> -> memref<100000xf32, #tpu.memory_space<hbm>>
    tpu.wait_indirect_dma semaphore(%arg22 : memref<!tpu.dma_semaphore, #tpu.memory_space<semaphore_mem>>) src(%dma_wait3A_865 : memref<100000xf32, #tpu.memory_space<hbm>>) dst(%dma_wait3A_861 : memref<128xf32, #tpu.memory_space<vmem>>)
    %dma_wait3A_866 = arith.constant 0 : i32
    %dma_wait3A_867 = tpu.memref_slice %arg20[%dma_wait3A_866] : memref<512xf32, #tpu.memory_space<vmem>> -> memref<128xf32, #tpu.memory_space<vmem>>
    %dma_wait3A_868 = arith.constant 0 : i32
    %dma_wait3A_869 = tpu.memref_slice %arg13[%dma_wait3A_868] : memref<512xi32, #tpu.memory_space<vmem>> -> memref<128xi32, #tpu.memory_space<vmem>>
    %dma_wait3A_870 = arith.constant 0 : i32
    %dma_wait3A_871 = tpu.memref_slice %arg7[%dma_wait3A_870] : memref<100000xf32, #tpu.memory_space<hbm>> -> memref<100000xf32, #tpu.memory_space<hbm>>
    tpu.wait_indirect_dma semaphore(%arg22 : memref<!tpu.dma_semaphore, #tpu.memory_space<semaphore_mem>>) src(%dma_wait3A_871 : memref<100000xf32, #tpu.memory_space<hbm>>) dst(%dma_wait3A_867 : memref<128xf32, #tpu.memory_space<vmem>>)
    %dma_wait3A_872 = arith.constant 128 : i32
    %dma_wait3A_873 = tpu.memref_slice %arg17[%dma_wait3A_872] : memref<512xf32, #tpu.memory_space<vmem>> -> memref<128xf32, #tpu.memory_space<vmem>>
    %dma_wait3A_874 = arith.constant 128 : i32
    %dma_wait3A_875 = tpu.memref_slice %arg13[%dma_wait3A_874] : memref<512xi32, #tpu.memory_space<vmem>> -> memref<128xi32, #tpu.memory_space<vmem>>
    %dma_wait3A_876 = arith.constant 0 : i32
    %dma_wait3A_877 = tpu.memref_slice %arg4[%dma_wait3A_876] : memref<100000xf32, #tpu.memory_space<hbm>> -> memref<100000xf32, #tpu.memory_space<hbm>>
    tpu.wait_indirect_dma semaphore(%arg22 : memref<!tpu.dma_semaphore, #tpu.memory_space<semaphore_mem>>) src(%dma_wait3A_877 : memref<100000xf32, #tpu.memory_space<hbm>>) dst(%dma_wait3A_873 : memref<128xf32, #tpu.memory_space<vmem>>)
    %dma_wait3A_878 = arith.constant 128 : i32
    %dma_wait3A_879 = tpu.memref_slice %arg18[%dma_wait3A_878] : memref<512xf32, #tpu.memory_space<vmem>> -> memref<128xf32, #tpu.memory_space<vmem>>
    %dma_wait3A_880 = arith.constant 128 : i32
    %dma_wait3A_881 = tpu.memref_slice %arg13[%dma_wait3A_880] : memref<512xi32, #tpu.memory_space<vmem>> -> memref<128xi32, #tpu.memory_space<vmem>>
    %dma_wait3A_882 = arith.constant 0 : i32
    %dma_wait3A_883 = tpu.memref_slice %arg5[%dma_wait3A_882] : memref<100000xf32, #tpu.memory_space<hbm>> -> memref<100000xf32, #tpu.memory_space<hbm>>
    tpu.wait_indirect_dma semaphore(%arg22 : memref<!tpu.dma_semaphore, #tpu.memory_space<semaphore_mem>>) src(%dma_wait3A_883 : memref<100000xf32, #tpu.memory_space<hbm>>) dst(%dma_wait3A_879 : memref<128xf32, #tpu.memory_space<vmem>>)
    %dma_wait3A_884 = arith.constant 128 : i32
    %dma_wait3A_885 = tpu.memref_slice %arg19[%dma_wait3A_884] : memref<512xf32, #tpu.memory_space<vmem>> -> memref<128xf32, #tpu.memory_space<vmem>>
    %dma_wait3A_886 = arith.constant 128 : i32
    %dma_wait3A_887 = tpu.memref_slice %arg13[%dma_wait3A_886] : memref<512xi32, #tpu.memory_space<vmem>> -> memref<128xi32, #tpu.memory_space<vmem>>
    %dma_wait3A_888 = arith.constant 0 : i32
    %dma_wait3A_889 = tpu.memref_slice %arg6[%dma_wait3A_888] : memref<100000xf32, #tpu.memory_space<hbm>> -> memref<100000xf32, #tpu.memory_space<hbm>>
    tpu.wait_indirect_dma semaphore(%arg22 : memref<!tpu.dma_semaphore, #tpu.memory_space<semaphore_mem>>) src(%dma_wait3A_889 : memref<100000xf32, #tpu.memory_space<hbm>>) dst(%dma_wait3A_885 : memref<128xf32, #tpu.memory_space<vmem>>)
    %dma_wait3A_890 = arith.constant 128 : i32
    %dma_wait3A_891 = tpu.memref_slice %arg20[%dma_wait3A_890] : memref<512xf32, #tpu.memory_space<vmem>> -> memref<128xf32, #tpu.memory_space<vmem>>
    %dma_wait3A_892 = arith.constant 128 : i32
    %dma_wait3A_893 = tpu.memref_slice %arg13[%dma_wait3A_892] : memref<512xi32, #tpu.memory_space<vmem>> -> memref<128xi32, #tpu.memory_space<vmem>>
    %dma_wait3A_894 = arith.constant 0 : i32
    %dma_wait3A_895 = tpu.memref_slice %arg7[%dma_wait3A_894] : memref<100000xf32, #tpu.memory_space<hbm>> -> memref<100000xf32, #tpu.memory_space<hbm>>
    tpu.wait_indirect_dma semaphore(%arg22 : memref<!tpu.dma_semaphore, #tpu.memory_space<semaphore_mem>>) src(%dma_wait3A_895 : memref<100000xf32, #tpu.memory_space<hbm>>) dst(%dma_wait3A_891 : memref<128xf32, #tpu.memory_space<vmem>>)
    %dma_wait3A_896 = arith.constant 256 : i32
    %dma_wait3A_897 = tpu.memref_slice %arg17[%dma_wait3A_896] : memref<512xf32, #tpu.memory_space<vmem>> -> memref<128xf32, #tpu.memory_space<vmem>>
    %dma_wait3A_898 = arith.constant 256 : i32
    %dma_wait3A_899 = tpu.memref_slice %arg13[%dma_wait3A_898] : memref<512xi32, #tpu.memory_space<vmem>> -> memref<128xi32, #tpu.memory_space<vmem>>
    %dma_wait3A_900 = arith.constant 0 : i32
    %dma_wait3A_901 = tpu.memref_slice %arg4[%dma_wait3A_900] : memref<100000xf32, #tpu.memory_space<hbm>> -> memref<100000xf32, #tpu.memory_space<hbm>>
    tpu.wait_indirect_dma semaphore(%arg22 : memref<!tpu.dma_semaphore, #tpu.memory_space<semaphore_mem>>) src(%dma_wait3A_901 : memref<100000xf32, #tpu.memory_space<hbm>>) dst(%dma_wait3A_897 : memref<128xf32, #tpu.memory_space<vmem>>)
    %dma_wait3A_902 = arith.constant 256 : i32
    %dma_wait3A_903 = tpu.memref_slice %arg18[%dma_wait3A_902] : memref<512xf32, #tpu.memory_space<vmem>> -> memref<128xf32, #tpu.memory_space<vmem>>
    %dma_wait3A_904 = arith.constant 256 : i32
    %dma_wait3A_905 = tpu.memref_slice %arg13[%dma_wait3A_904] : memref<512xi32, #tpu.memory_space<vmem>> -> memref<128xi32, #tpu.memory_space<vmem>>
    %dma_wait3A_906 = arith.constant 0 : i32
    %dma_wait3A_907 = tpu.memref_slice %arg5[%dma_wait3A_906] : memref<100000xf32, #tpu.memory_space<hbm>> -> memref<100000xf32, #tpu.memory_space<hbm>>
    tpu.wait_indirect_dma semaphore(%arg22 : memref<!tpu.dma_semaphore, #tpu.memory_space<semaphore_mem>>) src(%dma_wait3A_907 : memref<100000xf32, #tpu.memory_space<hbm>>) dst(%dma_wait3A_903 : memref<128xf32, #tpu.memory_space<vmem>>)
    %dma_wait3A_908 = arith.constant 256 : i32
    %dma_wait3A_909 = tpu.memref_slice %arg19[%dma_wait3A_908] : memref<512xf32, #tpu.memory_space<vmem>> -> memref<128xf32, #tpu.memory_space<vmem>>
    %dma_wait3A_910 = arith.constant 256 : i32
    %dma_wait3A_911 = tpu.memref_slice %arg13[%dma_wait3A_910] : memref<512xi32, #tpu.memory_space<vmem>> -> memref<128xi32, #tpu.memory_space<vmem>>
    %dma_wait3A_912 = arith.constant 0 : i32
    %dma_wait3A_913 = tpu.memref_slice %arg6[%dma_wait3A_912] : memref<100000xf32, #tpu.memory_space<hbm>> -> memref<100000xf32, #tpu.memory_space<hbm>>
    tpu.wait_indirect_dma semaphore(%arg22 : memref<!tpu.dma_semaphore, #tpu.memory_space<semaphore_mem>>) src(%dma_wait3A_913 : memref<100000xf32, #tpu.memory_space<hbm>>) dst(%dma_wait3A_909 : memref<128xf32, #tpu.memory_space<vmem>>)
    %dma_wait3A_914 = arith.constant 256 : i32
    %dma_wait3A_915 = tpu.memref_slice %arg20[%dma_wait3A_914] : memref<512xf32, #tpu.memory_space<vmem>> -> memref<128xf32, #tpu.memory_space<vmem>>
    %dma_wait3A_916 = arith.constant 256 : i32
    %dma_wait3A_917 = tpu.memref_slice %arg13[%dma_wait3A_916] : memref<512xi32, #tpu.memory_space<vmem>> -> memref<128xi32, #tpu.memory_space<vmem>>
    %dma_wait3A_918 = arith.constant 0 : i32
    %dma_wait3A_919 = tpu.memref_slice %arg7[%dma_wait3A_918] : memref<100000xf32, #tpu.memory_space<hbm>> -> memref<100000xf32, #tpu.memory_space<hbm>>
    tpu.wait_indirect_dma semaphore(%arg22 : memref<!tpu.dma_semaphore, #tpu.memory_space<semaphore_mem>>) src(%dma_wait3A_919 : memref<100000xf32, #tpu.memory_space<hbm>>) dst(%dma_wait3A_915 : memref<128xf32, #tpu.memory_space<vmem>>)
    %dma_wait3A_920 = arith.constant 384 : i32
    %dma_wait3A_921 = tpu.memref_slice %arg17[%dma_wait3A_920] : memref<512xf32, #tpu.memory_space<vmem>> -> memref<128xf32, #tpu.memory_space<vmem>>
    %dma_wait3A_922 = arith.constant 384 : i32
    %dma_wait3A_923 = tpu.memref_slice %arg13[%dma_wait3A_922] : memref<512xi32, #tpu.memory_space<vmem>> -> memref<128xi32, #tpu.memory_space<vmem>>
    %dma_wait3A_924 = arith.constant 0 : i32
    %dma_wait3A_925 = tpu.memref_slice %arg4[%dma_wait3A_924] : memref<100000xf32, #tpu.memory_space<hbm>> -> memref<100000xf32, #tpu.memory_space<hbm>>
    tpu.wait_indirect_dma semaphore(%arg22 : memref<!tpu.dma_semaphore, #tpu.memory_space<semaphore_mem>>) src(%dma_wait3A_925 : memref<100000xf32, #tpu.memory_space<hbm>>) dst(%dma_wait3A_921 : memref<128xf32, #tpu.memory_space<vmem>>)
    %dma_wait3A_926 = arith.constant 384 : i32
    %dma_wait3A_927 = tpu.memref_slice %arg18[%dma_wait3A_926] : memref<512xf32, #tpu.memory_space<vmem>> -> memref<128xf32, #tpu.memory_space<vmem>>
    %dma_wait3A_928 = arith.constant 384 : i32
    %dma_wait3A_929 = tpu.memref_slice %arg13[%dma_wait3A_928] : memref<512xi32, #tpu.memory_space<vmem>> -> memref<128xi32, #tpu.memory_space<vmem>>
    %dma_wait3A_930 = arith.constant 0 : i32
    %dma_wait3A_931 = tpu.memref_slice %arg5[%dma_wait3A_930] : memref<100000xf32, #tpu.memory_space<hbm>> -> memref<100000xf32, #tpu.memory_space<hbm>>
    tpu.wait_indirect_dma semaphore(%arg22 : memref<!tpu.dma_semaphore, #tpu.memory_space<semaphore_mem>>) src(%dma_wait3A_931 : memref<100000xf32, #tpu.memory_space<hbm>>) dst(%dma_wait3A_927 : memref<128xf32, #tpu.memory_space<vmem>>)
    %dma_wait3A_932 = arith.constant 384 : i32
    %dma_wait3A_933 = tpu.memref_slice %arg19[%dma_wait3A_932] : memref<512xf32, #tpu.memory_space<vmem>> -> memref<128xf32, #tpu.memory_space<vmem>>
    %dma_wait3A_934 = arith.constant 384 : i32
    %dma_wait3A_935 = tpu.memref_slice %arg13[%dma_wait3A_934] : memref<512xi32, #tpu.memory_space<vmem>> -> memref<128xi32, #tpu.memory_space<vmem>>
    %dma_wait3A_936 = arith.constant 0 : i32
    %dma_wait3A_937 = tpu.memref_slice %arg6[%dma_wait3A_936] : memref<100000xf32, #tpu.memory_space<hbm>> -> memref<100000xf32, #tpu.memory_space<hbm>>
    tpu.wait_indirect_dma semaphore(%arg22 : memref<!tpu.dma_semaphore, #tpu.memory_space<semaphore_mem>>) src(%dma_wait3A_937 : memref<100000xf32, #tpu.memory_space<hbm>>) dst(%dma_wait3A_933 : memref<128xf32, #tpu.memory_space<vmem>>)
    %dma_wait3A_938 = arith.constant 384 : i32
    %dma_wait3A_939 = tpu.memref_slice %arg20[%dma_wait3A_938] : memref<512xf32, #tpu.memory_space<vmem>> -> memref<128xf32, #tpu.memory_space<vmem>>
    %dma_wait3A_940 = arith.constant 384 : i32
    %dma_wait3A_941 = tpu.memref_slice %arg13[%dma_wait3A_940] : memref<512xi32, #tpu.memory_space<vmem>> -> memref<128xi32, #tpu.memory_space<vmem>>
    %dma_wait3A_942 = arith.constant 0 : i32
    %dma_wait3A_943 = tpu.memref_slice %arg7[%dma_wait3A_942] : memref<100000xf32, #tpu.memory_space<hbm>> -> memref<100000xf32, #tpu.memory_space<hbm>>
    tpu.wait_indirect_dma semaphore(%arg22 : memref<!tpu.dma_semaphore, #tpu.memory_space<semaphore_mem>>) src(%dma_wait3A_943 : memref<100000xf32, #tpu.memory_space<hbm>>) dst(%dma_wait3A_939 : memref<128xf32, #tpu.memory_space<vmem>>)
    %get3A_944 = arith.constant 0 : index
    %get3A_945 = tpu.vector_load %arg20[%get3A_944] {strides = array<i32>} : memref<512xf32, #tpu.memory_space<vmem>>, vector<16xf32>,
    %get3A_946 = vector.shape_cast %get3A_945 : vector<16xf32> to vector<16xf32>
    %get3A_947 = arith.constant 0 : index
    %get3A_948 = tpu.vector_load %arg21[%get3A_947] {strides = array<i32>} : memref<512xf32, #tpu.memory_space<vmem>>, vector<16xf32>,
    %get3A_949 = vector.shape_cast %get3A_948 : vector<16xf32> to vector<16xf32>
    %add3A_950 = arith.addf %get3A_946, %get3A_949 : vector<16xf32>
    %swap3A_951 = arith.constant 0 : index
    %swap3A_952 = tpu.vector_load %arg20[%swap3A_951] {strides = array<i32>} : memref<512xf32, #tpu.memory_space<vmem>>, vector<16xf32>,
    %swap3A_953 = vector.shape_cast %swap3A_952 : vector<16xf32> to vector<16xf32>
    %swap3A_954 = vector.shape_cast %add3A_950 : vector<16xf32> to vector<16xf32>
    tpu.vector_store %arg20[%swap3A_951], %swap3A_954 {strides = array<i32>} : memref<512xf32, #tpu.memory_space<vmem>>, vector<16xf32>,
    %get3A_955 = arith.constant 16 : index
    %get3A_956 = tpu.vector_load %arg20[%get3A_955] {strides = array<i32>} : memref<512xf32, #tpu.memory_space<vmem>>, vector<16xf32>,
    %get3A_957 = vector.shape_cast %get3A_956 : vector<16xf32> to vector<16xf32>
    %get3A_958 = arith.constant 16 : index
    %get3A_959 = tpu.vector_load %arg21[%get3A_958] {strides = array<i32>} : memref<512xf32, #tpu.memory_space<vmem>>, vector<16xf32>,
    %get3A_960 = vector.shape_cast %get3A_959 : vector<16xf32> to vector<16xf32>
    %add3A_961 = arith.addf %get3A_957, %get3A_960 : vector<16xf32>
    %swap3A_962 = arith.constant 16 : index
    %swap3A_963 = tpu.vector_load %arg20[%swap3A_962] {strides = array<i32>} : memref<512xf32, #tpu.memory_space<vmem>>, vector<16xf32>,
    %swap3A_964 = vector.shape_cast %swap3A_963 : vector<16xf32> to vector<16xf32>
    %swap3A_965 = vector.shape_cast %add3A_961 : vector<16xf32> to vector<16xf32>
    tpu.vector_store %arg20[%swap3A_962], %swap3A_965 {strides = array<i32>} : memref<512xf32, #tpu.memory_space<vmem>>, vector<16xf32>,
    %get3A_966 = arith.constant 32 : index
    %get3A_967 = tpu.vector_load %arg20[%get3A_966] {strides = array<i32>} : memref<512xf32, #tpu.memory_space<vmem>>, vector<16xf32>,
    %get3A_968 = vector.shape_cast %get3A_967 : vector<16xf32> to vector<16xf32>
    %get3A_969 = arith.constant 32 : index
    %get3A_970 = tpu.vector_load %arg21[%get3A_969] {strides = array<i32>} : memref<512xf32, #tpu.memory_space<vmem>>, vector<16xf32>,
    %get3A_971 = vector.shape_cast %get3A_970 : vector<16xf32> to vector<16xf32>
    %add3A_972 = arith.addf %get3A_968, %get3A_971 : vector<16xf32>
    %swap3A_973 = arith.constant 32 : index
    %swap3A_974 = tpu.vector_load %arg20[%swap3A_973] {strides = array<i32>} : memref<512xf32, #tpu.memory_space<vmem>>, vector<16xf32>,
    %swap3A_975 = vector.shape_cast %swap3A_974 : vector<16xf32> to vector<16xf32>
    %swap3A_976 = vector.shape_cast %add3A_972 : vector<16xf32> to vector<16xf32>
    tpu.vector_store %arg20[%swap3A_973], %swap3A_976 {strides = array<i32>} : memref<512xf32, #tpu.memory_space<vmem>>, vector<16xf32>,
    %get3A_977 = arith.constant 48 : index
    %get3A_978 = tpu.vector_load %arg20[%get3A_977] {strides = array<i32>} : memref<512xf32, #tpu.memory_space<vmem>>, vector<16xf32>,
    %get3A_979 = vector.shape_cast %get3A_978 : vector<16xf32> to vector<16xf32>
    %get3A_980 = arith.constant 48 : index
    %get3A_981 = tpu.vector_load %arg21[%get3A_980] {strides = array<i32>} : memref<512xf32, #tpu.memory_space<vmem>>, vector<16xf32>,
    %get3A_982 = vector.shape_cast %get3A_981 : vector<16xf32> to vector<16xf32>
    %add3A_983 = arith.addf %get3A_979, %get3A_982 : vector<16xf32>
    %swap3A_984 = arith.constant 48 : index
    %swap3A_985 = tpu.vector_load %arg20[%swap3A_984] {strides = array<i32>} : memref<512xf32, #tpu.memory_space<vmem>>, vector<16xf32>,
    %swap3A_986 = vector.shape_cast %swap3A_985 : vector<16xf32> to vector<16xf32>
    %swap3A_987 = vector.shape_cast %add3A_983 : vector<16xf32> to vector<16xf32>
    tpu.vector_store %arg20[%swap3A_984], %swap3A_987 {strides = array<i32>} : memref<512xf32, #tpu.memory_space<vmem>>, vector<16xf32>,
    %get3A_988 = arith.constant 64 : index
    %get3A_989 = tpu.vector_load %arg20[%get3A_988] {strides = array<i32>} : memref<512xf32, #tpu.memory_space<vmem>>, vector<16xf32>,
    %get3A_990 = vector.shape_cast %get3A_989 : vector<16xf32> to vector<16xf32>
    %get3A_991 = arith.constant 64 : index
    %get3A_992 = tpu.vector_load %arg21[%get3A_991] {strides = array<i32>} : memref<512xf32, #tpu.memory_space<vmem>>, vector<16xf32>,
    %get3A_993 = vector.shape_cast %get3A_992 : vector<16xf32> to vector<16xf32>
    %add3A_994 = arith.addf %get3A_990, %get3A_993 : vector<16xf32>
    %swap3A_995 = arith.constant 64 : index
    %swap3A_996 = tpu.vector_load %arg20[%swap3A_995] {strides = array<i32>} : memref<512xf32, #tpu.memory_space<vmem>>, vector<16xf32>,
    %swap3A_997 = vector.shape_cast %swap3A_996 : vector<16xf32> to vector<16xf32>
    %swap3A_998 = vector.shape_cast %add3A_994 : vector<16xf32> to vector<16xf32>
    tpu.vector_store %arg20[%swap3A_995], %swap3A_998 {strides = array<i32>} : memref<512xf32, #tpu.memory_space<vmem>>, vector<16xf32>,
    %get3A_999 = arith.constant 80 : index
    %get3A_1000 = tpu.vector_load %arg20[%get3A_999] {strides = array<i32>} : memref<512xf32, #tpu.memory_space<vmem>>, vector<16xf32>,
    %get3A_1001 = vector.shape_cast %get3A_1000 : vector<16xf32> to vector<16xf32>
    %get3A_1002 = arith.constant 80 : index
    %get3A_1003 = tpu.vector_load %arg21[%get3A_1002] {strides = array<i32>} : memref<512xf32, #tpu.memory_space<vmem>>, vector<16xf32>,
    %get3A_1004 = vector.shape_cast %get3A_1003 : vector<16xf32> to vector<16xf32>
    %add3A_1005 = arith.addf %get3A_1001, %get3A_1004 : vector<16xf32>
    %swap3A_1006 = arith.constant 80 : index
    %swap3A_1007 = tpu.vector_load %arg20[%swap3A_1006] {strides = array<i32>} : memref<512xf32, #tpu.memory_space<vmem>>, vector<16xf32>,
    %swap3A_1008 = vector.shape_cast %swap3A_1007 : vector<16xf32> to vector<16xf32>
    %swap3A_1009 = vector.shape_cast %add3A_1005 : vector<16xf32> to vector<16xf32>
    tpu.vector_store %arg20[%swap3A_1006], %swap3A_1009 {strides = array<i32>} : memref<512xf32, #tpu.memory_space<vmem>>, vector<16xf32>,
    %get3A_1010 = arith.constant 96 : index
    %get3A_1011 = tpu.vector_load %arg20[%get3A_1010] {strides = array<i32>} : memref<512xf32, #tpu.memory_space<vmem>>, vector<16xf32>,
    %get3A_1012 = vector.shape_cast %get3A_1011 : vector<16xf32> to vector<16xf32>
    %get3A_1013 = arith.constant 96 : index
    %get3A_1014 = tpu.vector_load %arg21[%get3A_1013] {strides = array<i32>} : memref<512xf32, #tpu.memory_space<vmem>>, vector<16xf32>,
    %get3A_1015 = vector.shape_cast %get3A_1014 : vector<16xf32> to vector<16xf32>
    %add3A_1016 = arith.addf %get3A_1012, %get3A_1015 : vector<16xf32>
    %swap3A_1017 = arith.constant 96 : index
    %swap3A_1018 = tpu.vector_load %arg20[%swap3A_1017] {strides = array<i32>} : memref<512xf32, #tpu.memory_space<vmem>>, vector<16xf32>,
    %swap3A_1019 = vector.shape_cast %swap3A_1018 : vector<16xf32> to vector<16xf32>
    %swap3A_1020 = vector.shape_cast %add3A_1016 : vector<16xf32> to vector<16xf32>
    tpu.vector_store %arg20[%swap3A_1017], %swap3A_1020 {strides = array<i32>} : memref<512xf32, #tpu.memory_space<vmem>>, vector<16xf32>,
    %get3A_1021 = arith.constant 112 : index
    %get3A_1022 = tpu.vector_load %arg20[%get3A_1021] {strides = array<i32>} : memref<512xf32, #tpu.memory_space<vmem>>, vector<16xf32>,
    %get3A_1023 = vector.shape_cast %get3A_1022 : vector<16xf32> to vector<16xf32>
    %get3A_1024 = arith.constant 112 : index
    %get3A_1025 = tpu.vector_load %arg21[%get3A_1024] {strides = array<i32>} : memref<512xf32, #tpu.memory_space<vmem>>, vector<16xf32>,
    %get3A_1026 = vector.shape_cast %get3A_1025 : vector<16xf32> to vector<16xf32>
    %add3A_1027 = arith.addf %get3A_1023, %get3A_1026 : vector<16xf32>
    %swap3A_1028 = arith.constant 112 : index
    %swap3A_1029 = tpu.vector_load %arg20[%swap3A_1028] {strides = array<i32>} : memref<512xf32, #tpu.memory_space<vmem>>, vector<16xf32>,
    %swap3A_1030 = vector.shape_cast %swap3A_1029 : vector<16xf32> to vector<16xf32>
    %swap3A_1031 = vector.shape_cast %add3A_1027 : vector<16xf32> to vector<16xf32>
    tpu.vector_store %arg20[%swap3A_1028], %swap3A_1031 {strides = array<i32>} : memref<512xf32, #tpu.memory_space<vmem>>, vector<16xf32>,
    %get3A_1032 = arith.constant 128 : index
    %get3A_1033 = tpu.vector_load %arg20[%get3A_1032] {strides = array<i32>} : memref<512xf32, #tpu.memory_space<vmem>>, vector<16xf32>,
    %get3A_1034 = vector.shape_cast %get3A_1033 : vector<16xf32> to vector<16xf32>
    %get3A_1035 = arith.constant 128 : index
    %get3A_1036 = tpu.vector_load %arg21[%get3A_1035] {strides = array<i32>} : memref<512xf32, #tpu.memory_space<vmem>>, vector<16xf32>,
    %get3A_1037 = vector.shape_cast %get3A_1036 : vector<16xf32> to vector<16xf32>
    %add3A_1038 = arith.addf %get3A_1034, %get3A_1037 : vector<16xf32>
    %swap3A_1039 = arith.constant 128 : index
    %swap3A_1040 = tpu.vector_load %arg20[%swap3A_1039] {strides = array<i32>} : memref<512xf32, #tpu.memory_space<vmem>>, vector<16xf32>,
    %swap3A_1041 = vector.shape_cast %swap3A_1040 : vector<16xf32> to vector<16xf32>
    %swap3A_1042 = vector.shape_cast %add3A_1038 : vector<16xf32> to vector<16xf32>
    tpu.vector_store %arg20[%swap3A_1039], %swap3A_1042 {strides = array<i32>} : memref<512xf32, #tpu.memory_space<vmem>>, vector<16xf32>,
    %get3A_1043 = arith.constant 144 : index
    %get3A_1044 = tpu.vector_load %arg20[%get3A_1043] {strides = array<i32>} : memref<512xf32, #tpu.memory_space<vmem>>, vector<16xf32>,
    %get3A_1045 = vector.shape_cast %get3A_1044 : vector<16xf32> to vector<16xf32>
    %get3A_1046 = arith.constant 144 : index
    %get3A_1047 = tpu.vector_load %arg21[%get3A_1046] {strides = array<i32>} : memref<512xf32, #tpu.memory_space<vmem>>, vector<16xf32>,
    %get3A_1048 = vector.shape_cast %get3A_1047 : vector<16xf32> to vector<16xf32>
    %add3A_1049 = arith.addf %get3A_1045, %get3A_1048 : vector<16xf32>
    %swap3A_1050 = arith.constant 144 : index
    %swap3A_1051 = tpu.vector_load %arg20[%swap3A_1050] {strides = array<i32>} : memref<512xf32, #tpu.memory_space<vmem>>, vector<16xf32>,
    %swap3A_1052 = vector.shape_cast %swap3A_1051 : vector<16xf32> to vector<16xf32>
    %swap3A_1053 = vector.shape_cast %add3A_1049 : vector<16xf32> to vector<16xf32>
    tpu.vector_store %arg20[%swap3A_1050], %swap3A_1053 {strides = array<i32>} : memref<512xf32, #tpu.memory_space<vmem>>, vector<16xf32>,
    %get3A_1054 = arith.constant 160 : index
    %get3A_1055 = tpu.vector_load %arg20[%get3A_1054] {strides = array<i32>} : memref<512xf32, #tpu.memory_space<vmem>>, vector<16xf32>,
    %get3A_1056 = vector.shape_cast %get3A_1055 : vector<16xf32> to vector<16xf32>
    %get3A_1057 = arith.constant 160 : index
    %get3A_1058 = tpu.vector_load %arg21[%get3A_1057] {strides = array<i32>} : memref<512xf32, #tpu.memory_space<vmem>>, vector<16xf32>,
    %get3A_1059 = vector.shape_cast %get3A_1058 : vector<16xf32> to vector<16xf32>
    %add3A_1060 = arith.addf %get3A_1056, %get3A_1059 : vector<16xf32>
    %swap3A_1061 = arith.constant 160 : index
    %swap3A_1062 = tpu.vector_load %arg20[%swap3A_1061] {strides = array<i32>} : memref<512xf32, #tpu.memory_space<vmem>>, vector<16xf32>,
    %swap3A_1063 = vector.shape_cast %swap3A_1062 : vector<16xf32> to vector<16xf32>
    %swap3A_1064 = vector.shape_cast %add3A_1060 : vector<16xf32> to vector<16xf32>
    tpu.vector_store %arg20[%swap3A_1061], %swap3A_1064 {strides = array<i32>} : memref<512xf32, #tpu.memory_space<vmem>>, vector<16xf32>,
    %get3A_1065 = arith.constant 176 : index
    %get3A_1066 = tpu.vector_load %arg20[%get3A_1065] {strides = array<i32>} : memref<512xf32, #tpu.memory_space<vmem>>, vector<16xf32>,
    %get3A_1067 = vector.shape_cast %get3A_1066 : vector<16xf32> to vector<16xf32>
    %get3A_1068 = arith.constant 176 : index
    %get3A_1069 = tpu.vector_load %arg21[%get3A_1068] {strides = array<i32>} : memref<512xf32, #tpu.memory_space<vmem>>, vector<16xf32>,
    %get3A_1070 = vector.shape_cast %get3A_1069 : vector<16xf32> to vector<16xf32>
    %add3A_1071 = arith.addf %get3A_1067, %get3A_1070 : vector<16xf32>
    %swap3A_1072 = arith.constant 176 : index
    %swap3A_1073 = tpu.vector_load %arg20[%swap3A_1072] {strides = array<i32>} : memref<512xf32, #tpu.memory_space<vmem>>, vector<16xf32>,
    %swap3A_1074 = vector.shape_cast %swap3A_1073 : vector<16xf32> to vector<16xf32>
    %swap3A_1075 = vector.shape_cast %add3A_1071 : vector<16xf32> to vector<16xf32>
    tpu.vector_store %arg20[%swap3A_1072], %swap3A_1075 {strides = array<i32>} : memref<512xf32, #tpu.memory_space<vmem>>, vector<16xf32>,
    %get3A_1076 = arith.constant 192 : index
    %get3A_1077 = tpu.vector_load %arg20[%get3A_1076] {strides = array<i32>} : memref<512xf32, #tpu.memory_space<vmem>>, vector<16xf32>,
    %get3A_1078 = vector.shape_cast %get3A_1077 : vector<16xf32> to vector<16xf32>
    %get3A_1079 = arith.constant 192 : index
    %get3A_1080 = tpu.vector_load %arg21[%get3A_1079] {strides = array<i32>} : memref<512xf32, #tpu.memory_space<vmem>>, vector<16xf32>,
    %get3A_1081 = vector.shape_cast %get3A_1080 : vector<16xf32> to vector<16xf32>
    %add3A_1082 = arith.addf %get3A_1078, %get3A_1081 : vector<16xf32>
    %swap3A_1083 = arith.constant 192 : index
    %swap3A_1084 = tpu.vector_load %arg20[%swap3A_1083] {strides = array<i32>} : memref<512xf32, #tpu.memory_space<vmem>>, vector<16xf32>,
    %swap3A_1085 = vector.shape_cast %swap3A_1084 : vector<16xf32> to vector<16xf32>
    %swap3A_1086 = vector.shape_cast %add3A_1082 : vector<16xf32> to vector<16xf32>
    tpu.vector_store %arg20[%swap3A_1083], %swap3A_1086 {strides = array<i32>} : memref<512xf32, #tpu.memory_space<vmem>>, vector<16xf32>,
    %get3A_1087 = arith.constant 208 : index
    %get3A_1088 = tpu.vector_load %arg20[%get3A_1087] {strides = array<i32>} : memref<512xf32, #tpu.memory_space<vmem>>, vector<16xf32>,
    %get3A_1089 = vector.shape_cast %get3A_1088 : vector<16xf32> to vector<16xf32>
    %get3A_1090 = arith.constant 208 : index
    %get3A_1091 = tpu.vector_load %arg21[%get3A_1090] {strides = array<i32>} : memref<512xf32, #tpu.memory_space<vmem>>, vector<16xf32>,
    %get3A_1092 = vector.shape_cast %get3A_1091 : vector<16xf32> to vector<16xf32>
    %add3A_1093 = arith.addf %get3A_1089, %get3A_1092 : vector<16xf32>
    %swap3A_1094 = arith.constant 208 : index
    %swap3A_1095 = tpu.vector_load %arg20[%swap3A_1094] {strides = array<i32>} : memref<512xf32, #tpu.memory_space<vmem>>, vector<16xf32>,
    %swap3A_1096 = vector.shape_cast %swap3A_1095 : vector<16xf32> to vector<16xf32>
    %swap3A_1097 = vector.shape_cast %add3A_1093 : vector<16xf32> to vector<16xf32>
    tpu.vector_store %arg20[%swap3A_1094], %swap3A_1097 {strides = array<i32>} : memref<512xf32, #tpu.memory_space<vmem>>, vector<16xf32>,
    %get3A_1098 = arith.constant 224 : index
    %get3A_1099 = tpu.vector_load %arg20[%get3A_1098] {strides = array<i32>} : memref<512xf32, #tpu.memory_space<vmem>>, vector<16xf32>,
    %get3A_1100 = vector.shape_cast %get3A_1099 : vector<16xf32> to vector<16xf32>
    %get3A_1101 = arith.constant 224 : index
    %get3A_1102 = tpu.vector_load %arg21[%get3A_1101] {strides = array<i32>} : memref<512xf32, #tpu.memory_space<vmem>>, vector<16xf32>,
    %get3A_1103 = vector.shape_cast %get3A_1102 : vector<16xf32> to vector<16xf32>
    %add3A_1104 = arith.addf %get3A_1100, %get3A_1103 : vector<16xf32>
    %swap3A_1105 = arith.constant 224 : index
    %swap3A_1106 = tpu.vector_load %arg20[%swap3A_1105] {strides = array<i32>} : memref<512xf32, #tpu.memory_space<vmem>>, vector<16xf32>,
    %swap3A_1107 = vector.shape_cast %swap3A_1106 : vector<16xf32> to vector<16xf32>
    %swap3A_1108 = vector.shape_cast %add3A_1104 : vector<16xf32> to vector<16xf32>
    tpu.vector_store %arg20[%swap3A_1105], %swap3A_1108 {strides = array<i32>} : memref<512xf32, #tpu.memory_space<vmem>>, vector<16xf32>,
    %get3A_1109 = arith.constant 240 : index
    %get3A_1110 = tpu.vector_load %arg20[%get3A_1109] {strides = array<i32>} : memref<512xf32, #tpu.memory_space<vmem>>, vector<16xf32>,
    %get3A_1111 = vector.shape_cast %get3A_1110 : vector<16xf32> to vector<16xf32>
    %get3A_1112 = arith.constant 240 : index
    %get3A_1113 = tpu.vector_load %arg21[%get3A_1112] {strides = array<i32>} : memref<512xf32, #tpu.memory_space<vmem>>, vector<16xf32>,
    %get3A_1114 = vector.shape_cast %get3A_1113 : vector<16xf32> to vector<16xf32>
    %add3A_1115 = arith.addf %get3A_1111, %get3A_1114 : vector<16xf32>
    %swap3A_1116 = arith.constant 240 : index
    %swap3A_1117 = tpu.vector_load %arg20[%swap3A_1116] {strides = array<i32>} : memref<512xf32, #tpu.memory_space<vmem>>, vector<16xf32>,
    %swap3A_1118 = vector.shape_cast %swap3A_1117 : vector<16xf32> to vector<16xf32>
    %swap3A_1119 = vector.shape_cast %add3A_1115 : vector<16xf32> to vector<16xf32>
    tpu.vector_store %arg20[%swap3A_1116], %swap3A_1119 {strides = array<i32>} : memref<512xf32, #tpu.memory_space<vmem>>, vector<16xf32>,
    %get3A_1120 = arith.constant 256 : index
    %get3A_1121 = tpu.vector_load %arg20[%get3A_1120] {strides = array<i32>} : memref<512xf32, #tpu.memory_space<vmem>>, vector<16xf32>,
    %get3A_1122 = vector.shape_cast %get3A_1121 : vector<16xf32> to vector<16xf32>
    %get3A_1123 = arith.constant 256 : index
    %get3A_1124 = tpu.vector_load %arg21[%get3A_1123] {strides = array<i32>} : memref<512xf32, #tpu.memory_space<vmem>>, vector<16xf32>,
    %get3A_1125 = vector.shape_cast %get3A_1124 : vector<16xf32> to vector<16xf32>
    %add3A_1126 = arith.addf %get3A_1122, %get3A_1125 : vector<16xf32>
    %swap3A_1127 = arith.constant 256 : index
    %swap3A_1128 = tpu.vector_load %arg20[%swap3A_1127] {strides = array<i32>} : memref<512xf32, #tpu.memory_space<vmem>>, vector<16xf32>,
    %swap3A_1129 = vector.shape_cast %swap3A_1128 : vector<16xf32> to vector<16xf32>
    %swap3A_1130 = vector.shape_cast %add3A_1126 : vector<16xf32> to vector<16xf32>
    tpu.vector_store %arg20[%swap3A_1127], %swap3A_1130 {strides = array<i32>} : memref<512xf32, #tpu.memory_space<vmem>>, vector<16xf32>,
    %get3A_1131 = arith.constant 272 : index
    %get3A_1132 = tpu.vector_load %arg20[%get3A_1131] {strides = array<i32>} : memref<512xf32, #tpu.memory_space<vmem>>, vector<16xf32>,
    %get3A_1133 = vector.shape_cast %get3A_1132 : vector<16xf32> to vector<16xf32>
    %get3A_1134 = arith.constant 272 : index
    %get3A_1135 = tpu.vector_load %arg21[%get3A_1134] {strides = array<i32>} : memref<512xf32, #tpu.memory_space<vmem>>, vector<16xf32>,
    %get3A_1136 = vector.shape_cast %get3A_1135 : vector<16xf32> to vector<16xf32>
    %add3A_1137 = arith.addf %get3A_1133, %get3A_1136 : vector<16xf32>
    %swap3A_1138 = arith.constant 272 : index
    %swap3A_1139 = tpu.vector_load %arg20[%swap3A_1138] {strides = array<i32>} : memref<512xf32, #tpu.memory_space<vmem>>, vector<16xf32>,
    %swap3A_1140 = vector.shape_cast %swap3A_1139 : vector<16xf32> to vector<16xf32>
    %swap3A_1141 = vector.shape_cast %add3A_1137 : vector<16xf32> to vector<16xf32>
    tpu.vector_store %arg20[%swap3A_1138], %swap3A_1141 {strides = array<i32>} : memref<512xf32, #tpu.memory_space<vmem>>, vector<16xf32>,
    %get3A_1142 = arith.constant 288 : index
    %get3A_1143 = tpu.vector_load %arg20[%get3A_1142] {strides = array<i32>} : memref<512xf32, #tpu.memory_space<vmem>>, vector<16xf32>,
    %get3A_1144 = vector.shape_cast %get3A_1143 : vector<16xf32> to vector<16xf32>
    %get3A_1145 = arith.constant 288 : index
    %get3A_1146 = tpu.vector_load %arg21[%get3A_1145] {strides = array<i32>} : memref<512xf32, #tpu.memory_space<vmem>>, vector<16xf32>,
    %get3A_1147 = vector.shape_cast %get3A_1146 : vector<16xf32> to vector<16xf32>
    %add3A_1148 = arith.addf %get3A_1144, %get3A_1147 : vector<16xf32>
    %swap3A_1149 = arith.constant 288 : index
    %swap3A_1150 = tpu.vector_load %arg20[%swap3A_1149] {strides = array<i32>} : memref<512xf32, #tpu.memory_space<vmem>>, vector<16xf32>,
    %swap3A_1151 = vector.shape_cast %swap3A_1150 : vector<16xf32> to vector<16xf32>
    %swap3A_1152 = vector.shape_cast %add3A_1148 : vector<16xf32> to vector<16xf32>
    tpu.vector_store %arg20[%swap3A_1149], %swap3A_1152 {strides = array<i32>} : memref<512xf32, #tpu.memory_space<vmem>>, vector<16xf32>,
    %get3A_1153 = arith.constant 304 : index
    %get3A_1154 = tpu.vector_load %arg20[%get3A_1153] {strides = array<i32>} : memref<512xf32, #tpu.memory_space<vmem>>, vector<16xf32>,
    %get3A_1155 = vector.shape_cast %get3A_1154 : vector<16xf32> to vector<16xf32>
    %get3A_1156 = arith.constant 304 : index
    %get3A_1157 = tpu.vector_load %arg21[%get3A_1156] {strides = array<i32>} : memref<512xf32, #tpu.memory_space<vmem>>, vector<16xf32>,
    %get3A_1158 = vector.shape_cast %get3A_1157 : vector<16xf32> to vector<16xf32>
    %add3A_1159 = arith.addf %get3A_1155, %get3A_1158 : vector<16xf32>
    %swap3A_1160 = arith.constant 304 : index
    %swap3A_1161 = tpu.vector_load %arg20[%swap3A_1160] {strides = array<i32>} : memref<512xf32, #tpu.memory_space<vmem>>, vector<16xf32>,
    %swap3A_1162 = vector.shape_cast %swap3A_1161 : vector<16xf32> to vector<16xf32>
    %swap3A_1163 = vector.shape_cast %add3A_1159 : vector<16xf32> to vector<16xf32>
    tpu.vector_store %arg20[%swap3A_1160], %swap3A_1163 {strides = array<i32>} : memref<512xf32, #tpu.memory_space<vmem>>, vector<16xf32>,
    %get3A_1164 = arith.constant 320 : index
    %get3A_1165 = tpu.vector_load %arg20[%get3A_1164] {strides = array<i32>} : memref<512xf32, #tpu.memory_space<vmem>>, vector<16xf32>,
    %get3A_1166 = vector.shape_cast %get3A_1165 : vector<16xf32> to vector<16xf32>
    %get3A_1167 = arith.constant 320 : index
    %get3A_1168 = tpu.vector_load %arg21[%get3A_1167] {strides = array<i32>} : memref<512xf32, #tpu.memory_space<vmem>>, vector<16xf32>,
    %get3A_1169 = vector.shape_cast %get3A_1168 : vector<16xf32> to vector<16xf32>
    %add3A_1170 = arith.addf %get3A_1166, %get3A_1169 : vector<16xf32>
    %swap3A_1171 = arith.constant 320 : index
    %swap3A_1172 = tpu.vector_load %arg20[%swap3A_1171] {strides = array<i32>} : memref<512xf32, #tpu.memory_space<vmem>>, vector<16xf32>,
    %swap3A_1173 = vector.shape_cast %swap3A_1172 : vector<16xf32> to vector<16xf32>
    %swap3A_1174 = vector.shape_cast %add3A_1170 : vector<16xf32> to vector<16xf32>
    tpu.vector_store %arg20[%swap3A_1171], %swap3A_1174 {strides = array<i32>} : memref<512xf32, #tpu.memory_space<vmem>>, vector<16xf32>,
    %get3A_1175 = arith.constant 336 : index
    %get3A_1176 = tpu.vector_load %arg20[%get3A_1175] {strides = array<i32>} : memref<512xf32, #tpu.memory_space<vmem>>, vector<16xf32>,
    %get3A_1177 = vector.shape_cast %get3A_1176 : vector<16xf32> to vector<16xf32>
    %get3A_1178 = arith.constant 336 : index
    %get3A_1179 = tpu.vector_load %arg21[%get3A_1178] {strides = array<i32>} : memref<512xf32, #tpu.memory_space<vmem>>, vector<16xf32>,
    %get3A_1180 = vector.shape_cast %get3A_1179 : vector<16xf32> to vector<16xf32>
    %add3A_1181 = arith.addf %get3A_1177, %get3A_1180 : vector<16xf32>
    %swap3A_1182 = arith.constant 336 : index
    %swap3A_1183 = tpu.vector_load %arg20[%swap3A_1182] {strides = array<i32>} : memref<512xf32, #tpu.memory_space<vmem>>, vector<16xf32>,
    %swap3A_1184 = vector.shape_cast %swap3A_1183 : vector<16xf32> to vector<16xf32>
    %swap3A_1185 = vector.shape_cast %add3A_1181 : vector<16xf32> to vector<16xf32>
    tpu.vector_store %arg20[%swap3A_1182], %swap3A_1185 {strides = array<i32>} : memref<512xf32, #tpu.memory_space<vmem>>, vector<16xf32>,
    %get3A_1186 = arith.constant 352 : index
    %get3A_1187 = tpu.vector_load %arg20[%get3A_1186] {strides = array<i32>} : memref<512xf32, #tpu.memory_space<vmem>>, vector<16xf32>,
    %get3A_1188 = vector.shape_cast %get3A_1187 : vector<16xf32> to vector<16xf32>
    %get3A_1189 = arith.constant 352 : index
    %get3A_1190 = tpu.vector_load %arg21[%get3A_1189] {strides = array<i32>} : memref<512xf32, #tpu.memory_space<vmem>>, vector<16xf32>,
    %get3A_1191 = vector.shape_cast %get3A_1190 : vector<16xf32> to vector<16xf32>
    %add3A_1192 = arith.addf %get3A_1188, %get3A_1191 : vector<16xf32>
    %swap3A_1193 = arith.constant 352 : index
    %swap3A_1194 = tpu.vector_load %arg20[%swap3A_1193] {strides = array<i32>} : memref<512xf32, #tpu.memory_space<vmem>>, vector<16xf32>,
    %swap3A_1195 = vector.shape_cast %swap3A_1194 : vector<16xf32> to vector<16xf32>
    %swap3A_1196 = vector.shape_cast %add3A_1192 : vector<16xf32> to vector<16xf32>
    tpu.vector_store %arg20[%swap3A_1193], %swap3A_1196 {strides = array<i32>} : memref<512xf32, #tpu.memory_space<vmem>>, vector<16xf32>,
    %get3A_1197 = arith.constant 368 : index
    %get3A_1198 = tpu.vector_load %arg20[%get3A_1197] {strides = array<i32>} : memref<512xf32, #tpu.memory_space<vmem>>, vector<16xf32>,
    %get3A_1199 = vector.shape_cast %get3A_1198 : vector<16xf32> to vector<16xf32>
    %get3A_1200 = arith.constant 368 : index
    %get3A_1201 = tpu.vector_load %arg21[%get3A_1200] {strides = array<i32>} : memref<512xf32, #tpu.memory_space<vmem>>, vector<16xf32>,
    %get3A_1202 = vector.shape_cast %get3A_1201 : vector<16xf32> to vector<16xf32>
    %add3A_1203 = arith.addf %get3A_1199, %get3A_1202 : vector<16xf32>
    %swap3A_1204 = arith.constant 368 : index
    %swap3A_1205 = tpu.vector_load %arg20[%swap3A_1204] {strides = array<i32>} : memref<512xf32, #tpu.memory_space<vmem>>, vector<16xf32>,
    %swap3A_1206 = vector.shape_cast %swap3A_1205 : vector<16xf32> to vector<16xf32>
    %swap3A_1207 = vector.shape_cast %add3A_1203 : vector<16xf32> to vector<16xf32>
    tpu.vector_store %arg20[%swap3A_1204], %swap3A_1207 {strides = array<i32>} : memref<512xf32, #tpu.memory_space<vmem>>, vector<16xf32>,
    %get3A_1208 = arith.constant 384 : index
    %get3A_1209 = tpu.vector_load %arg20[%get3A_1208] {strides = array<i32>} : memref<512xf32, #tpu.memory_space<vmem>>, vector<16xf32>,
    %get3A_1210 = vector.shape_cast %get3A_1209 : vector<16xf32> to vector<16xf32>
    %get3A_1211 = arith.constant 384 : index
    %get3A_1212 = tpu.vector_load %arg21[%get3A_1211] {strides = array<i32>} : memref<512xf32, #tpu.memory_space<vmem>>, vector<16xf32>,
    %get3A_1213 = vector.shape_cast %get3A_1212 : vector<16xf32> to vector<16xf32>
    %add3A_1214 = arith.addf %get3A_1210, %get3A_1213 : vector<16xf32>
    %swap3A_1215 = arith.constant 384 : index
    %swap3A_1216 = tpu.vector_load %arg20[%swap3A_1215] {strides = array<i32>} : memref<512xf32, #tpu.memory_space<vmem>>, vector<16xf32>,
    %swap3A_1217 = vector.shape_cast %swap3A_1216 : vector<16xf32> to vector<16xf32>
    %swap3A_1218 = vector.shape_cast %add3A_1214 : vector<16xf32> to vector<16xf32>
    tpu.vector_store %arg20[%swap3A_1215], %swap3A_1218 {strides = array<i32>} : memref<512xf32, #tpu.memory_space<vmem>>, vector<16xf32>,
    %get3A_1219 = arith.constant 400 : index
    %get3A_1220 = tpu.vector_load %arg20[%get3A_1219] {strides = array<i32>} : memref<512xf32, #tpu.memory_space<vmem>>, vector<16xf32>,
    %get3A_1221 = vector.shape_cast %get3A_1220 : vector<16xf32> to vector<16xf32>
    %get3A_1222 = arith.constant 400 : index
    %get3A_1223 = tpu.vector_load %arg21[%get3A_1222] {strides = array<i32>} : memref<512xf32, #tpu.memory_space<vmem>>, vector<16xf32>,
    %get3A_1224 = vector.shape_cast %get3A_1223 : vector<16xf32> to vector<16xf32>
    %add3A_1225 = arith.addf %get3A_1221, %get3A_1224 : vector<16xf32>
    %swap3A_1226 = arith.constant 400 : index
    %swap3A_1227 = tpu.vector_load %arg20[%swap3A_1226] {strides = array<i32>} : memref<512xf32, #tpu.memory_space<vmem>>, vector<16xf32>,
    %swap3A_1228 = vector.shape_cast %swap3A_1227 : vector<16xf32> to vector<16xf32>
    %swap3A_1229 = vector.shape_cast %add3A_1225 : vector<16xf32> to vector<16xf32>
    tpu.vector_store %arg20[%swap3A_1226], %swap3A_1229 {strides = array<i32>} : memref<512xf32, #tpu.memory_space<vmem>>, vector<16xf32>,
    %get3A_1230 = arith.constant 416 : index
    %get3A_1231 = tpu.vector_load %arg20[%get3A_1230] {strides = array<i32>} : memref<512xf32, #tpu.memory_space<vmem>>, vector<16xf32>,
    %get3A_1232 = vector.shape_cast %get3A_1231 : vector<16xf32> to vector<16xf32>
    %get3A_1233 = arith.constant 416 : index
    %get3A_1234 = tpu.vector_load %arg21[%get3A_1233] {strides = array<i32>} : memref<512xf32, #tpu.memory_space<vmem>>, vector<16xf32>,
    %get3A_1235 = vector.shape_cast %get3A_1234 : vector<16xf32> to vector<16xf32>
    %add3A_1236 = arith.addf %get3A_1232, %get3A_1235 : vector<16xf32>
    %swap3A_1237 = arith.constant 416 : index
    %swap3A_1238 = tpu.vector_load %arg20[%swap3A_1237] {strides = array<i32>} : memref<512xf32, #tpu.memory_space<vmem>>, vector<16xf32>,
    %swap3A_1239 = vector.shape_cast %swap3A_1238 : vector<16xf32> to vector<16xf32>
    %swap3A_1240 = vector.shape_cast %add3A_1236 : vector<16xf32> to vector<16xf32>
    tpu.vector_store %arg20[%swap3A_1237], %swap3A_1240 {strides = array<i32>} : memref<512xf32, #tpu.memory_space<vmem>>, vector<16xf32>,
    %get3A_1241 = arith.constant 432 : index
    %get3A_1242 = tpu.vector_load %arg20[%get3A_1241] {strides = array<i32>} : memref<512xf32, #tpu.memory_space<vmem>>, vector<16xf32>,
    %get3A_1243 = vector.shape_cast %get3A_1242 : vector<16xf32> to vector<16xf32>
    %get3A_1244 = arith.constant 432 : index
    %get3A_1245 = tpu.vector_load %arg21[%get3A_1244] {strides = array<i32>} : memref<512xf32, #tpu.memory_space<vmem>>, vector<16xf32>,
    %get3A_1246 = vector.shape_cast %get3A_1245 : vector<16xf32> to vector<16xf32>
    %add3A_1247 = arith.addf %get3A_1243, %get3A_1246 : vector<16xf32>
    %swap3A_1248 = arith.constant 432 : index
    %swap3A_1249 = tpu.vector_load %arg20[%swap3A_1248] {strides = array<i32>} : memref<512xf32, #tpu.memory_space<vmem>>, vector<16xf32>,
    %swap3A_1250 = vector.shape_cast %swap3A_1249 : vector<16xf32> to vector<16xf32>
    %swap3A_1251 = vector.shape_cast %add3A_1247 : vector<16xf32> to vector<16xf32>
    tpu.vector_store %arg20[%swap3A_1248], %swap3A_1251 {strides = array<i32>} : memref<512xf32, #tpu.memory_space<vmem>>, vector<16xf32>,
    %get3A_1252 = arith.constant 448 : index
    %get3A_1253 = tpu.vector_load %arg20[%get3A_1252] {strides = array<i32>} : memref<512xf32, #tpu.memory_space<vmem>>, vector<16xf32>,
    %get3A_1254 = vector.shape_cast %get3A_1253 : vector<16xf32> to vector<16xf32>
    %get3A_1255 = arith.constant 448 : index
    %get3A_1256 = tpu.vector_load %arg21[%get3A_1255] {strides = array<i32>} : memref<512xf32, #tpu.memory_space<vmem>>, vector<16xf32>,
    %get3A_1257 = vector.shape_cast %get3A_1256 : vector<16xf32> to vector<16xf32>
    %add3A_1258 = arith.addf %get3A_1254, %get3A_1257 : vector<16xf32>
    %swap3A_1259 = arith.constant 448 : index
    %swap3A_1260 = tpu.vector_load %arg20[%swap3A_1259] {strides = array<i32>} : memref<512xf32, #tpu.memory_space<vmem>>, vector<16xf32>,
    %swap3A_1261 = vector.shape_cast %swap3A_1260 : vector<16xf32> to vector<16xf32>
    %swap3A_1262 = vector.shape_cast %add3A_1258 : vector<16xf32> to vector<16xf32>
    tpu.vector_store %arg20[%swap3A_1259], %swap3A_1262 {strides = array<i32>} : memref<512xf32, #tpu.memory_space<vmem>>, vector<16xf32>,
    %get3A_1263 = arith.constant 464 : index
    %get3A_1264 = tpu.vector_load %arg20[%get3A_1263] {strides = array<i32>} : memref<512xf32, #tpu.memory_space<vmem>>, vector<16xf32>,
    %get3A_1265 = vector.shape_cast %get3A_1264 : vector<16xf32> to vector<16xf32>
    %get3A_1266 = arith.constant 464 : index
    %get3A_1267 = tpu.vector_load %arg21[%get3A_1266] {strides = array<i32>} : memref<512xf32, #tpu.memory_space<vmem>>, vector<16xf32>,
    %get3A_1268 = vector.shape_cast %get3A_1267 : vector<16xf32> to vector<16xf32>
    %add3A_1269 = arith.addf %get3A_1265, %get3A_1268 : vector<16xf32>
    %swap3A_1270 = arith.constant 464 : index
    %swap3A_1271 = tpu.vector_load %arg20[%swap3A_1270] {strides = array<i32>} : memref<512xf32, #tpu.memory_space<vmem>>, vector<16xf32>,
    %swap3A_1272 = vector.shape_cast %swap3A_1271 : vector<16xf32> to vector<16xf32>
    %swap3A_1273 = vector.shape_cast %add3A_1269 : vector<16xf32> to vector<16xf32>
    tpu.vector_store %arg20[%swap3A_1270], %swap3A_1273 {strides = array<i32>} : memref<512xf32, #tpu.memory_space<vmem>>, vector<16xf32>,
    %get3A_1274 = arith.constant 480 : index
    %get3A_1275 = tpu.vector_load %arg20[%get3A_1274] {strides = array<i32>} : memref<512xf32, #tpu.memory_space<vmem>>, vector<16xf32>,
    %get3A_1276 = vector.shape_cast %get3A_1275 : vector<16xf32> to vector<16xf32>
    %get3A_1277 = arith.constant 480 : index
    %get3A_1278 = tpu.vector_load %arg21[%get3A_1277] {strides = array<i32>} : memref<512xf32, #tpu.memory_space<vmem>>, vector<16xf32>,
    %get3A_1279 = vector.shape_cast %get3A_1278 : vector<16xf32> to vector<16xf32>
    %add3A_1280 = arith.addf %get3A_1276, %get3A_1279 : vector<16xf32>
    %swap3A_1281 = arith.constant 480 : index
    %swap3A_1282 = tpu.vector_load %arg20[%swap3A_1281] {strides = array<i32>} : memref<512xf32, #tpu.memory_space<vmem>>, vector<16xf32>,
    %swap3A_1283 = vector.shape_cast %swap3A_1282 : vector<16xf32> to vector<16xf32>
    %swap3A_1284 = vector.shape_cast %add3A_1280 : vector<16xf32> to vector<16xf32>
    tpu.vector_store %arg20[%swap3A_1281], %swap3A_1284 {strides = array<i32>} : memref<512xf32, #tpu.memory_space<vmem>>, vector<16xf32>,
    %get3A_1285 = arith.constant 496 : index
    %get3A_1286 = tpu.vector_load %arg20[%get3A_1285] {strides = array<i32>} : memref<512xf32, #tpu.memory_space<vmem>>, vector<16xf32>,
    %get3A_1287 = vector.shape_cast %get3A_1286 : vector<16xf32> to vector<16xf32>
    %get3A_1288 = arith.constant 496 : index
    %get3A_1289 = tpu.vector_load %arg21[%get3A_1288] {strides = array<i32>} : memref<512xf32, #tpu.memory_space<vmem>>, vector<16xf32>,
    %get3A_1290 = vector.shape_cast %get3A_1289 : vector<16xf32> to vector<16xf32>
    %add3A_1291 = arith.addf %get3A_1287, %get3A_1290 : vector<16xf32>
    %swap3A_1292 = arith.constant 496 : index
    %swap3A_1293 = tpu.vector_load %arg20[%swap3A_1292] {strides = array<i32>} : memref<512xf32, #tpu.memory_space<vmem>>, vector<16xf32>,
    %swap3A_1294 = vector.shape_cast %swap3A_1293 : vector<16xf32> to vector<16xf32>
    %swap3A_1295 = vector.shape_cast %add3A_1291 : vector<16xf32> to vector<16xf32>
    tpu.vector_store %arg20[%swap3A_1292], %swap3A_1295 {strides = array<i32>} : memref<512xf32, #tpu.memory_space<vmem>>, vector<16xf32>,
    "tpu.region"() ({
      %run_scoped3A = tpu.sem_alloc : memref<!tpu.dma_semaphore, #tpu.memory_space<semaphore_mem>>
      %dma_start3A_1296 = tpu.memref_slice %arg9[%mul3A_2] : memref<16384xf32, #tpu.memory_space<hbm>> -> memref<512xf32, #tpu.memory_space<hbm>>
      %dma_start3A_1297 = tpu.memref_slice %arg9[%mul3A_2] : memref<16384xf32, #tpu.memory_space<hbm>> -> memref<512xf32, #tpu.memory_space<hbm>>
      tpu.enqueue_dma source(%arg17 : memref<512xf32, #tpu.memory_space<vmem>>) target(%dma_start3A_1297 : memref<512xf32, #tpu.memory_space<hbm>>) target_semaphore(%run_scoped3A : memref<!tpu.dma_semaphore, #tpu.memory_space<semaphore_mem>>)
      %dma_wait3A_1298 = tpu.memref_slice %arg9[%mul3A_2] : memref<16384xf32, #tpu.memory_space<hbm>> -> memref<512xf32, #tpu.memory_space<hbm>>
      %dma_wait3A_1299 = tpu.memref_slice %arg9[%mul3A_2] : memref<16384xf32, #tpu.memory_space<hbm>> -> memref<512xf32, #tpu.memory_space<hbm>>
      tpu.wait_dma2 semaphore(%run_scoped3A : memref<!tpu.dma_semaphore, #tpu.memory_space<semaphore_mem>>) src(%arg17 : memref<512xf32, #tpu.memory_space<vmem>>) dst(%dma_wait3A_1299 : memref<512xf32, #tpu.memory_space<hbm>>)
      tpu.yield
    }) : () -> ()
    "tpu.region"() ({
      %run_scoped3A = tpu.sem_alloc : memref<!tpu.dma_semaphore, #tpu.memory_space<semaphore_mem>>
      %dma_start3A_1296 = tpu.memref_slice %arg10[%mul3A_2] : memref<16384xf32, #tpu.memory_space<hbm>> -> memref<512xf32, #tpu.memory_space<hbm>>
      %dma_start3A_1297 = tpu.memref_slice %arg10[%mul3A_2] : memref<16384xf32, #tpu.memory_space<hbm>> -> memref<512xf32, #tpu.memory_space<hbm>>
      tpu.enqueue_dma source(%arg18 : memref<512xf32, #tpu.memory_space<vmem>>) target(%dma_start3A_1297 : memref<512xf32, #tpu.memory_space<hbm>>) target_semaphore(%run_scoped3A : memref<!tpu.dma_semaphore, #tpu.memory_space<semaphore_mem>>)
      %dma_wait3A_1298 = tpu.memref_slice %arg10[%mul3A_2] : memref<16384xf32, #tpu.memory_space<hbm>> -> memref<512xf32, #tpu.memory_space<hbm>>
      %dma_wait3A_1299 = tpu.memref_slice %arg10[%mul3A_2] : memref<16384xf32, #tpu.memory_space<hbm>> -> memref<512xf32, #tpu.memory_space<hbm>>
      tpu.wait_dma2 semaphore(%run_scoped3A : memref<!tpu.dma_semaphore, #tpu.memory_space<semaphore_mem>>) src(%arg18 : memref<512xf32, #tpu.memory_space<vmem>>) dst(%dma_wait3A_1299 : memref<512xf32, #tpu.memory_space<hbm>>)
      tpu.yield
    }) : () -> ()
    "tpu.region"() ({
      %run_scoped3A = tpu.sem_alloc : memref<!tpu.dma_semaphore, #tpu.memory_space<semaphore_mem>>
      %dma_start3A_1296 = tpu.memref_slice %arg11[%mul3A_2] : memref<16384xf32, #tpu.memory_space<hbm>> -> memref<512xf32, #tpu.memory_space<hbm>>
      %dma_start3A_1297 = tpu.memref_slice %arg11[%mul3A_2] : memref<16384xf32, #tpu.memory_space<hbm>> -> memref<512xf32, #tpu.memory_space<hbm>>
      tpu.enqueue_dma source(%arg19 : memref<512xf32, #tpu.memory_space<vmem>>) target(%dma_start3A_1297 : memref<512xf32, #tpu.memory_space<hbm>>) target_semaphore(%run_scoped3A : memref<!tpu.dma_semaphore, #tpu.memory_space<semaphore_mem>>)
      %dma_wait3A_1298 = tpu.memref_slice %arg11[%mul3A_2] : memref<16384xf32, #tpu.memory_space<hbm>> -> memref<512xf32, #tpu.memory_space<hbm>>
      %dma_wait3A_1299 = tpu.memref_slice %arg11[%mul3A_2] : memref<16384xf32, #tpu.memory_space<hbm>> -> memref<512xf32, #tpu.memory_space<hbm>>
      tpu.wait_dma2 semaphore(%run_scoped3A : memref<!tpu.dma_semaphore, #tpu.memory_space<semaphore_mem>>) src(%arg19 : memref<512xf32, #tpu.memory_space<vmem>>) dst(%dma_wait3A_1299 : memref<512xf32, #tpu.memory_space<hbm>>)
      tpu.yield
    }) : () -> ()
    "tpu.region"() ({
      %run_scoped3A = tpu.sem_alloc : memref<!tpu.dma_semaphore, #tpu.memory_space<semaphore_mem>>
      %dma_start3A_1296 = tpu.memref_slice %arg12[%mul3A_2] : memref<16384xf32, #tpu.memory_space<hbm>> -> memref<512xf32, #tpu.memory_space<hbm>>
      %dma_start3A_1297 = tpu.memref_slice %arg12[%mul3A_2] : memref<16384xf32, #tpu.memory_space<hbm>> -> memref<512xf32, #tpu.memory_space<hbm>>
      tpu.enqueue_dma source(%arg20 : memref<512xf32, #tpu.memory_space<vmem>>) target(%dma_start3A_1297 : memref<512xf32, #tpu.memory_space<hbm>>) target_semaphore(%run_scoped3A : memref<!tpu.dma_semaphore, #tpu.memory_space<semaphore_mem>>)
      %dma_wait3A_1298 = tpu.memref_slice %arg12[%mul3A_2] : memref<16384xf32, #tpu.memory_space<hbm>> -> memref<512xf32, #tpu.memory_space<hbm>>
      %dma_wait3A_1299 = tpu.memref_slice %arg12[%mul3A_2] : memref<16384xf32, #tpu.memory_space<hbm>> -> memref<512xf32, #tpu.memory_space<hbm>>
      tpu.wait_dma2 semaphore(%run_scoped3A : memref<!tpu.dma_semaphore, #tpu.memory_space<semaphore_mem>>) src(%arg20 : memref<512xf32, #tpu.memory_space<vmem>>) dst(%dma_wait3A_1299 : memref<512xf32, #tpu.memory_space<hbm>>)
      tpu.yield
    }) : () -> ()
    return
  }
}

module attributes {stable_mosaic.version = 14 : i64} {
  func.func @_tc_body(%arg0: i32, %arg1: memref<20x4096xf32, #tpu.memory_space<vmem>>, %arg2: memref<4096xf32, #tpu.memory_space<vmem>>, %arg3: memref<4096xf32, #tpu.memory_space<vmem>>, %arg4: memref<4096xf32, #tpu.memory_space<vmem>>, %arg5: memref<4096xf32, #tpu.memory_space<vmem>>, %arg6: memref<20x4096xf32, #tpu.memory_space<vmem>>) attributes {dimension_semantics = [#tpu.dimension_semantics<arbitrary>], iteration_bounds = array<i64: 4>, scalar_prefetch = 0 : i64, scratch_operands = 0 : i64, tpu.core_type = #tpu.core_type<tc>, window_params = [{transform_indices = @transform_0, window_bounds = array<i64: 20, 4096>}, {transform_indices = @transform_1, window_bounds = array<i64: 4096>}, {transform_indices = @transform_2, window_bounds = array<i64: 4096>}, {transform_indices = @transform_3, window_bounds = array<i64: 4096>}, {transform_indices = @transform_4, window_bounds = array<i64: 4096>}, {transform_indices = @transform_5, window_bounds = array<i64: 20, 4096>}]} {
    %get3A = arith.constant 0 : index
    %get3A_0 = vector.load %arg2[%get3A] : memref<4096xf32, #tpu.memory_space<vmem>>, vector<4096xf32>
    %broadcast_in_dim3A = vector.shape_cast %get3A_0 : vector<4096xf32> to vector<1x4096xf32>
    %get3A_1 = arith.constant 0 : index
    %get3A_2 = vector.load %arg3[%get3A_1] : memref<4096xf32, #tpu.memory_space<vmem>>, vector<4096xf32>
    %broadcast_in_dim3A_3 = vector.shape_cast %get3A_2 : vector<4096xf32> to vector<1x4096xf32>
    %get3A_4 = arith.constant 0 : index
    %get3A_5 = vector.load %arg4[%get3A_4] : memref<4096xf32, #tpu.memory_space<vmem>>, vector<4096xf32>
    %broadcast_in_dim3A_6 = vector.shape_cast %get3A_5 : vector<4096xf32> to vector<1x4096xf32>
    %get3A_7 = arith.constant 0 : index
    %get3A_8 = vector.load %arg5[%get3A_7] : memref<4096xf32, #tpu.memory_space<vmem>>, vector<4096xf32>
    %broadcast_in_dim3A_9 = vector.shape_cast %get3A_8 : vector<4096xf32> to vector<1x4096xf32>
    %get3A_10 = arith.constant 0 : index
    %get3A_11 = arith.constant 0 : index
    %get3A_12 = vector.load %arg1[%get3A_10, %get3A_11] : memref<20x4096xf32, #tpu.memory_space<vmem>>, vector<20x4096xf32>
    %sub3A = arith.subf %broadcast_in_dim3A_3, %broadcast_in_dim3A : vector<1x4096xf32>
    %sub3A_13 = vector.broadcast %broadcast_in_dim3A_6 : vector<1x4096xf32> to vector<20x4096xf32>
    %sub3A_14 = arith.subf %get3A_12, %sub3A_13 : vector<20x4096xf32>
    %mul3A = vector.broadcast %broadcast_in_dim3A_9 : vector<1x4096xf32> to vector<20x4096xf32>
    %mul3A_15 = arith.mulf %mul3A, %sub3A_14 : vector<20x4096xf32>
    %logistic3A = arith.negf %mul3A_15 : vector<20x4096xf32>
    %logistic3A_16 = math.exp %logistic3A : vector<20x4096xf32>
    %logistic3A_17 = arith.constant 1.000000e+00 : f32
    %logistic3A_18 = vector.broadcast %logistic3A_17 : f32 to vector<20x4096xf32>
    %logistic3A_19 = arith.addf %logistic3A_18, %logistic3A_16 : vector<20x4096xf32>
    %logistic3A_20 = arith.divf %logistic3A_18, %logistic3A_19 : vector<20x4096xf32>
    %mul3A_21 = vector.broadcast %sub3A : vector<1x4096xf32> to vector<20x4096xf32>
    %mul3A_22 = arith.mulf %mul3A_21, %logistic3A_20 : vector<20x4096xf32>
    %add3A = vector.broadcast %broadcast_in_dim3A : vector<1x4096xf32> to vector<20x4096xf32>
    %add3A_23 = arith.addf %add3A, %mul3A_22 : vector<20x4096xf32>
    %swap3A = arith.constant 0 : index
    %swap3A_24 = arith.constant 0 : index
    %swap3A_25 = vector.load %arg6[%swap3A, %swap3A_24] : memref<20x4096xf32, #tpu.memory_space<vmem>>, vector<20x4096xf32>
    tpu.vector_store %arg6[%swap3A, %swap3A_24], %add3A_23 {strides = array<i32>} : memref<20x4096xf32, #tpu.memory_space<vmem>>, vector<20x4096xf32>,
    return
  }
  func.func @transform_0(%arg0: i32) -> (i32, i32) {
    %c0_i32 = arith.constant 0 : i32
    %c0_i32_0 = arith.constant 0 : i32
    return %c0_i32, %arg0 : i32, i32
  }
  func.func @transform_1(%arg0: i32) -> i32 {
    %c0_i32 = arith.constant 0 : i32
    return %arg0 : i32
  }
  func.func @transform_2(%arg0: i32) -> i32 {
    %c0_i32 = arith.constant 0 : i32
    return %arg0 : i32
  }
  func.func @transform_3(%arg0: i32) -> i32 {
    %c0_i32 = arith.constant 0 : i32
    return %arg0 : i32
  }
  func.func @transform_4(%arg0: i32) -> i32 {
    %c0_i32 = arith.constant 0 : i32
    return %arg0 : i32
  }
  func.func @transform_5(%arg0: i32) -> (i32, i32) {
    %c0_i32 = arith.constant 0 : i32
    %c0_i32_0 = arith.constant 0 : i32
    return %c0_i32, %arg0 : i32, i32
  }
}

</mosaic_0001>

<sc_bundles>
// kernel: kernel.4.cloned.1.call-start
scs
__scs_entry_jumppad:
0x0: {  	(pc) =	sbr.rel $0x88, $3  }
0x1: {  	(tag) =	ssettag $0x0;
	lr =	simm.s32 $0x1  }
0x2: {  	[smem:$0x3F99] =	sst lr;
	_ =	strace $0xD0000000  }
0x3: {  	_ = 	snop  }
0x4: {  	_ = 	snop  }
0x5: {  	_ = 	snop  }
0x6: {  	_ = 	snop  }
0x7: {  	_ = 	snop  }
__scs_overlays_trampoline_lowered:
0x8: {  	[smem:$0x3FA8] =	sst s0  }
0x9: {  	[smem:$0x3FA9] =	sst s1  }
0xa: {  	[smem:$0x3FAA] =	sst s2  }
0xb: {  	[smem:$0x3FAB] =	sst s3  }
0xc: {  	[smem:$0x3FAC] =	sst s4  }
0xd: {  	[smem:$0x3FAD] =	sst s5  }
0xe: {  	[smem:$0x3FAE] =	sst s6  }
0xf: {  	[smem:$0x3FAF] =	sst s7  }
0x10: {  	[smem:$0x3FB0] =	sst s8  }
0x11: {  	[smem:$0x3FB1] =	sst s9;
	s0 =	simm.s32 @!p0 $0x0  }
0x12: {  	s1 =	sld [smem:$0x3F97];
	s0 =	simm.s32 @p0 $0x1  }
0x13: {  	[smem:$0x3FB2] =	sst s0;
	s0 =	simm.s32 @!p1 $0x0  }
0x14: {  	s2 =	sld [smem:$0x3F96];
	s0 =	simm.s32 @p1 $0x1  }
0x15: {  	[smem:$0x3FB3] =	sst s0;
	s0 =	simm.s32 @!p2 $0x0  }
0x16: {  	s3 =	sld [smem:$0x3FDB];
	s0 =	simm.s32 @p2 $0x1  }
0x17: {  	s4 =	simm.s32 $0x1BF5;
	[smem:$0x3FB5] =	sst s0  }
0x18: {  	s0 =	sld [smem:$0x3F98];
	_ =	swait.ge [sflag:s4], $0x0  }
0x19: {  	s7 =	sld [smem:$0x3F99]  }
0x1a: {  	s8 =	sadd.s32 $0xFFFFE003, lr  }
0x1b: {  	s9 =	sadd.s32 $0xFFFFFEF7, lr;
	s5 =	simm.s32 $0xFFFFFFFF;
	p2 =	slt.u32 s8, $0xFFFFF086  }
0x1c: {  	p1 =	slt.u32 s9, $0xF7A;
	s5 =	simm.s32 @!p2 $0x0  }
0x1d: {  	s5 =	simm.s32 @p1 $0x1;
	p0 =	seq.s32 s7, s2  }
0x1e: {  	s7 =	smul.u32 @!p0 $0xF7A, s2;
	p2 =	seq.s32 @!p0 s5, $0x0  }
0x1f: {  	s9 =	smul.u32 $0xF7A, s1;
	s8 =	simm.s32 @!p0 $0x1BF5;
	p2 =	por !p2, p0  }
0x20: {  	[sflag:s8] =	ssyncset.s32 @!p0 $0xFFFFF086;
	s6 =	sadd.s32 @!p0 s3, s7;
	s7 =	simm.s32 @!p0 $0x108  }
0x21: {  	s3 =	sadd.s32 s3, s9;
	s6 =	sadd.s32 @!p0 $0x88, s6;
	s7 =	simm.s32 @p2 $0x1082  }
0x22: {  	[simem:s7], [sflag:s8] =	dma.local @!p0 [hbm:s6], $0xF7A  }
0x23: {  	s9 =	sor.u32 $0xD0000000, s2;
	s6 =	simm.s32 $0x108;
	_ =	swait.ge @!p0 [sflag:s8], $0x0  }
0x24: {  	s3 =	sadd.s32 $0x88, s3;
	s6 =	simm.s32 @!p1 $0x1082;
	[sflag:s4] =	ssyncset.s32 $0xFFFFF086  }
0x25: {  	[simem:s6], [sflag:s4] =	dma.local [hbm:s3], $0xF7A  }
0x26: {  	[smem:$0x3F99] =	sst s1;
	(tag) =	ssettag s2;
	_ =	strace s9  }
0x27: {  	s1 =	sld [smem:$0x3FA9]  }
0x28: {  	s2 =	sld [smem:$0x3FAA]  }
0x29: {  	s4 =	sld [smem:$0x3FAC]  }
0x2a: {  	p0 =	seq.s32 s5, $0x0;
	s5 =	sld [smem:$0x3FAD]  }
0x2b: {  	s6 =	sld [smem:$0x3FAE]  }
0x2c: {  	s7 =	sld [smem:$0x3FAF]  }
0x2d: {  	s3 =	simm.s32 $0x108;
	s8 =	sld [smem:$0x3FB0]  }
0x2e: {  	s3 =	simm.s32 @!p0 $0x1082;
	s9 =	sld [smem:$0x3FB1]  }
0x2f: {  	lr =	sadd.s32 s0, s3;
	s0 =	sld [smem:$0x3FA8]  }
0x30: {  	s3 =	sld [smem:$0x3FAB]  }
0x31: {  	[smem:$0x3FB4] =	sst s10  }
0x32: {  	s10 =	sld [smem:$0x3FB2];
	_ =	sdelay $0x3  }
0x33: {  	p0 =	seq.s32 s10, $0x1;
	s10 =	sld [smem:$0x3FB4];
	_ =	sdelay $0x3  }
0x34: {  	[smem:$0x3FB4] =	sst s10  }
0x35: {  	s10 =	sld [smem:$0x3FB3];
	_ =	sdelay $0x3  }
0x36: {  	p1 =	seq.s32 s10, $0x1;
	s10 =	sld [smem:$0x3FB4];
	_ =	sdelay $0x3  }
0x37: {  	[smem:$0x3FB4] =	sst s10  }
0x38: {  	s10 =	sld [smem:$0x3FB5]  }
0x39: {  	_ = 	snop;
	(pc) =	sbr.ind lr, $3  }
0x3a: {  	_ = 	snop  }
0x3b: {  	_ = 	snop  }
0x3c: {  	p2 =	seq.s32 s10, $0x1;
	s10 =	sld [smem:$0x3FB4]  }
0x3d: {  	_ =	shalt  }
0x3e: {  	_ =	shalt  }
0x3f: {  	_ =	shalt  }
0x40: {  	_ =	shalt  }
0x41: {  	_ =	shalt  }
0x42: {  	_ =	shalt  }
0x43: {  	_ =	shalt  }
0x44: {  	_ =	shalt  }
0x45: {  	_ =	shalt  }
0x46: {  	_ =	shalt  }
0x47: {  	_ =	shalt  }
0x48: {  	_ =	shalt  }
0x49: {  	_ =	shalt  }
0x4a: {  	_ =	shalt  }
0x4b: {  	_ =	shalt  }
0x4c: {  	_ =	shalt  }
0x4d: {  	_ =	shalt  }
0x4e: {  	_ =	shalt  }
0x4f: {  	_ =	shalt  }
0x50: {  	_ =	shalt  }
0x51: {  	_ =	shalt  }
0x52: {  	_ =	shalt  }
0x53: {  	_ =	shalt  }
0x54: {  	_ =	shalt  }
0x55: {  	_ =	shalt  }
0x56: {  	_ =	shalt  }
0x57: {  	_ =	shalt  }
0x58: {  	_ =	shalt  }
0x59: {  	_ =	shalt  }
0x5a: {  	_ =	shalt  }
0x5b: {  	_ =	shalt  }
0x5c: {  	_ =	shalt  }
0x5d: {  	_ =	shalt  }
0x5e: {  	_ =	shalt  }
0x5f: {  	_ =	shalt  }
0x60: {  	_ =	shalt  }
0x61: {  	_ =	shalt  }
0x62: {  	_ =	shalt  }
0x63: {  	_ =	shalt  }
0x64: {  	_ =	shalt  }
0x65: {  	_ =	shalt  }
0x66: {  	_ =	shalt  }
0x67: {  	_ =	shalt  }
0x68: {  	_ =	shalt  }
0x69: {  	_ =	shalt  }
0x6a: {  	_ =	shalt  }
0x6b: {  	_ =	shalt  }
0x6c: {  	_ =	shalt  }
0x6d: {  	_ =	shalt  }
0x6e: {  	_ =	shalt  }
0x6f: {  	_ =	shalt  }
0x70: {  	_ =	shalt  }
0x71: {  	_ =	shalt  }
0x72: {  	_ =	shalt  }
0x73: {  	_ =	shalt  }
0x74: {  	_ =	shalt  }
0x75: {  	_ =	shalt  }
0x76: {  	_ =	shalt  }
0x77: {  	_ =	shalt  }
0x78: {  	_ =	shalt  }
0x79: {  	_ =	shalt  }
0x7a: {  	_ =	shalt  }
0x7b: {  	_ =	shalt  }
0x7c: {  	_ =	shalt  }
0x7d: {  	_ =	shalt  }
0x7e: {  	_ =	shalt  }
0x7f: {  	_ =	shalt  }
0x80: {  	_ =	shalt  }
0x81: {  	_ =	shalt  }
0x82: {  	_ =	shalt  }
0x83: {  	_ =	shalt  }
0x84: {  	_ =	shalt  }
0x85: {  	_ =	shalt  }
0x86: {  	_ =	shalt  }
0x87: {  	_ =	shalt  }
.Lfunc_end0:
.L_simem_size_0:
called_computation_lowered:
.L_overlay_start_0:
0x88: {  	s2 =	sld [smem:$0x3FD9]  }
0x89: {  	s3 =	sld [smem:$0x3FFE];
	_ =	sdelay $0x1  }
0x8a: {  	s1 =	srdreg.scid  }
0x8b: {  	s0 =	sand.u32 $0x1, s1  }
0x8c: {  	s17 =	sshll.u32 s0, $0xA;
	s2 =	sadd.s32 s3, s2  }
0x8d: {  	s2 =	sadd.s32 s2, s17  }
0x8e: {  	[smem:$0x3FC0] =	sst s2  }
0x8f: {  	_ = 	snop  }
0x90: {  	s2 =	sld [smem:$0x3FC9]  }
0x91: {  	s18 =	sld [smem:$0x3FC8]  }
0x92: {  	s4 =	sld [smem:$0x3FC6]  }
0x93: {  	s5 =	sld [smem:$0x3FC5]  }
0x94: {  	s6 =	sld [smem:$0x3FC4]  }
0x95: {  	s7 =	sld [smem:$0x3FC3]  }
0x96: {  	s8 =	sld [smem:$0x3FC2]  }
0x97: {  	s9 =	sld [smem:$0x3FD0];
	(tm) =	ssettm $0x1  }
0x98: {  	s10 =	sld [smem:$0x3FFB];
	_ =	sdelay $0x3  }
0x99: {  	_ =	strace s10  }
0x9a: {  	s10 =	sld [smem:$0x3FFC];
	_ =	sdelay $0x3  }
0x9b: {  	_ =	strace s10  }
0x9c: {  	s10 =	sld [smem:$0x3FFD];
	_ =	sdelay $0x3  }
0x9d: {  	_ =	strace s10  }
0x9e: {  	_ =	strace $0x8FFFFFFF  }
0x9f: {  	s19 =	sld [smem:$0x3FDB];
	_ =	sdelay $0x1  }
0xa0: {  	s11 =	simm.s32 $_scs_section_size  }
0xa1: {  	s12 =	simm.s32 $_size__tile_overlayer_lowered;
	s13 =	simm.s32 $_tile_overlayer_lowered  }
0xa2: {  	s22 =	simm.s32 $0x1BFF;
	s21 =	sshll.u32 s13, $0x1;
	s10 =	sadd.s32 s11, s19  }
0xa3: {  	s14 =	simm.s32 $0x0;
	s20 =	sshll.u32 s12, $0x1;
	s12 =	sadd.s32 s21, s10  }
0xa4: {  	[timem:s14], [sflag:s22] =	dma.local [hbm:s12], s20  }
0xa5: {  	_ =	swait.ge [sflag:s22], s20  }
0xa6: {  	s11 =	ssub.s32 $0x0, s20;
	[sflag:s22] =	ssyncset.done $0x0  }
0xa7: {  	[sflag:s22] =	ssyncadd.s32 s11;
	_ =	sdelay $0x1  }
0xa8: {  	s23 =	simm.s32 $0x1B8B  }
0xa9: {  	_ =	swait.ge [sflag:s23], $0x1  }
0xaa: {  	[sflag:s23] =	ssyncset.done $0x0  }
0xab: {  	s25 =	simm.s32 $0x1B8E;
	s24 =	sld [smem:$0x3FFE];
	[sflag:s23] =	ssyncadd.s32 $0xFFFFFFFF  }
0xac: {  	s26 =	simm.s32 $execute0_lowered;
	[smem:$0x3FD2] =	sst s25  }
0xad: {  	s12 =	sshll.u32 s26, $0x1;
	_ =	strace $0x80000046;
	[dreg:$0x1] =	wrdreg $0xFFFFFFFF  }
0xae: {  	s28 =	simm.s32 $_size_execute0_lowered;
	s10 =	sadd.s32 s10, s12;
	[dreg:$0x0] =	wrdreg $0x0  }
0xaf: {  	s12 =	sshll.u32 s28, $0x1;
	[dreg:$0x2] =	wrdreg s10  }
0xb0: {  	[dreg:$0x3] =	wrdreg s12  }
0xb1: {  	[dreg:$0x4] =	wrdreg $0xC0  }
0xb2: {  	_ =	task [dreg:s14], $0x5FFFF  }
0xb3: {  	[dreg:$0x1] =	wrdreg $0xFFFFFFFF  }
0xb4: {  	[dreg:$0x0] =	wrdreg $0x60  }
0xb5: {  	[dreg:$0x2] =	wrdreg s2  }
0xb6: {  	[dreg:$0x3] =	wrdreg s18  }
0xb7: {  	[dreg:$0x4] =	wrdreg s4  }
0xb8: {  	[dreg:$0x5] =	wrdreg s5  }
0xb9: {  	[dreg:$0x6] =	wrdreg s6  }
0xba: {  	[dreg:$0x7] =	wrdreg s7  }
0xbb: {  	[dreg:$0x8] =	wrdreg s8  }
0xbc: {  	[dreg:$0x9] =	wrdreg s9  }
0xbd: {  	[dreg:$0xa] =	wrdreg s24  }
0xbe: {  	[dreg:$0xb] =	wrdreg $0x6000  }
0xbf: {  	[dreg:$0xc] =	wrdreg $0x9  }
0xc0: {  	_ =	task.clear_ibuf [dreg:s14], $0xDFFFF;
	_ =	strace $0x90000046  }
0xc1: {  	s29 =	simm.s32 $0x9;
	_ =	strace $0x80000048  }
0xc2: {  	_ =	swait.ge [sflag:s29], $0x1  }
0xc3: {  	[sflag:s29] =	ssyncadd.s32 $0xFFFFFFFF  }
0xc4: {  	_ =	strace $0x90000048  }
0xc5: {  	_ =	sfence  }
0xc6: {  	s30 =	sld [smem:$0x0];
	_ =	sdelay $0x2  }
0xc7: {  	s31 =	sshll.u32 s1, $0xD;
	s1 =	sshrl.u32 s1, $0x2  }
0xc8: {  	s3 =	sand.u32 $0x4000, s31;
	s1 =	sadd.s32 s1, s30  }
0xc9: {  	s0 =	sor.u32 s3, s0;
	s1 =	sshll.u32 s1, $0x11  }
0xca: {  	s0 =	sor.u32 s1, s0  }
0xcb: {  	s0 =	sadd.s32 $0x8F2B, s0  }
0xcc: {  	[sflag:s0] =	ssyncadd.remote.s32 $0x1  }
0xcd: {  	_ =	sfence.sel $0xFFFF  }
0xce: {  	[dreg:$0x0] =	wrdreg $0xFFFFFFFF;
	(pc) =	sbr.abs _section_cstart, $3  }
0xcf: {  	[dreg:$0x1] =	wrdreg $0xFFFFFFFF  }
0xd0: {  	_ =	task.clear_ibuf [dreg:s14], $0x2FFFF;
	_ =	strace $0x9FFFFFFF  }
0xd1: {  	(tm) =	ssettm $0x7FFFFFFF  }
tec
execute0_lowered:
.L_overlay_start_1:
0x0: {  	(tag) =	ssettag $0x1  }
0x1: {  	v0 =	vlaneseq.u32  }
0x2: {  	s17 =	stileid.u32;
	v29 =	vmul.u32 $0x80, v0  }
0x3: {  	s6 =	sshll.u32 s17, $0x10  }
0x4: {  	v1 =	vor.u32 $0x800, v29;
	v0 =	vor.u32 s6, v29;
	v2 =	vor.u32 $0x1000, v29  }
0x5: {  	v3 =	vor.u32 $0x1800, v29;
	v4 =	vor.u32 $0x2000, v29;
	v5 =	vor.u32 $0x2800, v29  }
0x6: {  	s2 =	rddreg [dreg:$0x0];
	v6 =	vor.u32 $0x3000, v29;
	v7 =	vor.u32 $0x3800, v29;
	v8 =	vor.u32 $0x4000, v29  }
0x7: {  	s9 =	rddreg [dreg:$0x1];
	v9 =	vor.u32 $0x4800, v29;
	v10 =	vor.u32 $0x5000, v29;
	v11 =	vor.u32 $0x5800, v29  }
0x8: {  	s0 =	rddreg [dreg:$0x2];
	v12 =	vor.u32 $0x6000, v29;
	v13 =	vor.u32 $0x6800, v29;
	v14 =	vor.u32 $0x7000, v29  }
0x9: {  	s1 =	rddreg [dreg:$0x3];
	v15 =	vor.u32 $0x7800, v29;
	v16 =	vor.u32 $0x8000, v29;
	v17 =	vor.u32 $0x8800, v29  }
0xa: {  	s3 =	rddreg [dreg:$0x4];
	v18 =	vor.u32 $0x9000, v29;
	v19 =	vor.u32 $0x9800, v29;
	v20 =	vor.u32 $0xA000, v29  }
0xb: {  	s4 =	rddreg [dreg:$0x5];
	v21 =	vor.u32 $0xA800, v29;
	v22 =	vor.u32 $0xB000, v29;
	v23 =	vor.u32 $0xB800, v29  }
0xc: {  	s5 =	rddreg [dreg:$0x6];
	v24 =	vor.u32 $0xC000, v29;
	v25 =	vor.u32 $0xC800, v29;
	v26 =	vor.u32 $0xD000, v29  }
0xd: {  	s11 =	rddreg [dreg:$0x7];
	v27 =	vor.u32 $0xD800, v29;
	v28 =	vor.u32 $0xE000, v29;
	v30 =	vor.u32 $0xE800, v29  }
0xe: {  	s10 =	rddreg [dreg:$0x8];
	v31 =	vor.u32 $0xF000, v29;
	v32 =	vor.u32 $0xF800, v29;
	v60 =	vor.u32 s6, v1  }
0xf: {  	s7 =	rddreg [dreg:$0x9];
	s12 =	srdreg.scid;
	v61 =	vor.u32 s6, v2;
	v62 =	vor.u32 s6, v3;
	v63 =	vor.u32 s6, v4  }
0x10: {  	s8 =	simm.s32 $0x0;
	s18 =	simm.s32 $0x80;
	s19 =	simm.s32 $0x10600;
	v5 =	vor.u32 s6, v5;
	v6 =	vor.u32 s6, v6;
	v7 =	vor.u32 s6, v7  }
0x11: {  	s20 =	simm.s32 $0x10800;
	s21 =	simm.s32 $0x10A00;
	s22 =	simm.s32 $0x10C00;
	v8 =	vor.u32 s6, v8;
	v9 =	vor.u32 s6, v9;
	v10 =	vor.u32 s6, v10  }
0x12: {  	s28 =	simm.s32 $0x100;
	s29 =	simm.s32 $0x2;
	s31 =	simm.s32 $0x3;
	v11 =	vor.u32 s6, v11;
	v12 =	vor.u32 s6, v12;
	v13 =	vor.u32 s6, v13  }
0x13: {  	s12 =	sand.u32 $0x1, s12;
	s13 =	sshll.u32 s17, $0x7;
	[smem:$0x7FF] =	sst s8;
	[tilespmem:$0x1FFB0] =	vst v0;
	v14 =	vor.u32 s6, v14;
	v15 =	vor.u32 s6, v15;
	v16 =	vor.u32 s6, v16  }
0x14: {  	s30 =	sshll.u32 s17, $0x6;
	s14 =	sshll.u32 s12, $0x6;
	s12 =	ssub.s32 $0x2, s12;
	v17 =	vor.u32 s6, v17;
	v18 =	vor.u32 s6, v18;
	v19 =	vor.u32 s6, v19;
	[tilespmem:$0x1FFC0] =	vst v60  }
0x15: {  	s25 =	sadd.s32 s6, s7;
	s13 =	sor.u32 s14, s13;
	s24 =	sshrl.u32 s12, $0x1;
	v20 =	vor.u32 s6, v20;
	v21 =	vor.u32 s6, v21;
	v22 =	vor.u32 s6, v22;
	[tilespmem:$0x1FFD0] =	vst v61  }
0x16: {  	s17 =	sor.u32 $0x1C02, s30;
	s15 =	sadd.s32 s13, s10;
	s16 =	ssub.s32 s12, s24;
	v23 =	vor.u32 s6, v23;
	v24 =	vor.u32 s6, v24;
	v25 =	vor.u32 s6, v25;
	[tilespmem:$0x1FFE0] =	vst v62  }
0x17: {  	s9 =	sadd.s32 s9, s13;
	s2 =	sadd.s32 s2, s13;
	s26 =	sadd.s32 s11, s13;
	v26 =	vor.u32 s6, v26;
	v27 =	vor.u32 s6, v27;
	v28 =	vor.u32 s6, v28;
	[tilespmem:$0x1FFF0] =	vst v63  }
0x18: {  	v29 =	vor.u32 s6, v30;
	v30 =	vor.u32 s6, v31;
	v31 =	vor.u32 s6, v32;
	s6 =	simm.s32 $0x0;
	_ =	strace $0x80000047;
	[dreg:$0xc] =	wrdreg s9  }
0x19: {  	s12 =	sadd.s32 $0x1200, s15;
	s13 =	sadd.s32 $0x1A00, s15;
	[dreg:$0xd] =	wrdreg s2  }
0x1a: {  	s14 =	sadd.s32 $0x2200, s15;
	s15 =	smax.u32 s16, $0x1;
	[dreg:$0xb] =	wrdreg s25  }
0x1b: {  	s16 =	simm.s32 $0x1;
	[dreg:$0xe] =	wrdreg s26;
	s2 =	simm.s32 $0x180  }
.LBB2_1:
0x1c: {  	s9 =	rddreg [dreg:$0xc]  }
0x1d: {  	[tilespmem:s8], [sflag:$0x1] =	stream.linear.gather [hbm4b:s9+s8], $0x200, $0x38;
	[tilespmem:$0x11000] =	vst v63  }
0x1e: {  	s23 =	simm.s32 $0x200;
	s30 =	rddreg [dreg:$0xd]  }
0x1f: {  	[tilespmem:s23], [sflag:$0x1] =	stream.linear.gather [hbm4b:s30+s8], $0x200, $0x38;
	[tilespmem:$0x11000] =	vst v63  }
0x20: {  	_ =	swait.ge [sflag:s16], $0x200  }
0x21: {  	[sflag:s16] =	ssyncset.done $0x0  }
0x22: {  	[sflag:s16] =	ssyncadd.s32 $0xFFFFFE00  }
0x23: {  	_ =	swait.ge [sflag:s16], $0x200  }
0x24: {  	[sflag:s16] =	ssyncset.done $0x0  }
0x25: {  	s24 =	simm.s32 $0x0;
	s25 =	simm.s32 $0x0;
	[sflag:s16] =	ssyncadd.s32 $0xFFFFFE00  }
.LBB2_2:
0x26: {  	v33 =	vld [tilespmem:s23+$0x0]  }
0x27: {  	v32 =	vld [tilespmem:s24+$0x0];
	_ =	sdelay $0x3  }
0x28: {  	(v2sf) =	vpush v33, $0x0  }
0x29: {  	(v2sf) =	vpush v32, $0x0;
	_ =	sdelay $0xd  }
0x2a: {  	s26 =	spop (v2sf)  }
0x2b: {  	s30 =	spop (v2sf)  }
0x2c: {  	s9 =	sand.u32 $0x7F, s30  }
0x2d: {  	s10 =	sshra.s32 s30, $0x1F;
	p0 =	slt.s32 s30, $0x1;
	p1 =	sne.s32 s9, $0x0  }
0x2e: {  	s10 =	sshrl.u32 s10, $0x19;
	p0 =	por !p0, !p1  }
0x2f: {  	s9 =	sadd.s32 s10, s30;
	s10 =	simm.s32 $0x1;
	p0 =	por !p0, !p0  }
0x30: {  	s11 =	sshrl.u32 s26, $0x3;
	s9 =	sshrl.u32 s9, $0x7;
	s10 =	simm.s32 @!p0 $0x0  }
0x31: {  	s30 =	smul.u32 $0xC3800, s11;
	s9 =	ssub.s32 s9, s10  }
0x32: {  	s26 =	sshll.u32 s26, $0x7;
	s9 =	sshll.u32 s9, $0xA  }
0x33: {  	s10 =	sand.u32 $0x380, s26;
	s9 =	sadd.s32 s30, s9  }
0x34: {  	s11 =	rddreg [dreg:$0xb];
	s30 =	sshra.s32 s25, $0x2;
	s9 =	sor.u32 s10, s9  }
0x35: {  	s26 =	sadd.s32 s30, s11;
	s9 =	sshrl.u32 s9, $0x3  }
0x36: {  	s10 =	sshrl.u32 s26, $0x3;
	s9 =	sadd.s32 s5, s9  }
0x37: {  	[spmem:s10], [sflag:s17] =	dma.local [hbm:s9], $0x10  }
0x38: {  	(v2sf) =	vpush v33, $0x1  }
0x39: {  	(v2sf) =	vpush v32, $0x1;
	_ =	sdelay $0xd  }
0x3a: {  	s9 =	spop (v2sf)  }
0x3b: {  	s10 =	spop (v2sf)  }
0x3c: {  	s30 =	sand.u32 $0x7F, s10  }
0x3d: {  	s11 =	sshra.s32 s10, $0x1F;
	p1 =	slt.s32 s10, $0x1;
	p2 =	sne.s32 s30, $0x0  }
0x3e: {  	s11 =	sshrl.u32 s11, $0x19;
	p0 =	por !p1, !p2  }
0x3f: {  	s10 =	sadd.s32 s11, s10;
	s11 =	simm.s32 $0x1;
	p0 =	por !p0, !p0  }
0x40: {  	s30 =	sshrl.u32 s9, $0x3;
	s10 =	sshrl.u32 s10, $0x7;
	s11 =	simm.s32 @!p0 $0x0  }
0x41: {  	s30 =	smul.u32 $0xC3800, s30;
	s10 =	ssub.s32 s10, s11  }
0x42: {  	s9 =	sshll.u32 s9, $0x7;
	s10 =	sshll.u32 s10, $0xA  }
0x43: {  	s9 =	sand.u32 $0x380, s9;
	s10 =	sadd.s32 s30, s10  }
0x44: {  	s9 =	sor.u32 s9, s10  }
0x45: {  	s11 =	sadd.s32 $0x80, s26;
	s9 =	sshrl.u32 s9, $0x3  }
0x46: {  	s10 =	sshrl.u32 s11, $0x3;
	s9 =	sadd.s32 s5, s9  }
0x47: {  	[spmem:s10], [sflag:s17] =	dma.local [hbm:s9], $0x10  }
0x48: {  	(v2sf) =	vpush v33, $0x2  }
0x49: {  	(v2sf) =	vpush v32, $0x2;
	_ =	sdelay $0xd  }
0x4a: {  	s9 =	spop (v2sf)  }
0x4b: {  	s10 =	spop (v2sf)  }
0x4c: {  	s11 =	sand.u32 $0x7F, s10  }
0x4d: {  	s30 =	sshra.s32 s10, $0x1F;
	p3 =	slt.s32 s10, $0x1;
	p4 =	sne.s32 s11, $0x0  }
0x4e: {  	s30 =	sshrl.u32 s30, $0x19;
	p0 =	por !p3, !p4  }
0x4f: {  	s11 =	simm.s32 $0x1;
	s10 =	sadd.s32 s30, s10;
	p0 =	por !p0, !p0  }
0x50: {  	s30 =	sshrl.u32 s9, $0x3;
	s10 =	sshrl.u32 s10, $0x7;
	s11 =	simm.s32 @!p0 $0x0  }
0x51: {  	s30 =	smul.u32 $0xC3800, s30;
	s10 =	ssub.s32 s10, s11  }
0x52: {  	s9 =	sshll.u32 s9, $0x7;
	s10 =	sshll.u32 s10, $0xA  }
0x53: {  	s9 =	sand.u32 $0x380, s9;
	s10 =	sadd.s32 s30, s10  }
0x54: {  	s9 =	sor.u32 s9, s10  }
0x55: {  	s11 =	sadd.s32 $0x100, s26;
	s9 =	sshrl.u32 s9, $0x3  }
0x56: {  	s10 =	sshrl.u32 s11, $0x3;
	s9 =	sadd.s32 s5, s9  }
0x57: {  	[spmem:s10], [sflag:s17] =	dma.local [hbm:s9], $0x10  }
0x58: {  	(v2sf) =	vpush v33, $0x3  }
0x59: {  	(v2sf) =	vpush v32, $0x3;
	_ =	sdelay $0xd  }
0x5a: {  	s9 =	spop (v2sf)  }
0x5b: {  	s10 =	spop (v2sf)  }
0x5c: {  	s11 =	sand.u32 $0x7F, s10  }
0x5d: {  	s30 =	sshra.s32 s10, $0x1F;
	p5 =	slt.s32 s10, $0x1;
	p6 =	sne.s32 s11, $0x0  }
0x5e: {  	s30 =	sshrl.u32 s30, $0x19;
	p0 =	por !p5, !p6  }
0x5f: {  	s11 =	simm.s32 $0x1;
	s10 =	sadd.s32 s30, s10;
	p0 =	por !p0, !p0  }
0x60: {  	s30 =	sshrl.u32 s9, $0x3;
	s10 =	sshrl.u32 s10, $0x7;
	s11 =	simm.s32 @!p0 $0x0  }
0x61: {  	s30 =	smul.u32 $0xC3800, s30;
	s10 =	ssub.s32 s10, s11  }
0x62: {  	s9 =	sshll.u32 s9, $0x7;
	s10 =	sshll.u32 s10, $0xA  }
0x63: {  	s9 =	sand.u32 $0x380, s9;
	s10 =	sadd.s32 s30, s10  }
0x64: {  	s9 =	sor.u32 s9, s10  }
0x65: {  	s11 =	sadd.s32 $0x180, s26;
	s9 =	sshrl.u32 s9, $0x3  }
0x66: {  	s10 =	sshrl.u32 s11, $0x3;
	s9 =	sadd.s32 s5, s9  }
0x67: {  	[spmem:s10], [sflag:s17] =	dma.local [hbm:s9], $0x10  }
0x68: {  	(v2sf) =	vpush v33, $0x4  }
0x69: {  	(v2sf) =	vpush v32, $0x4;
	_ =	sdelay $0xd  }
0x6a: {  	s9 =	spop (v2sf)  }
0x6b: {  	s10 =	spop (v2sf)  }
0x6c: {  	s11 =	sand.u32 $0x7F, s10  }
0x6d: {  	s30 =	sshra.s32 s10, $0x1F;
	p1 =	slt.s32 s10, $0x1;
	p2 =	sne.s32 s11, $0x0  }
0x6e: {  	s30 =	sshrl.u32 s30, $0x19;
	p0 =	por !p1, !p2  }
0x6f: {  	s11 =	simm.s32 $0x1;
	s10 =	sadd.s32 s30, s10;
	p0 =	por !p0, !p0  }
0x70: {  	s30 =	sshrl.u32 s9, $0x3;
	s10 =	sshrl.u32 s10, $0x7;
	s11 =	simm.s32 @!p0 $0x0  }
0x71: {  	s30 =	smul.u32 $0xC3800, s30;
	s10 =	ssub.s32 s10, s11  }
0x72: {  	s9 =	sshll.u32 s9, $0x7;
	s10 =	sshll.u32 s10, $0xA  }
0x73: {  	s9 =	sand.u32 $0x380, s9;
	s10 =	sadd.s32 s30, s10  }
0x74: {  	s9 =	sor.u32 s9, s10  }
0x75: {  	s11 =	sadd.s32 $0x200, s26;
	s9 =	sshrl.u32 s9, $0x3  }
0x76: {  	s10 =	sshrl.u32 s11, $0x3;
	s9 =	sadd.s32 s5, s9  }
0x77: {  	[spmem:s10], [sflag:s17] =	dma.local [hbm:s9], $0x10  }
0x78: {  	(v2sf) =	vpush v33, $0x5  }
0x79: {  	(v2sf) =	vpush v32, $0x5;
	_ =	sdelay $0xd  }
0x7a: {  	s9 =	spop (v2sf)  }
0x7b: {  	s10 =	spop (v2sf)  }
0x7c: {  	s11 =	sand.u32 $0x7F, s10  }
0x7d: {  	s30 =	sshra.s32 s10, $0x1F;
	p3 =	slt.s32 s10, $0x1;
	p4 =	sne.s32 s11, $0x0  }
0x7e: {  	s30 =	sshrl.u32 s30, $0x19;
	p0 =	por !p3, !p4  }
0x7f: {  	s11 =	simm.s32 $0x1;
	s10 =	sadd.s32 s30, s10;
	p0 =	por !p0, !p0  }
0x80: {  	s30 =	sshrl.u32 s9, $0x3;
	s10 =	sshrl.u32 s10, $0x7;
	s11 =	simm.s32 @!p0 $0x0  }
0x81: {  	s30 =	smul.u32 $0xC3800, s30;
	s10 =	ssub.s32 s10, s11  }
0x82: {  	s9 =	sshll.u32 s9, $0x7;
	s10 =	sshll.u32 s10, $0xA  }
0x83: {  	s9 =	sand.u32 $0x380, s9;
	s10 =	sadd.s32 s30, s10  }
0x84: {  	s9 =	sor.u32 s9, s10  }
0x85: {  	s11 =	sadd.s32 $0x280, s26;
	s9 =	sshrl.u32 s9, $0x3  }
0x86: {  	s10 =	sshrl.u32 s11, $0x3;
	s9 =	sadd.s32 s5, s9  }
0x87: {  	[spmem:s10], [sflag:s17] =	dma.local [hbm:s9], $0x10  }
0x88: {  	(v2sf) =	vpush v33, $0x6  }
0x89: {  	(v2sf) =	vpush v32, $0x6;
	_ =	sdelay $0xd  }
0x8a: {  	s9 =	spop (v2sf)  }
0x8b: {  	s10 =	spop (v2sf)  }
0x8c: {  	s11 =	sand.u32 $0x7F, s10  }
0x8d: {  	s30 =	sshra.s32 s10, $0x1F;
	p5 =	slt.s32 s10, $0x1;
	p6 =	sne.s32 s11, $0x0  }
0x8e: {  	s30 =	sshrl.u32 s30, $0x19;
	p0 =	por !p5, !p6  }
0x8f: {  	s11 =	simm.s32 $0x1;
	s10 =	sadd.s32 s30, s10;
	p0 =	por !p0, !p0  }
0x90: {  	s30 =	sshrl.u32 s9, $0x3;
	s10 =	sshrl.u32 s10, $0x7;
	s11 =	simm.s32 @!p0 $0x0  }
0x91: {  	s30 =	smul.u32 $0xC3800, s30;
	s10 =	ssub.s32 s10, s11  }
0x92: {  	s9 =	sshll.u32 s9, $0x7;
	s10 =	sshll.u32 s10, $0xA  }
0x93: {  	s9 =	sand.u32 $0x380, s9;
	s10 =	sadd.s32 s30, s10  }
0x94: {  	s9 =	sor.u32 s9, s10  }
0x95: {  	s11 =	sadd.s32 $0x300, s26;
	s9 =	sshrl.u32 s9, $0x3  }
0x96: {  	s10 =	sshrl.u32 s11, $0x3;
	s9 =	sadd.s32 s5, s9  }
0x97: {  	[spmem:s10], [sflag:s17] =	dma.local [hbm:s9], $0x10  }
0x98: {  	(v2sf) =	vpush v33, $0x7  }
0x99: {  	(v2sf) =	vpush v32, $0x7;
	_ =	sdelay $0xd  }
0x9a: {  	s9 =	spop (v2sf)  }
0x9b: {  	s10 =	spop (v2sf)  }
0x9c: {  	s11 =	sand.u32 $0x7F, s10  }
0x9d: {  	s30 =	sshra.s32 s10, $0x1F;
	p1 =	slt.s32 s10, $0x1;
	p2 =	sne.s32 s11, $0x0  }
0x9e: {  	s30 =	sshrl.u32 s30, $0x19;
	p0 =	por !p1, !p2  }
0x9f: {  	s11 =	simm.s32 $0x1;
	s10 =	sadd.s32 s30, s10;
	p0 =	por !p0, !p0  }
0xa0: {  	s30 =	sshrl.u32 s9, $0x3;
	s10 =	sshrl.u32 s10, $0x7;
	s11 =	simm.s32 @!p0 $0x0  }
0xa1: {  	s30 =	smul.u32 $0xC3800, s30;
	s10 =	ssub.s32 s10, s11  }
0xa2: {  	s9 =	sshll.u32 s9, $0x7;
	s10 =	sshll.u32 s10, $0xA  }
0xa3: {  	s9 =	sand.u32 $0x380, s9;
	s10 =	sadd.s32 s30, s10  }
0xa4: {  	s9 =	sor.u32 s9, s10  }
0xa5: {  	s11 =	sadd.s32 $0x380, s26;
	s9 =	sshrl.u32 s9, $0x3  }
0xa6: {  	s10 =	sshrl.u32 s11, $0x3;
	s9 =	sadd.s32 s5, s9  }
0xa7: {  	[spmem:s10], [sflag:s17] =	dma.local [hbm:s9], $0x10  }
0xa8: {  	(v2sf) =	vpush v33, $0x8  }
0xa9: {  	(v2sf) =	vpush v32, $0x8;
	_ =	sdelay $0xd  }
0xaa: {  	s9 =	spop (v2sf)  }
0xab: {  	s10 =	spop (v2sf)  }
0xac: {  	s11 =	sand.u32 $0x7F, s10  }
0xad: {  	s30 =	sshra.s32 s10, $0x1F;
	p3 =	slt.s32 s10, $0x1;
	p4 =	sne.s32 s11, $0x0  }
0xae: {  	s30 =	sshrl.u32 s30, $0x19;
	p0 =	por !p3, !p4  }
0xaf: {  	s11 =	simm.s32 $0x1;
	s10 =	sadd.s32 s30, s10;
	p0 =	por !p0, !p0  }
0xb0: {  	s30 =	sshrl.u32 s9, $0x3;
	s10 =	sshrl.u32 s10, $0x7;
	s11 =	simm.s32 @!p0 $0x0  }
0xb1: {  	s30 =	smul.u32 $0xC3800, s30;
	s10 =	ssub.s32 s10, s11  }
0xb2: {  	s9 =	sshll.u32 s9, $0x7;
	s10 =	sshll.u32 s10, $0xA  }
0xb3: {  	s9 =	sand.u32 $0x380, s9;
	s10 =	sadd.s32 s30, s10  }
0xb4: {  	s9 =	sor.u32 s9, s10  }
0xb5: {  	s11 =	sadd.s32 $0x400, s26;
	s9 =	sshrl.u32 s9, $0x3  }
0xb6: {  	s10 =	sshrl.u32 s11, $0x3;
	s9 =	sadd.s32 s5, s9  }
0xb7: {  	[spmem:s10], [sflag:s17] =	dma.local [hbm:s9], $0x10  }
0xb8: {  	(v2sf) =	vpush v33, $0x9  }
0xb9: {  	(v2sf) =	vpush v32, $0x9;
	_ =	sdelay $0xd  }
0xba: {  	s9 =	spop (v2sf)  }
0xbb: {  	s10 =	spop (v2sf)  }
0xbc: {  	s11 =	sand.u32 $0x7F, s10  }
0xbd: {  	s30 =	sshra.s32 s10, $0x1F;
	p5 =	slt.s32 s10, $0x1;
	p6 =	sne.s32 s11, $0x0  }
0xbe: {  	s30 =	sshrl.u32 s30, $0x19;
	p0 =	por !p5, !p6  }
0xbf: {  	s11 =	simm.s32 $0x1;
	s10 =	sadd.s32 s30, s10;
	p0 =	por !p0, !p0  }
0xc0: {  	s30 =	sshrl.u32 s9, $0x3;
	s10 =	sshrl.u32 s10, $0x7;
	s11 =	simm.s32 @!p0 $0x0  }
0xc1: {  	s30 =	smul.u32 $0xC3800, s30;
	s10 =	ssub.s32 s10, s11  }
0xc2: {  	s9 =	sshll.u32 s9, $0x7;
	s10 =	sshll.u32 s10, $0xA  }
0xc3: {  	s9 =	sand.u32 $0x380, s9;
	s10 =	sadd.s32 s30, s10  }
0xc4: {  	s9 =	sor.u32 s9, s10  }
0xc5: {  	s11 =	sadd.s32 $0x480, s26;
	s9 =	sshrl.u32 s9, $0x3  }
0xc6: {  	s10 =	sshrl.u32 s11, $0x3;
	s9 =	sadd.s32 s5, s9  }
0xc7: {  	[spmem:s10], [sflag:s17] =	dma.local [hbm:s9], $0x10  }
0xc8: {  	(v2sf) =	vpush v33, $0xA  }
0xc9: {  	(v2sf) =	vpush v32, $0xA;
	_ =	sdelay $0xd  }
0xca: {  	s9 =	spop (v2sf)  }
0xcb: {  	s10 =	spop (v2sf)  }
0xcc: {  	s11 =	sand.u32 $0x7F, s10  }
0xcd: {  	s30 =	sshra.s32 s10, $0x1F;
	p1 =	slt.s32 s10, $0x1;
	p2 =	sne.s32 s11, $0x0  }
0xce: {  	s30 =	sshrl.u32 s30, $0x19;
	p0 =	por !p1, !p2  }
0xcf: {  	s11 =	simm.s32 $0x1;
	s10 =	sadd.s32 s30, s10;
	p0 =	por !p0, !p0  }
0xd0: {  	s30 =	sshrl.u32 s9, $0x3;
	s10 =	sshrl.u32 s10, $0x7;
	s11 =	simm.s32 @!p0 $0x0  }
0xd1: {  	s30 =	smul.u32 $0xC3800, s30;
	s10 =	ssub.s32 s10, s11  }
0xd2: {  	s9 =	sshll.u32 s9, $0x7;
	s10 =	sshll.u32 s10, $0xA  }
0xd3: {  	s9 =	sand.u32 $0x380, s9;
	s10 =	sadd.s32 s30, s10  }
0xd4: {  	s9 =	sor.u32 s9, s10  }
0xd5: {  	s11 =	sadd.s32 $0x500, s26;
	s9 =	sshrl.u32 s9, $0x3  }
0xd6: {  	s10 =	sshrl.u32 s11, $0x3;
	s9 =	sadd.s32 s5, s9  }
0xd7: {  	[spmem:s10], [sflag:s17] =	dma.local [hbm:s9], $0x10  }
0xd8: {  	(v2sf) =	vpush v33, $0xB  }
0xd9: {  	(v2sf) =	vpush v32, $0xB;
	_ =	sdelay $0xd  }
0xda: {  	s9 =	spop (v2sf)  }
0xdb: {  	s10 =	spop (v2sf)  }
0xdc: {  	s11 =	sand.u32 $0x7F, s10  }
0xdd: {  	s30 =	sshra.s32 s10, $0x1F;
	p3 =	slt.s32 s10, $0x1;
	p4 =	sne.s32 s11, $0x0  }
0xde: {  	s30 =	sshrl.u32 s30, $0x19;
	p0 =	por !p3, !p4  }
0xdf: {  	s11 =	simm.s32 $0x1;
	s10 =	sadd.s32 s30, s10;
	p0 =	por !p0, !p0  }
0xe0: {  	s30 =	sshrl.u32 s9, $0x3;
	s10 =	sshrl.u32 s10, $0x7;
	s11 =	simm.s32 @!p0 $0x0  }
0xe1: {  	s30 =	smul.u32 $0xC3800, s30;
	s10 =	ssub.s32 s10, s11  }
0xe2: {  	s9 =	sshll.u32 s9, $0x7;
	s10 =	sshll.u32 s10, $0xA  }
0xe3: {  	s9 =	sand.u32 $0x380, s9;
	s10 =	sadd.s32 s30, s10  }
0xe4: {  	s9 =	sor.u32 s9, s10  }
0xe5: {  	s11 =	sadd.s32 $0x580, s26;
	s9 =	sshrl.u32 s9, $0x3  }
0xe6: {  	s10 =	sshrl.u32 s11, $0x3;
	s9 =	sadd.s32 s5, s9  }
0xe7: {  	[spmem:s10], [sflag:s17] =	dma.local [hbm:s9], $0x10  }
0xe8: {  	(v2sf) =	vpush v33, $0xC  }
0xe9: {  	(v2sf) =	vpush v32, $0xC;
	_ =	sdelay $0xd  }
0xea: {  	s9 =	spop (v2sf)  }
0xeb: {  	s10 =	spop (v2sf)  }
0xec: {  	s11 =	sand.u32 $0x7F, s10  }
0xed: {  	s30 =	sshra.s32 s10, $0x1F;
	p5 =	slt.s32 s10, $0x1;
	p6 =	sne.s32 s11, $0x0  }
0xee: {  	s30 =	sshrl.u32 s30, $0x19;
	p0 =	por !p5, !p6  }
0xef: {  	s11 =	simm.s32 $0x1;
	s10 =	sadd.s32 s30, s10;
	p0 =	por !p0, !p0  }
0xf0: {  	s30 =	sshrl.u32 s9, $0x3;
	s10 =	sshrl.u32 s10, $0x7;
	s11 =	simm.s32 @!p0 $0x0  }
0xf1: {  	s30 =	smul.u32 $0xC3800, s30;
	s10 =	ssub.s32 s10, s11  }
0xf2: {  	s9 =	sshll.u32 s9, $0x7;
	s10 =	sshll.u32 s10, $0xA  }
0xf3: {  	s9 =	sand.u32 $0x380, s9;
	s10 =	sadd.s32 s30, s10  }
0xf4: {  	s9 =	sor.u32 s9, s10  }
0xf5: {  	s11 =	sadd.s32 $0x600, s26;
	s9 =	sshrl.u32 s9, $0x3  }
0xf6: {  	s10 =	sshrl.u32 s11, $0x3;
	s9 =	sadd.s32 s5, s9  }
0xf7: {  	[spmem:s10], [sflag:s17] =	dma.local [hbm:s9], $0x10  }
0xf8: {  	(v2sf) =	vpush v33, $0xD  }
0xf9: {  	(v2sf) =	vpush v32, $0xD;
	_ =	sdelay $0xd  }
0xfa: {  	s9 =	spop (v2sf)  }
0xfb: {  	s10 =	spop (v2sf)  }
0xfc: {  	s11 =	sand.u32 $0x7F, s10  }
0xfd: {  	s30 =	sshra.s32 s10, $0x1F;
	p1 =	slt.s32 s10, $0x1;
	p2 =	sne.s32 s11, $0x0  }
0xfe: {  	s30 =	sshrl.u32 s30, $0x19;
	p0 =	por !p1, !p2  }
0xff: {  	s11 =	simm.s32 $0x1;
	s10 =	sadd.s32 s30, s10;
	p0 =	por !p0, !p0  }
0x100: {  	s30 =	sshrl.u32 s9, $0x3;
	s10 =	sshrl.u32 s10, $0x7;
	s11 =	simm.s32 @!p0 $0x0  }
0x101: {  	s30 =	smul.u32 $0xC3800, s30;
	s10 =	ssub.s32 s10, s11  }
0x102: {  	s9 =	sshll.u32 s9, $0x7;
	s10 =	sshll.u32 s10, $0xA  }
0x103: {  	s9 =	sand.u32 $0x380, s9;
	s10 =	sadd.s32 s30, s10  }
0x104: {  	s9 =	sor.u32 s9, s10  }
0x105: {  	s11 =	sadd.s32 $0x680, s26;
	s9 =	sshrl.u32 s9, $0x3  }
0x106: {  	s10 =	sshrl.u32 s11, $0x3;
	s9 =	sadd.s32 s5, s9  }
0x107: {  	[spmem:s10], [sflag:s17] =	dma.local [hbm:s9], $0x10  }
0x108: {  	(v2sf) =	vpush v33, $0xE  }
0x109: {  	(v2sf) =	vpush v32, $0xE;
	_ =	sdelay $0xd  }
0x10a: {  	s9 =	spop (v2sf)  }
0x10b: {  	s10 =	spop (v2sf)  }
0x10c: {  	s11 =	sand.u32 $0x7F, s10  }
0x10d: {  	s30 =	sshra.s32 s10, $0x1F;
	p3 =	slt.s32 s10, $0x1;
	p4 =	sne.s32 s11, $0x0  }
0x10e: {  	s30 =	sshrl.u32 s30, $0x19;
	p0 =	por !p3, !p4  }
0x10f: {  	s11 =	simm.s32 $0x1;
	s10 =	sadd.s32 s30, s10;
	p0 =	por !p0, !p0  }
0x110: {  	s30 =	sshrl.u32 s9, $0x3;
	s10 =	sshrl.u32 s10, $0x7;
	s11 =	simm.s32 @!p0 $0x0  }
0x111: {  	s30 =	smul.u32 $0xC3800, s30;
	s10 =	ssub.s32 s10, s11  }
0x112: {  	s9 =	sshll.u32 s9, $0x7;
	s10 =	sshll.u32 s10, $0xA  }
0x113: {  	s9 =	sand.u32 $0x380, s9;
	s10 =	sadd.s32 s30, s10  }
0x114: {  	s9 =	sor.u32 s9, s10  }
0x115: {  	s11 =	sadd.s32 $0x700, s26;
	s9 =	sshrl.u32 s9, $0x3  }
0x116: {  	s10 =	sshrl.u32 s11, $0x3;
	s9 =	sadd.s32 s5, s9  }
0x117: {  	[spmem:s10], [sflag:s17] =	dma.local [hbm:s9], $0x10  }
0x118: {  	(v2sf) =	vpush v33, $0xF  }
0x119: {  	(v2sf) =	vpush v32, $0xF;
	_ =	sdelay $0xd  }
0x11a: {  	s9 =	spop (v2sf)  }
0x11b: {  	s10 =	spop (v2sf)  }
0x11c: {  	s11 =	sand.u32 $0x7F, s10  }
0x11d: {  	s30 =	sshra.s32 s10, $0x1F;
	p5 =	slt.s32 s10, $0x1;
	p6 =	sne.s32 s11, $0x0  }
0x11e: {  	s30 =	sshrl.u32 s30, $0x19;
	p0 =	por !p5, !p6  }
0x11f: {  	s11 =	simm.s32 $0x1;
	s10 =	sadd.s32 s30, s10;
	p0 =	por !p0, !p0  }
0x120: {  	s30 =	sshrl.u32 s9, $0x3;
	s10 =	sshrl.u32 s10, $0x7;
	s11 =	simm.s32 @!p0 $0x0  }
0x121: {  	s30 =	smul.u32 $0xC3800, s30;
	s10 =	ssub.s32 s10, s11  }
0x122: {  	s9 =	sshll.u32 s9, $0x7;
	p0 =	sne.s32 s25, $0x3E000;
	s10 =	sshll.u32 s10, $0xA  }
.Ltmp0:
0x123: {  	s9 =	sand.u32 $0x380, s9;
	s10 =	sadd.s32 s30, s10;
	(pc) =	sbr.rel @p0 .LBB2_2-.Ltmp0, $4  }
0x124: {  	s24 =	sadd.s32 $0x10, s24;
	s9 =	sor.u32 s9, s10  }
0x125: {  	s23 =	sadd.s32 $0x10, s23;
	s30 =	sadd.s32 $0x780, s26;
	s9 =	sshrl.u32 s9, $0x3  }
0x126: {  	s25 =	sadd.s32 $0x2000, s25;
	s10 =	sshrl.u32 s30, $0x3;
	s9 =	sadd.s32 s5, s9  }
0x127: {  	[spmem:s10], [sflag:s17] =	dma.local [hbm:s9], $0x10  }
0x128: {  	[tilespmem:s19], [sflag:$0x1] =	stream.indirect.gather [hbm4b:s0+s18], $0x1, s8, s18, $0xb8;
	[tilespmem:$0x11000] =	vst v63  }
0x129: {  	_ = 	snop  }
0x12a: {  	[tilespmem:s20], [sflag:$0x1] =	stream.indirect.gather [hbm4b:s1+s18], $0x1, s8, s18, $0xb8;
	[tilespmem:$0x11000] =	vst v63  }
0x12b: {  	_ = 	snop  }
0x12c: {  	[tilespmem:s21], [sflag:$0x1] =	stream.indirect.gather [hbm4b:s3+s18], $0x1, s8, s18, $0xb8;
	[tilespmem:$0x11000] =	vst v63  }
0x12d: {  	_ = 	snop  }
0x12e: {  	[tilespmem:s22], [sflag:$0x1] =	stream.indirect.gather [hbm4b:s4+s18], $0x1, s8, s18, $0xb8;
	[tilespmem:$0x11000] =	vst v63  }
0x12f: {  	s9 =	simm.s32 $0x10680  }
0x130: {  	[tilespmem:s9], [sflag:$0x1] =	stream.indirect.gather [hbm4b:s0+s18], $0x1, s18, s18, $0xb8;
	[tilespmem:$0x11000] =	vst v63  }
0x131: {  	s23 =	simm.s32 $0x10880  }
0x132: {  	[tilespmem:s23], [sflag:$0x1] =	stream.indirect.gather [hbm4b:s1+s18], $0x1, s18, s18, $0xb8;
	[tilespmem:$0x11000] =	vst v63  }
0x133: {  	s24 =	simm.s32 $0x10A80  }
0x134: {  	[tilespmem:s24], [sflag:$0x1] =	stream.indirect.gather [hbm4b:s3+s18], $0x1, s18, s18, $0xb8;
	[tilespmem:$0x11000] =	vst v63  }
0x135: {  	s25 =	simm.s32 $0x10C80  }
0x136: {  	[tilespmem:s25], [sflag:$0x1] =	stream.indirect.gather [hbm4b:s4+s18], $0x1, s18, s18, $0xb8;
	[tilespmem:$0x11000] =	vst v63  }
0x137: {  	s26 =	simm.s32 $0x10700  }
0x138: {  	[tilespmem:s26], [sflag:$0x1] =	stream.indirect.gather [hbm4b:s0+s18], $0x1, s28, s18, $0xb8;
	[tilespmem:$0x11000] =	vst v63  }
0x139: {  	s30 =	simm.s32 $0x10900  }
0x13a: {  	[tilespmem:s30], [sflag:$0x1] =	stream.indirect.gather [hbm4b:s1+s18], $0x1, s28, s18, $0xb8;
	[tilespmem:$0x11000] =	vst v63  }
0x13b: {  	s10 =	simm.s32 $0x10B00  }
0x13c: {  	[tilespmem:s10], [sflag:$0x1] =	stream.indirect.gather [hbm4b:s3+s18], $0x1, s28, s18, $0xb8;
	[tilespmem:$0x11000] =	vst v63  }
0x13d: {  	s11 =	simm.s32 $0x10D00  }
0x13e: {  	[tilespmem:s11], [sflag:$0x1] =	stream.indirect.gather [hbm4b:s4+s18], $0x1, s28, s18, $0xb8;
	[tilespmem:$0x11000] =	vst v63  }
0x13f: {  	s23 =	simm.s32 $0x10780  }
0x140: {  	[tilespmem:s23], [sflag:$0x1] =	stream.indirect.gather [hbm4b:s0+s18], $0x1, s2, s18, $0xb8;
	[tilespmem:$0x11000] =	vst v63  }
0x141: {  	s24 =	simm.s32 $0x10980  }
0x142: {  	v0 =	vld [tilespmem:$0x1FFB0];
	[tilespmem:s24], [sflag:$0x1] =	stream.indirect.gather [hbm4b:s1+s18], $0x1, s2, s18, $0xb8  }
0x143: {  	v63 =	vld [tilespmem:$0x1FFC0];
	s25 =	simm.s32 $0x10B80  }
0x144: {  	v41 =	vld [tilespmem:$0x1FFD0];
	[tilespmem:s25], [sflag:$0x1] =	stream.indirect.gather [hbm4b:s3+s18], $0x1, s2, s18, $0xb8  }
0x145: {  	v45 =	vld [tilespmem:$0x1FFE0];
	s26 =	simm.s32 $0x10D80  }
0x146: {  	v49 =	vld [tilespmem:$0x1FFF0];
	[tilespmem:s26], [sflag:$0x1] =	stream.indirect.gather [hbm4b:s4+s18], $0x1, s2, s18, $0xb8  }
0x147: {  	v32 =	vld [tilespmem:$0x0]  }
0x148: {  	v33 =	vld [tilespmem:$0x10]  }
0x149: {  	v34 =	vld [tilespmem:$0x20]  }
0x14a: {  	v35 =	vld [tilespmem:$0x30]  }
0x14b: {  	v36 =	vld [tilespmem:$0x40]  }
0x14c: {  	v37 =	vld [tilespmem:$0x50];
	v32 =	vand.u32 $0x7F, v32  }
0x14d: {  	v38 =	vld [tilespmem:$0x60];
	v33 =	vand.u32 $0x7F, v33;
	v32 =	vor.u32 v32, v0  }
0x14e: {  	v40 =	vld [tilespmem:$0x70];
	v39 =	vand.u32 $0x7F, v34;
	v2 =	vor.u32 v33, v63;
	[tilespmem:$0x400] =	vst v32  }
0x14f: {  	v44 =	vld [tilespmem:$0x80];
	v43 =	vand.u32 $0x7F, v35;
	v42 =	vor.u32 v39, v41;
	[tilespmem:$0x410] =	vst v2  }
0x150: {  	v48 =	vld [tilespmem:$0x90];
	v47 =	vand.u32 $0x7F, v36;
	v46 =	vor.u32 v43, v45;
	[tilespmem:$0x420] =	vst v42  }
0x151: {  	v58 =	vld [tilespmem:$0xC0];
	v51 =	vand.u32 $0x7F, v37;
	v50 =	vor.u32 v47, v49;
	[tilespmem:$0x430] =	vst v46  }
0x152: {  	v61 =	vld [tilespmem:$0xD0];
	v54 =	vand.u32 $0x7F, v38;
	v53 =	vor.u32 v51, v5;
	[tilespmem:$0x440] =	vst v50  }
0x153: {  	v52 =	vld [tilespmem:$0xA0];
	v57 =	vand.u32 $0x7F, v40;
	v56 =	vor.u32 v54, v6;
	[tilespmem:$0x450] =	vst v53  }
0x154: {  	v55 =	vld [tilespmem:$0xB0];
	v60 =	vand.u32 $0x7F, v44;
	v59 =	vor.u32 v57, v7;
	[tilespmem:$0x460] =	vst v56  }
0x155: {  	v40 =	vld [tilespmem:$0xF0];
	v62 =	vor.u32 v60, v8;
	v63 =	vand.u32 $0x7F, v48;
	[tilespmem:$0x470] =	vst v59  }
0x156: {  	v0 =	vld [tilespmem:$0xE0];
	v45 =	vand.u32 $0x7F, v58;
	[tilespmem:$0x480] =	vst v62;
	v1 =	vor.u32 v63, v9  }
0x157: {  	v43 =	vld [tilespmem:$0x100];
	v48 =	vand.u32 $0x7F, v61;
	v47 =	vor.u32 v45, v12;
	[tilespmem:$0x490] =	vst v1  }
0x158: {  	v49 =	vld [tilespmem:$0x120];
	v2 =	vand.u32 $0x7F, v52;
	v50 =	vor.u32 v48, v13;
	[tilespmem:$0x4C0] =	vst v47  }
0x159: {  	v58 =	vld [tilespmem:$0x150];
	v42 =	vand.u32 $0x7F, v55;
	v41 =	vor.u32 v2, v10;
	[tilespmem:$0x4D0] =	vst v50  }
0x15a: {  	v61 =	vld [tilespmem:$0x160];
	v44 =	vor.u32 v42, v11;
	[tilespmem:$0x4A0] =	vst v41;
	v54 =	vand.u32 $0x7F, v40  }
0x15b: {  	v46 =	vld [tilespmem:$0x110];
	[tilespmem:$0x4B0] =	vst v44;
	v51 =	vand.u32 $0x7F, v0;
	v56 =	vor.u32 v54, v15  }
0x15c: {  	v52 =	vld [tilespmem:$0x130];
	v57 =	vand.u32 $0x7F, v43;
	v53 =	vor.u32 v51, v14;
	[tilespmem:$0x4F0] =	vst v56  }
0x15d: {  	v55 =	vld [tilespmem:$0x140];
	v63 =	vand.u32 $0x7F, v49;
	v59 =	vor.u32 v57, v16;
	[tilespmem:$0x4E0] =	vst v53  }
0x15e: {  	v40 =	vld [tilespmem:$0x180];
	v45 =	vand.u32 $0x7F, v58;
	v1 =	vor.u32 v63, v18;
	[tilespmem:$0x500] =	vst v59  }
0x15f: {  	v0 =	vld [tilespmem:$0x170];
	v48 =	vand.u32 $0x7F, v61;
	v47 =	vor.u32 v45, v21;
	[tilespmem:$0x520] =	vst v1  }
0x160: {  	v43 =	vld [tilespmem:$0x190];
	v60 =	vand.u32 $0x7F, v46;
	v50 =	vor.u32 v48, v22;
	[tilespmem:$0x550] =	vst v47  }
0x161: {  	v49 =	vld [tilespmem:$0x1B0];
	v2 =	vand.u32 $0x7F, v52;
	v62 =	vor.u32 v60, v17;
	[tilespmem:$0x560] =	vst v50  }
0x162: {  	v58 =	vld [tilespmem:$0x1E0];
	v42 =	vand.u32 $0x7F, v55;
	v41 =	vor.u32 v2, v19;
	[tilespmem:$0x510] =	vst v62  }
0x163: {  	v61 =	vld [tilespmem:$0x1F0];
	v44 =	vor.u32 v42, v20;
	[tilespmem:$0x530] =	vst v41;
	v54 =	vand.u32 $0x7F, v40  }
0x164: {  	v46 =	vld [tilespmem:$0x1A0];
	[tilespmem:$0x540] =	vst v44;
	v51 =	vand.u32 $0x7F, v0;
	v56 =	vor.u32 v54, v24  }
0x165: {  	v52 =	vld [tilespmem:$0x1C0];
	v57 =	vand.u32 $0x7F, v43;
	v53 =	vor.u32 v51, v23;
	[tilespmem:$0x580] =	vst v56  }
0x166: {  	v55 =	vld [tilespmem:$0x1D0];
	v63 =	vand.u32 $0x7F, v49;
	v59 =	vor.u32 v57, v25;
	[tilespmem:$0x570] =	vst v53  }
0x167: {  	v41 =	vand.u32 $0x7F, v58;
	v0 =	vor.u32 v63, v27;
	[tilespmem:$0x590] =	vst v59  }
0x168: {  	v43 =	vand.u32 $0x7F, v61;
	v42 =	vor.u32 v41, v30;
	[tilespmem:$0x5B0] =	vst v0  }
0x169: {  	v60 =	vand.u32 $0x7F, v46;
	v44 =	vor.u32 v43, v31;
	[tilespmem:$0x5E0] =	vst v42  }
0x16a: {  	v1 =	vand.u32 $0x7F, v52;
	v62 =	vor.u32 v60, v26;
	[tilespmem:$0x5F0] =	vst v44  }
0x16b: {  	v39 =	vand.u32 $0x7F, v55;
	v2 =	vor.u32 v1, v28;
	[tilespmem:$0x5A0] =	vst v62  }
0x16c: {  	v40 =	vor.u32 v39, v29;
	[tilespmem:$0x5C0] =	vst v2  }
0x16d: {  	[tilespmem:$0x5D0] =	vst v40  }
0x16e: {  	_ =	swait.ge [sflag:s29], $0x2000  }
0x16f: {  	[sflag:s29] =	ssyncset.done $0x0  }
0x170: {  	s30 =	simm.s32 $0x400;
	s10 =	simm.s32 $0x10E00;
	[sflag:s29] =	ssyncadd.s32 $0xFFFFE000  }
0x171: {  	[tilespmem:s10], [sflag:$0x2] =	stream.indirect.gather [spmem:s7], $0x1, s30, s18, $0xb8;
	[tilespmem:$0x11000] =	vst v63  }
0x172: {  	s11 =	simm.s32 $0x10E80;
	s10 =	simm.s32 $0x480  }
0x173: {  	[tilespmem:s11], [sflag:$0x2] =	stream.indirect.gather [spmem:s7], $0x1, s10, s18, $0xb8;
	[tilespmem:$0x11000] =	vst v63  }
0x174: {  	s23 =	simm.s32 $0x500;
	s24 =	simm.s32 $0x10F00  }
0x175: {  	[tilespmem:s24], [sflag:$0x2] =	stream.indirect.gather [spmem:s7], $0x1, s23, s18, $0xb8;
	[tilespmem:$0x11000] =	vst v63  }
0x176: {  	s25 =	simm.s32 $0x580;
	s26 =	simm.s32 $0x10F80  }
0x177: {  	[tilespmem:s26], [sflag:$0x2] =	stream.indirect.gather [spmem:s7], $0x1, s25, s18, $0xb8;
	[tilespmem:$0x11000] =	vst v63  }
0x178: {  	_ =	swait.ge [sflag:s29], $0x80  }
0x179: {  	[sflag:s29] =	ssyncset.done $0x0  }
0x17a: {  	[sflag:s29] =	ssyncadd.s32 $0xFFFFFF80  }
0x17b: {  	_ =	swait.ge [sflag:s29], $0x80  }
0x17c: {  	[sflag:s29] =	ssyncset.done $0x0  }
0x17d: {  	[sflag:s29] =	ssyncadd.s32 $0xFFFFFF80  }
0x17e: {  	_ =	swait.ge [sflag:s29], $0x80  }
0x17f: {  	[sflag:s29] =	ssyncset.done $0x0  }
0x180: {  	[sflag:s29] =	ssyncadd.s32 $0xFFFFFF80  }
0x181: {  	_ =	swait.ge [sflag:s29], $0x80  }
0x182: {  	[sflag:s29] =	ssyncset.done $0x0  }
0x183: {  	[sflag:s29] =	ssyncadd.s32 $0xFFFFFF80  }
0x184: {  	_ =	swait.ge [sflag:s16], $0x80  }
0x185: {  	[sflag:s16] =	ssyncset.done $0x0  }
0x186: {  	[sflag:s16] =	ssyncadd.s32 $0xFFFFFF80  }
0x187: {  	_ =	swait.ge [sflag:s16], $0x80  }
0x188: {  	[sflag:s16] =	ssyncset.done $0x0  }
0x189: {  	[sflag:s16] =	ssyncadd.s32 $0xFFFFFF80  }
0x18a: {  	_ =	swait.ge [sflag:s16], $0x80  }
0x18b: {  	[sflag:s16] =	ssyncset.done $0x0  }
0x18c: {  	[sflag:s16] =	ssyncadd.s32 $0xFFFFFF80  }
0x18d: {  	_ =	swait.ge [sflag:s16], $0x80  }
0x18e: {  	[sflag:s16] =	ssyncset.done $0x0  }
0x18f: {  	[sflag:s16] =	ssyncadd.s32 $0xFFFFFF80  }
0x190: {  	_ =	swait.ge [sflag:s16], $0x80  }
0x191: {  	[sflag:s16] =	ssyncset.done $0x0  }
0x192: {  	[sflag:s16] =	ssyncadd.s32 $0xFFFFFF80  }
0x193: {  	_ =	swait.ge [sflag:s16], $0x80  }
0x194: {  	[sflag:s16] =	ssyncset.done $0x0  }
0x195: {  	[sflag:s16] =	ssyncadd.s32 $0xFFFFFF80  }
0x196: {  	_ =	swait.ge [sflag:s16], $0x80  }
0x197: {  	[sflag:s16] =	ssyncset.done $0x0  }
0x198: {  	[sflag:s16] =	ssyncadd.s32 $0xFFFFFF80  }
0x199: {  	_ =	swait.ge [sflag:s16], $0x80  }
0x19a: {  	[sflag:s16] =	ssyncset.done $0x0  }
0x19b: {  	[sflag:s16] =	ssyncadd.s32 $0xFFFFFF80  }
0x19c: {  	_ =	swait.ge [sflag:s16], $0x80  }
0x19d: {  	[sflag:s16] =	ssyncset.done $0x0  }
0x19e: {  	[sflag:s16] =	ssyncadd.s32 $0xFFFFFF80  }
0x19f: {  	_ =	swait.ge [sflag:s16], $0x80  }
0x1a0: {  	[sflag:s16] =	ssyncset.done $0x0  }
0x1a1: {  	[sflag:s16] =	ssyncadd.s32 $0xFFFFFF80  }
0x1a2: {  	_ =	swait.ge [sflag:s16], $0x80  }
0x1a3: {  	[sflag:s16] =	ssyncset.done $0x0  }
0x1a4: {  	[sflag:s16] =	ssyncadd.s32 $0xFFFFFF80  }
0x1a5: {  	_ =	swait.ge [sflag:s16], $0x80  }
0x1a6: {  	[sflag:s16] =	ssyncset.done $0x0  }
0x1a7: {  	[sflag:s16] =	ssyncadd.s32 $0xFFFFFF80  }
0x1a8: {  	_ =	swait.ge [sflag:s16], $0x80  }
0x1a9: {  	[sflag:s16] =	ssyncset.done $0x0  }
0x1aa: {  	[sflag:s16] =	ssyncadd.s32 $0xFFFFFF80  }
0x1ab: {  	_ =	swait.ge [sflag:s16], $0x80  }
0x1ac: {  	[sflag:s16] =	ssyncset.done $0x0  }
0x1ad: {  	[sflag:s16] =	ssyncadd.s32 $0xFFFFFF80  }
0x1ae: {  	_ =	swait.ge [sflag:s16], $0x80  }
0x1af: {  	[sflag:s16] =	ssyncset.done $0x0  }
0x1b0: {  	[sflag:s16] =	ssyncadd.s32 $0xFFFFFF80  }
0x1b1: {  	_ =	swait.ge [sflag:s16], $0x80  }
0x1b2: {  	[sflag:s16] =	ssyncset.done $0x0  }
0x1b3: {  	[sflag:s16] =	ssyncadd.s32 $0xFFFFFF80  }
0x1b4: {  	v32 =	vld [tilespmem:$0x10C00]  }
0x1b5: {  	v33 =	vld [tilespmem:$0x10E00]  }
0x1b6: {  	v34 =	vld [tilespmem:$0x10C10]  }
0x1b7: {  	v35 =	vld [tilespmem:$0x10E10]  }
0x1b8: {  	v36 =	vld [tilespmem:$0x10C20]  }
0x1b9: {  	v37 =	vld [tilespmem:$0x10E20]  }
0x1ba: {  	v38 =	vld [tilespmem:$0x10C30]  }
0x1bb: {  	v39 =	vld [tilespmem:$0x10E30]  }
0x1bc: {  	v40 =	vld [tilespmem:$0x10C40]  }
0x1bd: {  	v41 =	vld [tilespmem:$0x10E40]  }
0x1be: {  	v42 =	vld [tilespmem:$0x10C50]  }
0x1bf: {  	v43 =	vld [tilespmem:$0x10E50]  }
0x1c0: {  	v44 =	vld [tilespmem:$0x10C60]  }
0x1c1: {  	v45 =	vld [tilespmem:$0x10E60]  }
0x1c2: {  	v46 =	vld [tilespmem:$0x10C70]  }
0x1c3: {  	v47 =	vld [tilespmem:$0x10E70]  }
0x1c4: {  	v48 =	vld [tilespmem:$0x10C80]  }
0x1c5: {  	v49 =	vld [tilespmem:$0x10E80]  }
0x1c6: {  	v50 =	vld [tilespmem:$0x10C90]  }
0x1c7: {  	v51 =	vld [tilespmem:$0x10E90]  }
0x1c8: {  	v52 =	vld [tilespmem:$0x10CA0]  }
0x1c9: {  	v53 =	vld [tilespmem:$0x10EA0]  }
0x1ca: {  	v54 =	vld [tilespmem:$0x10CB0]  }
0x1cb: {  	v55 =	vld [tilespmem:$0x10EB0]  }
0x1cc: {  	v56 =	vld [tilespmem:$0x10CC0]  }
0x1cd: {  	v57 =	vld [tilespmem:$0x10EC0]  }
0x1ce: {  	v58 =	vld [tilespmem:$0x10CD0]  }
0x1cf: {  	v59 =	vld [tilespmem:$0x10ED0]  }
0x1d0: {  	v60 =	vld [tilespmem:$0x10CE0]  }
0x1d1: {  	v61 =	vld [tilespmem:$0x10EE0]  }
0x1d2: {  	v62 =	vld [tilespmem:$0x10CF0]  }
0x1d3: {  	v63 =	vld [tilespmem:$0x10EF0]  }
0x1d4: {  	v0 =	vld [tilespmem:$0x10D00]  }
0x1d5: {  	v1 =	vld [tilespmem:$0x10F00]  }
0x1d6: {  	v2 =	vld [tilespmem:$0x10D10]  }
0x1d7: {  	v3 =	vld [tilespmem:$0x10F10]  }
0x1d8: {  	v4 =	vld [tilespmem:$0x10D20]  }
0x1d9: {  	v32 =	vadd.f32 v33, v32;
	v33 =	vld [tilespmem:$0x10F20]  }
0x1da: {  	v34 =	vadd.f32 v35, v34;
	v35 =	vld [tilespmem:$0x10D30]  }
0x1db: {  	v45 =	vadd.f32 v45, v44;
	v47 =	vadd.f32 v47, v46;
	v44 =	vld [tilespmem:$0x10F70];
	[tilespmem:$0x10C00] =	vst v32  }
0x1dc: {  	v49 =	vadd.f32 v49, v48;
	v50 =	vadd.f32 v51, v50;
	v46 =	vld [tilespmem:$0x10F80];
	[tilespmem:$0x10C10] =	vst v34  }
0x1dd: {  	v51 =	vadd.f32 v53, v52;
	v53 =	vadd.f32 v57, v56;
	v56 =	vld [tilespmem:$0x10F90];
	[tilespmem:$0x10C60] =	vst v45  }
0x1de: {  	v52 =	vadd.f32 v55, v54;
	v54 =	vadd.f32 v59, v58;
	v58 =	vld [tilespmem:$0x10FA0];
	[tilespmem:$0x10C70] =	vst v47  }
0x1df: {  	v2 =	vadd.f32 v3, v2;
	v3 =	vld [tilespmem:$0x10DB0];
	[tilespmem:$0x10C80] =	vst v49  }
0x1e0: {  	v55 =	vadd.f32 v61, v60;
	v61 =	vld [tilespmem:$0x10DC0];
	[tilespmem:$0x10C90] =	vst v50  }
0x1e1: {  	v57 =	vadd.f32 v63, v62;
	v63 =	vld [tilespmem:$0x10FC0];
	[tilespmem:$0x10CA0] =	vst v51  }
0x1e2: {  	v32 =	vadd.f32 v37, v36;
	v36 =	vld [tilespmem:$0x10F30];
	[tilespmem:$0x10CB0] =	vst v52  }
0x1e3: {  	v37 =	vld [tilespmem:$0x10D40];
	[tilespmem:$0x10CC0] =	vst v53  }
0x1e4: {  	v34 =	vadd.f32 v39, v38;
	v38 =	vld [tilespmem:$0x10F40];
	[tilespmem:$0x10CD0] =	vst v54  }
0x1e5: {  	v0 =	vadd.f32 v1, v0;
	v39 =	vld [tilespmem:$0x10D50];
	[tilespmem:$0x10CE0] =	vst v55  }
0x1e6: {  	v45 =	vld [tilespmem:$0x10D80];
	[tilespmem:$0x10CF0] =	vst v57  }
0x1e7: {  	v47 =	vld [tilespmem:$0x10D90];
	[tilespmem:$0x10D00] =	vst v0  }
0x1e8: {  	v49 =	vld [tilespmem:$0x10DA0];
	[tilespmem:$0x10D10] =	vst v2  }
0x1e9: {  	v51 =	vld [tilespmem:$0x10FD0];
	[tilespmem:$0x10C20] =	vst v32;
	v32 =	vadd.f32 v41, v40  }
0x1ea: {  	v53 =	vld [tilespmem:$0x10DE0];
	[tilespmem:$0x10C30] =	vst v34;
	v34 =	vadd.f32 v43, v42  }
0x1eb: {  	v55 =	vld [tilespmem:$0x10FE0];
	v59 =	vadd.f32 v33, v4;
	[tilespmem:$0x10C40] =	vst v32  }
0x1ec: {  	v57 =	vld [tilespmem:$0x10DF0];
	v61 =	vadd.f32 v63, v61;
	[tilespmem:$0x10C50] =	vst v34  }
0x1ed: {  	v40 =	vld [tilespmem:$0x10F50];
	v60 =	vadd.f32 v36, v35;
	[tilespmem:$0x10D20] =	vst v59  }
0x1ee: {  	v41 =	vld [tilespmem:$0x10D60];
	v62 =	vadd.f32 v38, v37;
	[tilespmem:$0x10DC0] =	vst v61  }
0x1ef: {  	v42 =	vld [tilespmem:$0x10F60];
	v54 =	vadd.f32 v46, v45;
	[tilespmem:$0x10D30] =	vst v60  }
0x1f0: {  	v43 =	vld [tilespmem:$0x10D70];
	v56 =	vadd.f32 v56, v47;
	[tilespmem:$0x10D40] =	vst v62  }
0x1f1: {  	v4 =	vld [tilespmem:$0x10FB0];
	v58 =	vadd.f32 v58, v49;
	[tilespmem:$0x10D80] =	vst v54  }
0x1f2: {  	v59 =	vld [tilespmem:$0x10FF0];
	v63 =	vadd.f32 v55, v53;
	[tilespmem:$0x10D90] =	vst v56  }
0x1f3: {  	v39 =	vadd.f32 v40, v39;
	v40 =	vld [tilespmem:$0x10DD0];
	[tilespmem:$0x10DA0] =	vst v58  }
0x1f4: {  	v50 =	vadd.f32 v42, v41;
	[tilespmem:$0x10DE0] =	vst v63  }
0x1f5: {  	v52 =	vadd.f32 v44, v43;
	[tilespmem:$0x10D50] =	vst v39  }
0x1f6: {  	v60 =	vadd.f32 v4, v3;
	[tilespmem:$0x10D60] =	vst v50  }
0x1f7: {  	[tilespmem:$0x10D70] =	vst v52;
	v1 =	vadd.f32 v59, v57  }
0x1f8: {  	[tilespmem:$0x10DB0] =	vst v60;
	v62 =	vadd.f32 v51, v40  }
0x1f9: {  	[tilespmem:$0x10DF0] =	vst v1  }
0x1fa: {  	s30 =	rddreg [dreg:$0xe];
	[tilespmem:$0x10DD0] =	vst v62  }
0x1fb: {  	[hbm4b:s30+s8] =	stream.linear.scatter [tilespmem:s19], [sflag:$0x3], $0x200, $0x38;
	[tilespmem:$0x11000] =	vst v63  }
0x1fc: {  	_ =	swait.ge [sflag:s31], $0x200  }
0x1fd: {  	[sflag:s31] =	ssyncset.done $0x0  }
0x1fe: {  	[sflag:s31] =	ssyncadd.s32 $0xFFFFFE00  }
0x1ff: {  	[hbm4b:s12+s8] =	stream.linear.scatter [tilespmem:s20], [sflag:$0x3], $0x200, $0x38;
	[tilespmem:$0x11000] =	vst v63  }
0x200: {  	_ =	swait.ge [sflag:s31], $0x200  }
0x201: {  	[sflag:s31] =	ssyncset.done $0x0  }
0x202: {  	[sflag:s31] =	ssyncadd.s32 $0xFFFFFE00  }
0x203: {  	[hbm4b:s13+s8] =	stream.linear.scatter [tilespmem:s21], [sflag:$0x3], $0x200, $0x38;
	[tilespmem:$0x11000] =	vst v63  }
0x204: {  	s6 =	sadd.s32 $0x1, s6;
	_ =	swait.ge [sflag:s31], $0x200  }
0x205: {  	p0 =	sne.s32 s6, s15;
	[sflag:s31] =	ssyncset.done $0x0  }
.Ltmp1:
0x206: {  	[sflag:s31] =	ssyncadd.s32 $0xFFFFFE00;
	(pc) =	sbr.rel @p0 .LBB2_1-.Ltmp1, $4  }
0x207: {  	[hbm4b:s14+s8] =	stream.linear.scatter [tilespmem:s22], [sflag:$0x3], $0x200, $0x38;
	[tilespmem:$0x11000] =	vst v63  }
0x208: {  	_ =	swait.ge [sflag:s31], $0x200  }
0x209: {  	[sflag:s31] =	ssyncset.done $0x0  }
0x20a: {  	[sflag:s31] =	ssyncadd.s32 $0xFFFFFE00  }
0x20b: {  	_ =	sfence.sel $0x180000  }
0x20c: {  	[bflag:$0x0] =	sbarrier.arrive $0xFFFF  }
0x20d: {  	_ =	strace $0x90000047  }
0x20e: {  	s0 =	stileid.u32;
	[bflag:$0x2] =	sbarrier.arrive $0xFFFF  }
0x20f: {  	p0 =	sne.s32 s0, $0x0;
	s0 =	rddreg [dreg:$0xa]  }
0x210: {  	s0 =	sadd.s32 @!p0 $0x100000, s0  }
0x211: {  	[sflag:s0] =	ssyncadd.tile.s32 @!p0 $0x1;
	_ =	shalt  }
.Lfunc_end2:
_tile_overlayer_lowered:
.L_overlay_start_2:
0x212: {  	(tag) =	ssettag $0x2  }
0x213: {  	s0 =	rddreg [dreg:$0x0];
	s2 =	stileid.u32  }
0x214: {  	s1 =	rddreg [dreg:$0x1];
	p0 =	sne.s32 s2, $0x0  }
0x215: {  	s3 =	rddreg [dreg:$0x2];
	[bflag:$0x3] =	sbarrier.arrive $0xFFFF;
	s2 =	simm.s32 @!p0 $0x1C03  }
0x216: {  	[timem:s3], [sflag:s2] =	dma.local @!p0 [hbm:s0], s1  }
0x217: {  	s0 =	simm.s32 @!p0 $0x3  }
0x218: {  	_ =	swait.ge @!p0 [sflag:s0], s1  }
0x219: {  	s1 =	ssub.s32 @!p0 $0x0, s1;
	[sflag:s0] =	ssyncset.done @!p0 $0x0  }
0x21a: {  	[sflag:s0] =	ssyncadd.s32 @!p0 s1  }
0x21b: {  	[bflag:$0x3] =	sbarrier.arrive $0xFFFF  }
0x21c: {  	_ =	shalt  }

</sc_bundles>
